<compile_context>
chip_gen: v7x
topology: tpu7x:2x2x1
jax: 0.10.2.dev20260603
libtpu: 0.0.44.dev20260713+nightly
codegen_flags: <defaults>
</compile_context>

<pallas_src>
import jax
import jax.numpy as jnp
from jax import lax
from jax.experimental import pallas as pl
from jax.experimental.pallas import tpu as pltpu
from jax.experimental.pallas import tpu_sc as plsc

_H = 512
_W = 512
_K = 500
_B = 4
_C = 10
_IMG = _H * _W
_Q = _IMG // 4
_BLK = 64
_NB = _Q // _BLK
_NEG = float("-inf")

_GDN = lax.GatherDimensionNumbers(offset_dims=(), collapsed_slice_dims=(0,),
                                  start_index_map=(0,))


def _lane_gather(v, idx):
    return lax.gather(v, idx.reshape(16, 1), _GDN, (1,),
                      mode=lax.GatherScatterMode.PROMISE_IN_BOUNDS)


def _iota():
    return lax.iota(jnp.int32, 16)


def _vmax16(v):
    iota = _iota()
    for s in (1, 2, 4, 8):
        v = jnp.maximum(v, _lane_gather(v, iota ^ s))
    return v


def _vsum16(v):
    iota = _iota()
    for s in (1, 2, 4, 8):
        v = v + _lane_gather(v, iota ^ s)
    return v


def _vmin16(v):
    iota = _iota()
    for s in (1, 2, 4, 8):
        v = jnp.minimum(v, _lane_gather(v, iota ^ s))
    return v


def _nms_scores(x):
    ninf_row = jnp.full((1, _W), _NEG, dtype=x.dtype)
    up = jnp.concatenate([x[1:, :], ninf_row], axis=0)
    dn = jnp.concatenate([ninf_row, x[:-1, :]], axis=0)
    m = jnp.maximum(jnp.maximum(up, dn), x)
    ninf_col = jnp.full((_H, 1), _NEG, dtype=x.dtype)
    lt = jnp.concatenate([m[:, 1:], ninf_col], axis=1)
    rt = jnp.concatenate([ninf_col, m[:, :-1]], axis=1)
    hmax = jnp.maximum(jnp.maximum(lt, rt), m)
    return jnp.where(hmax == x, x, 0.0)


def _nms_kernel(heat_ref, out_ref):
    out_ref[0, :, :] = _nms_scores(heat_ref[0, :, :])


def _spf(s):
    return jnp.zeros((16,), jnp.float32) + s


def _spi(s):
    return jnp.zeros((16,), jnp.int32) + s


def _scal(v):
    iota = _iota()
    return ((v + iota) - iota)[0]


def _fetch(ref, addr):
    ac = (addr // 16) * 16
    chunk = ref[pl.ds(ac, 16)]
    return _lane_gather(chunk, _spi(addr - ac))


def _blend(ref, k, val):
    kc = (k // 16) * 16
    cur = ref[pl.ds(kc, 16)]
    ref[pl.ds(kc, 16)] = jnp.where(_iota() == _spi(k - kc), val, cur)


def _sc_kernel(scores, qvals, qinds, svals, sinds,
               score_o, ind_o, cls_o, ys_o, xs_o,
               qbuf, bmax, outv, outi, mvals, minds, ivals, iinds,
               oscore, oind, ocls, oys, oxs):
    core = lax.axis_index("c")
    sub = lax.axis_index("s")
    iota = _iota()
    zeroi = iota * 0
    negf = zeroi.astype(jnp.float32) + _NEG

    def task(t, _):
        q = sub + 16 * t
        img = core * 20 + q // 4
        quar = q % 4
        pltpu.sync_copy(scores.at[pl.ds(img * _IMG + quar * _Q, _Q)], qbuf)

        def bg(g, _):
            def bb(b, acc):
                def bf(j, m):
                    return jnp.maximum(
                        m, qbuf[pl.ds((g * 16 + b) * _BLK + j * 16, 16)])
                m = _vmax16(lax.fori_loop(0, _BLK // 16, bf, negf))
                return jnp.where(iota == _spi(b), m, acc)
            bmax[pl.ds(g * 16, 16)] = lax.fori_loop(0, 16, bb, negf)
            return 0
        lax.fori_loop(0, _NB // 16, bg, 0)

        def oi(i, _):
            outv[pl.ds(i * 16, 16)] = negf
            outi[pl.ds(i * 16, 16)] = zeroi
            return 0
        lax.fori_loop(0, 512 // 16, oi, 0)

        def sel(k, smax):
            m = _vmax16(smax)
            g = _scal(_vmin16(jnp.where(smax == m, iota, 16)))
            cand = zeroi + _NB
            for cc in range(4):
                ci = bmax[pl.ds(g * 64 + cc * 16, 16)]
                cand = jnp.minimum(
                    cand, jnp.where(ci == m, g * 64 + cc * 16 + iota, _NB))
            blk = _scal(_vmin16(cand))
            bbase = blk * _BLK

            def p3(i, em):
                c = qbuf[pl.ds(bbase + i * 16, 16)]
                return jnp.minimum(em, jnp.where(c == m, i * 16 + iota, _BLK))
            loc = _scal(_vmin16(lax.fori_loop(0, _BLK // 16, p3,
                                              zeroi + _BLK)))
            p = bbase + loc
            _blend(outv, k, m)
            _blend(outi, k, _spi(quar * _Q + p))
            pc = (p // 16) * 16
            w = qbuf[pl.ds(pc, 16)]
            qbuf[pl.ds(pc, 16)] = jnp.where(iota == _spi(p - pc), negf, w)

            def rf(j, nm):
                return jnp.maximum(nm, qbuf[pl.ds(bbase + j * 16, 16)])
            nm = _vmax16(lax.fori_loop(0, _BLK // 16, rf, negf))
            _blend(bmax, blk, nm)
            gm = negf
            for cc in range(4):
                gm = jnp.maximum(gm, bmax[pl.ds(g * 64 + cc * 16, 16)])
            gm = _vmax16(gm)
            return jnp.where(iota == _spi(g), gm, smax)
        def sinit(gg, acc):
            cm = _vmax16(bmax[pl.ds(gg * 16, 16)])
            return jnp.where(iota == _spi(gg // 4), jnp.maximum(acc, cm),
                             acc)
        smax0 = lax.fori_loop(0, _NB // 16, sinit, negf)
        lax.fori_loop(0, _K, sel, smax0)

        row = (core * 80 + q) * 512
        pltpu.sync_copy(outv, qvals.at[pl.ds(row, 512)])
        pltpu.sync_copy(outi, qinds.at[pl.ds(row, 512)])
        return 0
    lax.fori_loop(0, 5, task, 0)
    plsc.subcore_barrier()

    def merge_quarters(img_local):
        rbase = (core * 80 + img_local * 4) * 512
        pltpu.sync_copy(qvals.at[pl.ds(rbase, 2048)],
                        mvals.at[pl.ds(0, 2048)])
        pltpu.sync_copy(qinds.at[pl.ds(rbase, 2048)],
                        minds.at[pl.ds(0, 2048)])
        heads = negf
        for qq in range(4):
            heads = jnp.where(iota == qq, _spf(mvals[pl.ds(qq * 512, 16)][0]),
                              heads)

        def step(k, st):
            heads, ptrs = st
            m = _vmax16(heads)
            qs = _scal(_vmin16(jnp.where(heads == m, iota, 16)))
            a = qs * 512 + _scal(_vsum16(jnp.where(iota == qs, ptrs, 0)))
            _blend(ivals, k, m)
            _blend(iinds, k, _fetch(minds, a))
            heads = jnp.where(iota == _spi(qs), _fetch(mvals, a + 1), heads)
            ptrs = jnp.where(iota == _spi(qs), ptrs + 1, ptrs)
            return heads, ptrs
        lax.fori_loop(0, _K, step, (heads, zeroi))
        srow = (core * 20 + img_local) * 512
        pltpu.sync_copy(ivals, svals.at[pl.ds(srow, 512)])
        pltpu.sync_copy(iinds, sinds.at[pl.ds(srow, 512)])

    def tail(i, _):
        ivals[pl.ds(i * 16, 16)] = negf
        iinds[pl.ds(i * 16, 16)] = zeroi
        return 0
    lax.fori_loop(0, 512 // 16, tail, 0)
    merge_quarters(sub)

    @pl.when(sub < 4)
    def _():
        merge_quarters(16 + sub)

    plsc.subcore_barrier()

    @pl.when(sub < 2)
    def _():
        bat = core * 2 + sub
        rbase = bat * _C * 512
        pltpu.sync_copy(svals.at[pl.ds(rbase, _C * 512)],
                        mvals.at[pl.ds(0, _C * 512)])
        pltpu.sync_copy(sinds.at[pl.ds(rbase, _C * 512)],
                        minds.at[pl.ds(0, _C * 512)])
        heads = negf
        for cc in range(_C):
            heads = jnp.where(iota == cc, _spf(mvals[pl.ds(cc * 512, 16)][0]),
                              heads)

        def step(k, st):
            heads, ptrs = st
            m = _vmax16(heads)
            cs = _scal(_vmin16(jnp.where(heads == m, iota, 16)))
            a = cs * 512 + _scal(_vsum16(jnp.where(iota == cs, ptrs, 0)))
            ind = _fetch(minds, a)
            _blend(oscore, k, m)
            _blend(oind, k, ind)
            _blend(ocls, k, _spi(cs))
            _blend(oys, k, lax.shift_right_logical(ind, 9).astype(jnp.float32))
            _blend(oxs, k, jnp.bitwise_and(ind, _W - 1).astype(jnp.float32))
            heads = jnp.where(iota == _spi(cs), _fetch(mvals, a + 1), heads)
            ptrs = jnp.where(iota == _spi(cs), ptrs + 1, ptrs)
            return heads, ptrs
        lax.fori_loop(0, _K, step, (heads, zeroi))
        ob = pl.ds(bat * 512, 512)
        pltpu.sync_copy(oscore, score_o.at[ob])
        pltpu.sync_copy(oind, ind_o.at[ob])
        pltpu.sync_copy(ocls, cls_o.at[ob])
        pltpu.sync_copy(oys, ys_o.at[ob])
        pltpu.sync_copy(oxs, xs_o.at[ob])


def kernel(heat, K):
    B, C, H, W = heat.shape
    BC = B * C
    heat2 = heat.reshape(BC, H, W)

    scores = pl.pallas_call(
        _nms_kernel,
        grid=(BC,),
        in_specs=[pl.BlockSpec((1, H, W), lambda i: (i, 0, 0))],
        out_specs=pl.BlockSpec((1, H, W), lambda i: (i, 0, 0)),
        out_shape=jax.ShapeDtypeStruct((BC, H, W), jnp.float32),
    )(heat2).reshape(BC * H * W)

    f32, i32 = jnp.float32, jnp.int32
    mesh = plsc.VectorSubcoreMesh(core_axis_name="c", subcore_axis_name="s")
    outs = pl.kernel(
        _sc_kernel, mesh=mesh,
        out_type=[
            jax.ShapeDtypeStruct((160 * 512,), f32),
            jax.ShapeDtypeStruct((160 * 512,), i32),
            jax.ShapeDtypeStruct((BC * 512,), f32),
            jax.ShapeDtypeStruct((BC * 512,), i32),
            jax.ShapeDtypeStruct((B * 512,), f32),
            jax.ShapeDtypeStruct((B * 512,), i32),
            jax.ShapeDtypeStruct((B * 512,), i32),
            jax.ShapeDtypeStruct((B * 512,), f32),
            jax.ShapeDtypeStruct((B * 512,), f32),
        ],
        scratch_types=[
            pltpu.VMEM((_Q,), f32),
            pltpu.VMEM((_NB,), f32),
            pltpu.VMEM((512,), f32),
            pltpu.VMEM((512,), i32),
            pltpu.VMEM((5120,), f32),
            pltpu.VMEM((5120,), i32),
            pltpu.VMEM((512,), f32),
            pltpu.VMEM((512,), i32),
            pltpu.VMEM((512,), f32),
            pltpu.VMEM((512,), i32),
            pltpu.VMEM((512,), i32),
            pltpu.VMEM((512,), f32),
            pltpu.VMEM((512,), f32),
        ],
    )(scores)
    score, ind, cls, ys, xs = outs[4:]

    return (score.reshape(B, 512)[:, :_K], ind.reshape(B, 512)[:, :_K],
            cls.reshape(B, 512)[:, :_K], ys.reshape(B, 512)[:, :_K],
            xs.reshape(B, 512)[:, :_K])

# --- scband reference (transcript-rebuilt; emitter-appended) ---
"""Pipeline reference for scband-center-head-template-8753143349332 (READ-ONLY COPY).

The authoritative reference and input builder live on the scoring server;
editing this copy changes nothing except your own understanding.
"""

import jax, jax.numpy as jnp
import numpy as np
from jax import lax


def setup_inputs(seed: int = 0) -> dict:
    key = jax.random.key(seed)
    heat = jax.random.uniform(key, (4, 10, 512, 512), dtype=jnp.float32)
    return {"heat": heat, "K": 500}


def reference(heat, K):
    # _nms: 3x3 max-pool, stride 1, padding 1; keep only local maxima
    hmax = lax.reduce_window(heat, -jnp.inf, lax.max,
                             (1, 1, 3, 3), (1, 1, 1, 1), 'SAME')
    keep = (hmax == heat).astype(heat.dtype)
    scores = heat * keep

    # _topk: per-class top-K, then global top-K across classes
    B, C, H, W = scores.shape
    K_top = 500
    topk_scores, topk_inds = lax.top_k(scores.reshape(B, C, H * W), K_top)
    topk_inds = topk_inds % (H * W)
    topk_ys = (topk_inds // W).astype(jnp.float32)
    topk_xs = (topk_inds % W).astype(jnp.float32)

    topk_score, topk_ind = lax.top_k(topk_scores.reshape(B, C * K_top), K_top)
    topk_clses = (topk_ind // K).astype(jnp.int32)

    topk_inds_g = jnp.take_along_axis(topk_inds.reshape(B, C * K_top), topk_ind, axis=1)
    topk_ys_g = jnp.take_along_axis(topk_ys.reshape(B, C * K_top), topk_ind, axis=1)
    topk_xs_g = jnp.take_along_axis(topk_xs.reshape(B, C * K_top), topk_ind, axis=1)

    return (topk_score, topk_inds_g, topk_clses, topk_ys_g, topk_xs_g)

if __name__ == "__main__":
    import jax
    _d = setup_inputs()
    print(jax.jit(kernel)(*tuple(_d.values())))

</pallas_src>

<mosaic_0001>
#map = affine_map<(d0, d1) -> (0)>
module attributes {stable_mosaic.version = 14 : i64} {
  func.func @_sc_kernel(%arg0: i32, %arg1: i32, %arg2: memref<10485760xf32, #tpu.memory_space<hbm>>, %arg3: memref<81920xf32, #tpu.memory_space<hbm>>, %arg4: memref<81920xi32, #tpu.memory_space<hbm>>, %arg5: memref<20480xf32, #tpu.memory_space<hbm>>, %arg6: memref<20480xi32, #tpu.memory_space<hbm>>, %arg7: memref<2048xf32, #tpu.memory_space<hbm>>, %arg8: memref<2048xi32, #tpu.memory_space<hbm>>, %arg9: memref<2048xi32, #tpu.memory_space<hbm>>, %arg10: memref<2048xf32, #tpu.memory_space<hbm>>, %arg11: memref<2048xf32, #tpu.memory_space<hbm>>, %arg12: memref<65536xf32, #tpu.memory_space<vmem>>, %arg13: memref<1024xf32, #tpu.memory_space<vmem>>, %arg14: memref<512xf32, #tpu.memory_space<vmem>>, %arg15: memref<512xi32, #tpu.memory_space<vmem>>, %arg16: memref<5120xf32, #tpu.memory_space<vmem>>, %arg17: memref<5120xi32, #tpu.memory_space<vmem>>, %arg18: memref<512xf32, #tpu.memory_space<vmem>>, %arg19: memref<512xi32, #tpu.memory_space<vmem>>, %arg20: memref<512xf32, #tpu.memory_space<vmem>>, %arg21: memref<512xi32, #tpu.memory_space<vmem>>, %arg22: memref<512xi32, #tpu.memory_space<vmem>>, %arg23: memref<512xf32, #tpu.memory_space<vmem>>, %arg24: memref<512xf32, #tpu.memory_space<vmem>>) attributes {dimension_semantics = [#tpu.dimension_semantics<core_parallel>, #tpu.dimension_semantics<subcore_parallel>], iteration_bounds = array<i64: 2, 16>, scalar_prefetch = 0 : i64, scratch_operands = 13 : i64, tpu.core_type = #tpu.core_type<sc_vector_subcore>, window_params = [{transform_indices = #map}, {transform_indices = #map}, {transform_indices = #map}, {transform_indices = #map}, {transform_indices = #map}, {transform_indices = #map}, {transform_indices = #map}, {transform_indices = #map}, {transform_indices = #map}, {transform_indices = #map}]} {
    %iota3A = tpu.iota {dimensions = array<i32: 0>} : vector<16xi32>
    %mul3A = arith.constant 0 : i32
    %mul3A_0 = vector.broadcast %mul3A : i32 to vector<16xi32>
    %mul3A_1 = arith.muli %iota3A, %mul3A_0 : vector<16xi32>
    %convert_element_type3A = arith.sitofp %mul3A_1 : vector<16xi32> to vector<16xf32>
    %add3A = arith.constant 0xFF800000 : f32
    %add3A_2 = vector.broadcast %add3A : f32 to vector<16xf32>
    %add3A_3 = arith.addf %convert_element_type3A, %add3A_2 : vector<16xf32>
    %scan3A = arith.constant 0 : i32
    %scan3A_4 = arith.constant 0 : i32
    %scan3A_5 = arith.constant 5 : i32
    %scan3A_6 = arith.addi %scan3A_4, %scan3A_5 : i32
    %scan3A_7 = arith.constant 1 : i32
    %scan3A_8 = scf.for %scan3A_90 = %scan3A_4 to %scan3A_6 step %scan3A_7 iter_args(%scan3A_91 = %scan3A) -> (i32)  : i32 {
      %mul3A_92 = arith.constant 16 : i32
      %mul3A_93 = arith.muli %mul3A_92, %scan3A_90 : i32
      %add3A_94 = arith.addi %arg1, %mul3A_93 : i32
      %mul3A_95 = arith.constant 20 : i32
      %mul3A_96 = arith.muli %arg0, %mul3A_95 : i32
      %jit3A = arith.constant 4 : i32
      %div3A = arith.divsi %add3A_94, %jit3A : i32
      %sign3A = arith.constant 0 : i32
      %sign3A_97 = arith.cmpi sgt, %add3A_94, %sign3A : i32
      %sign3A_98 = arith.extui %sign3A_97 : i1 to i32
      %sign3A_99 = arith.constant 0 : i32
      %sign3A_100 = arith.cmpi slt, %add3A_94, %sign3A_99 : i32
      %sign3A_101 = arith.extui %sign3A_100 : i1 to i32
      %sign3A_102 = arith.subi %sign3A_98, %sign3A_101 : i32
      %sign3A_103 = arith.constant 0 : i32
      %sign3A_104 = arith.cmpi sgt, %jit3A, %sign3A_103 : i32
      %sign3A_105 = arith.extui %sign3A_104 : i1 to i32
      %sign3A_106 = arith.constant 0 : i32
      %sign3A_107 = arith.cmpi slt, %jit3A, %sign3A_106 : i32
      %sign3A_108 = arith.extui %sign3A_107 : i1 to i32
      %sign3A_109 = arith.subi %sign3A_105, %sign3A_108 : i32
      %ne3A = arith.cmpi ne, %sign3A_102, %sign3A_109 : i32
      %rem3A = arith.remsi %add3A_94, %jit3A : i32
      %ne3A_110 = arith.constant 0 : i32
      %ne3A_111 = arith.cmpi ne, %rem3A, %ne3A_110 : i32
      %and3A = arith.andi %ne3A, %ne3A_111 : i1
      %sub3A = arith.constant 1 : i32
      %sub3A_112 = arith.subi %div3A, %sub3A : i32
      %select_n3A_113 = arith.select %and3A, %sub3A_112, %div3A : i32
      %add3A_114 = arith.addi %mul3A_96, %select_n3A_113 : i32
      %jit3A_115 = arith.constant 4 : i32
      %eq3A_116 = arith.constant 0 : i32
      %eq3A_117 = arith.cmpi eq, %jit3A_115, %eq3A_116 : i32
      %jit3A_118 = arith.constant 1 : i32
      %select_n3A_119 = arith.select %eq3A_117, %jit3A_118, %jit3A_115 : i32
      %rem3A_120 = arith.remsi %add3A_94, %select_n3A_119 : i32
      %ne3A_121 = arith.constant 0 : i32
      %ne3A_122 = arith.cmpi ne, %rem3A_120, %ne3A_121 : i32
      %lt3A_123 = arith.constant 0 : i32
      %lt3A_124 = arith.cmpi slt, %rem3A_120, %lt3A_123 : i32
      %lt3A_125 = arith.constant 0 : i32
      %lt3A_126 = arith.cmpi slt, %select_n3A_119, %lt3A_125 : i32
      %ne3A_127 = arith.xori %lt3A_124, %lt3A_126 : i1
      %and3A_128 = arith.andi %ne3A_127, %ne3A_122 : i1
      %add3A_129 = arith.addi %rem3A_120, %select_n3A_119 : i32
      %select_n3A_130 = arith.select %and3A_128, %add3A_129, %rem3A_120 : i32
      %mul3A_131 = arith.constant 262144 : i32
      %mul3A_132 = arith.muli %add3A_114, %mul3A_131 : i32
      %mul3A_133 = arith.constant 65536 : i32
      %mul3A_134 = arith.muli %select_n3A_130, %mul3A_133 : i32
      %add3A_135 = arith.addi %mul3A_132, %mul3A_134 : i32
      "tpu.region"() ({
        %run_scoped3A = tpu.sem_alloc : memref<!tpu.dma_semaphore, #tpu.memory_space<semaphore_mem>>
        %dma_start3A = tpu.memref_slice %arg2[%add3A_135] : memref<10485760xf32, #tpu.memory_space<hbm>> -> memref<65536xf32, #tpu.memory_space<hbm>>
        %dma_start3A_168 = tpu.memref_slice %arg2[%add3A_135] : memref<10485760xf32, #tpu.memory_space<hbm>> -> memref<65536xf32, #tpu.memory_space<hbm>>
        tpu.enqueue_dma source(%dma_start3A_168 : memref<65536xf32, #tpu.memory_space<hbm>>) target(%arg12 : memref<65536xf32, #tpu.memory_space<vmem>>) target_semaphore(%run_scoped3A : memref<!tpu.dma_semaphore, #tpu.memory_space<semaphore_mem>>)
        %dma_wait3A = tpu.memref_slice %arg2[%add3A_135] : memref<10485760xf32, #tpu.memory_space<hbm>> -> memref<65536xf32, #tpu.memory_space<hbm>>
        %dma_wait3A_169 = tpu.memref_slice %arg2[%add3A_135] : memref<10485760xf32, #tpu.memory_space<hbm>> -> memref<65536xf32, #tpu.memory_space<hbm>>
        tpu.wait_dma2 semaphore(%run_scoped3A : memref<!tpu.dma_semaphore, #tpu.memory_space<semaphore_mem>>) src(%dma_wait3A_169 : memref<65536xf32, #tpu.memory_space<hbm>>) dst(%arg12 : memref<65536xf32, #tpu.memory_space<vmem>>)
        tpu.yield
      }) : () -> ()
      %scan3A_136 = arith.constant 0 : i32
      %scan3A_137 = arith.constant 0 : i32
      %scan3A_138 = arith.constant 64 : i32
      %scan3A_139 = arith.addi %scan3A_137, %scan3A_138 : i32
      %scan3A_140 = arith.constant 1 : i32
      %scan3A_141 = scf.for %scan3A_168 = %scan3A_137 to %scan3A_139 step %scan3A_140 iter_args(%scan3A_169 = %scan3A_136) -> (i32)  : i32 {
        %scan3A_170 = arith.constant 0 : i32
        %scan3A_171 = arith.constant 16 : i32
        %scan3A_172 = arith.addi %scan3A_170, %scan3A_171 : i32
        %scan3A_173 = arith.constant 1 : i32
        %scan3A_174 = scf.for %scan3A_182 = %scan3A_170 to %scan3A_172 step %scan3A_173 iter_args(%scan3A_183 = %add3A_3) -> (vector<16xf32>)  : i32 {
          %scan3A_184 = arith.constant 0 : i32
          %scan3A_185 = arith.constant 4 : i32
          %scan3A_186 = arith.addi %scan3A_184, %scan3A_185 : i32
          %scan3A_187 = arith.constant 1 : i32
          %scan3A_188 = scf.for %scan3A_221 = %scan3A_184 to %scan3A_186 step %scan3A_187 iter_args(%scan3A_222 = %add3A_3) -> (vector<16xf32>)  : i32 {
            %mul3A_223 = arith.constant 16 : i32
            %mul3A_224 = arith.muli %scan3A_168, %mul3A_223 : i32
            %add3A_225 = arith.addi %mul3A_224, %scan3A_182 : i32
            %mul3A_226 = arith.constant 64 : i32
            %mul3A_227 = arith.muli %add3A_225, %mul3A_226 : i32
            %mul3A_228 = arith.constant 16 : i32
            %mul3A_229 = arith.muli %scan3A_221, %mul3A_228 : i32
            %add3A_230 = arith.addi %mul3A_227, %mul3A_229 : i32
            %get3A_231 = arith.index_cast %add3A_230 : i32 to index
            %get3A_232 = tpu.vector_load %arg12[%get3A_231] {strides = array<i32>} : memref<65536xf32, #tpu.memory_space<vmem>>, vector<16xf32>,
            %get3A_233 = vector.shape_cast %get3A_232 : vector<16xf32> to vector<16xf32>
            %max3A_234 = arith.maximumf %scan3A_222, %get3A_233 : vector<16xf32>
            scf.yield %max3A_234 : vector<16xf32>
          }
          %scan3A_189 = arith.constant 4 : i32
          %iota3A_190 = tpu.iota {dimensions = array<i32: 0>} : vector<16xi32>
          %xor3A = arith.constant 1 : i32
          %xor3A_191 = vector.broadcast %xor3A : i32 to vector<16xi32>
          %xor3A_192 = arith.xori %iota3A_190, %xor3A_191 : vector<16xi32>
          %reshape3A = vector.shape_cast %xor3A_192 : vector<16xi32> to vector<16x1xi32>
          %gather3A = vector.shape_cast %reshape3A : vector<16x1xi32> to vector<16xi32>
          %gather3A_193 = tpu.dynamic_gather %scan3A_188[%gather3A] in [0] : vector<16xf32>, vector<16xi32> -> vector<16xf32>
          %max3A = arith.maximumf %scan3A_188, %gather3A_193 : vector<16xf32>
          %xor3A_194 = arith.constant 2 : i32
          %xor3A_195 = vector.broadcast %xor3A_194 : i32 to vector<16xi32>
          %xor3A_196 = arith.xori %iota3A_190, %xor3A_195 : vector<16xi32>
          %reshape3A_197 = vector.shape_cast %xor3A_196 : vector<16xi32> to vector<16x1xi32>
          %gather3A_198 = vector.shape_cast %reshape3A_197 : vector<16x1xi32> to vector<16xi32>
          %gather3A_199 = tpu.dynamic_gather %max3A[%gather3A_198] in [0] : vector<16xf32>, vector<16xi32> -> vector<16xf32>
          %max3A_200 = arith.maximumf %max3A, %gather3A_199 : vector<16xf32>
          %xor3A_201 = arith.constant 4 : i32
          %xor3A_202 = vector.broadcast %xor3A_201 : i32 to vector<16xi32>
          %xor3A_203 = arith.xori %iota3A_190, %xor3A_202 : vector<16xi32>
          %reshape3A_204 = vector.shape_cast %xor3A_203 : vector<16xi32> to vector<16x1xi32>
          %gather3A_205 = vector.shape_cast %reshape3A_204 : vector<16x1xi32> to vector<16xi32>
          %gather3A_206 = tpu.dynamic_gather %max3A_200[%gather3A_205] in [0] : vector<16xf32>, vector<16xi32> -> vector<16xf32>
          %max3A_207 = arith.maximumf %max3A_200, %gather3A_206 : vector<16xf32>
          %xor3A_208 = arith.constant 8 : i32
          %xor3A_209 = vector.broadcast %xor3A_208 : i32 to vector<16xi32>
          %xor3A_210 = arith.xori %iota3A_190, %xor3A_209 : vector<16xi32>
          %reshape3A_211 = vector.shape_cast %xor3A_210 : vector<16xi32> to vector<16x1xi32>
          %gather3A_212 = vector.shape_cast %reshape3A_211 : vector<16x1xi32> to vector<16xi32>
          %gather3A_213 = tpu.dynamic_gather %max3A_207[%gather3A_212] in [0] : vector<16xf32>, vector<16xi32> -> vector<16xf32>
          %max3A_214 = arith.maximumf %max3A_207, %gather3A_213 : vector<16xf32>
          %broadcast_in_dim3A_215 = arith.constant 0 : i32
          %broadcast_in_dim3A_216 = vector.broadcast %broadcast_in_dim3A_215 : i32 to vector<16xi32>
          %add3A_217 = vector.broadcast %scan3A_182 : i32 to vector<16xi32>
          %add3A_218 = arith.addi %broadcast_in_dim3A_216, %add3A_217 : vector<16xi32>
          %eq3A_219 = arith.cmpi eq, %iota3A, %add3A_218 : vector<16xi32>
          %select_n3A_220 = arith.select %eq3A_219, %max3A_214, %scan3A_183 : vector<16xi1>, vector<16xf32>
          scf.yield %select_n3A_220 : vector<16xf32>
        }
        %scan3A_175 = arith.constant 16 : i32
        %mul3A_176 = arith.constant 16 : i32
        %mul3A_177 = arith.muli %scan3A_168, %mul3A_176 : i32
        %swap3A = arith.index_cast %mul3A_177 : i32 to index
        %swap3A_178 = tpu.vector_load %arg13[%swap3A] {strides = array<i32>} : memref<1024xf32, #tpu.memory_space<vmem>>, vector<16xf32>,
        %swap3A_179 = vector.shape_cast %swap3A_178 : vector<16xf32> to vector<16xf32>
        %swap3A_180 = vector.shape_cast %scan3A_174 : vector<16xf32> to vector<16xf32>
        tpu.vector_store %arg13[%swap3A], %swap3A_180 {strides = array<i32>} : memref<1024xf32, #tpu.memory_space<vmem>>, vector<16xf32>,
        %scan3A_181 = arith.constant 0 : i32
        scf.yield %scan3A_181 : i32
      }
      %scan3A_142 = arith.constant 64 : i32
      %scan3A_143 = arith.constant 0 : i32
      %scan3A_144 = arith.constant 0 : i32
      %scan3A_145 = arith.constant 32 : i32
      %scan3A_146 = arith.addi %scan3A_144, %scan3A_145 : i32
      %scan3A_147 = arith.constant 1 : i32
      %scan3A_148 = scf.for %scan3A_168 = %scan3A_144 to %scan3A_146 step %scan3A_147 iter_args(%scan3A_169 = %scan3A_143) -> (i32)  : i32 {
        %mul3A_170 = arith.constant 16 : i32
        %mul3A_171 = arith.muli %scan3A_168, %mul3A_170 : i32
        %swap3A = arith.index_cast %mul3A_171 : i32 to index
        %swap3A_172 = tpu.vector_load %arg14[%swap3A] {strides = array<i32>} : memref<512xf32, #tpu.memory_space<vmem>>, vector<16xf32>,
        %swap3A_173 = vector.shape_cast %swap3A_172 : vector<16xf32> to vector<16xf32>
        %swap3A_174 = vector.shape_cast %add3A_3 : vector<16xf32> to vector<16xf32>
        tpu.vector_store %arg14[%swap3A], %swap3A_174 {strides = array<i32>} : memref<512xf32, #tpu.memory_space<vmem>>, vector<16xf32>,
        %mul3A_175 = arith.constant 16 : i32
        %mul3A_176 = arith.muli %scan3A_168, %mul3A_175 : i32
        %swap3A_177 = arith.index_cast %mul3A_176 : i32 to index
        %swap3A_178 = tpu.vector_load %arg15[%swap3A_177] {strides = array<i32>} : memref<512xi32, #tpu.memory_space<vmem>>, vector<16xi32>,
        %swap3A_179 = vector.shape_cast %swap3A_178 : vector<16xi32> to vector<16xi32>
        %swap3A_180 = vector.shape_cast %mul3A_1 : vector<16xi32> to vector<16xi32>
        tpu.vector_store %arg15[%swap3A_177], %swap3A_180 {strides = array<i32>} : memref<512xi32, #tpu.memory_space<vmem>>, vector<16xi32>,
        %scan3A_181 = arith.constant 0 : i32
        scf.yield %scan3A_181 : i32
      }
      %scan3A_149 = arith.constant 32 : i32
      %scan3A_150 = arith.constant 0 : i32
      %scan3A_151 = arith.constant 64 : i32
      %scan3A_152 = arith.addi %scan3A_150, %scan3A_151 : i32
      %scan3A_153 = arith.constant 1 : i32
      %scan3A_154 = scf.for %scan3A_168 = %scan3A_150 to %scan3A_152 step %scan3A_153 iter_args(%scan3A_169 = %add3A_3) -> (vector<16xf32>)  : i32 {
        %mul3A_170 = arith.constant 16 : i32
        %mul3A_171 = arith.muli %scan3A_168, %mul3A_170 : i32
        %get3A_172 = arith.index_cast %mul3A_171 : i32 to index
        %get3A_173 = tpu.vector_load %arg13[%get3A_172] {strides = array<i32>} : memref<1024xf32, #tpu.memory_space<vmem>>, vector<16xf32>,
        %get3A_174 = vector.shape_cast %get3A_173 : vector<16xf32> to vector<16xf32>
        %iota3A_175 = tpu.iota {dimensions = array<i32: 0>} : vector<16xi32>
        %xor3A = arith.constant 1 : i32
        %xor3A_176 = vector.broadcast %xor3A : i32 to vector<16xi32>
        %xor3A_177 = arith.xori %iota3A_175, %xor3A_176 : vector<16xi32>
        %reshape3A = vector.shape_cast %xor3A_177 : vector<16xi32> to vector<16x1xi32>
        %gather3A = vector.shape_cast %reshape3A : vector<16x1xi32> to vector<16xi32>
        %gather3A_178 = tpu.dynamic_gather %get3A_174[%gather3A] in [0] : vector<16xf32>, vector<16xi32> -> vector<16xf32>
        %max3A = arith.maximumf %get3A_174, %gather3A_178 : vector<16xf32>
        %xor3A_179 = arith.constant 2 : i32
        %xor3A_180 = vector.broadcast %xor3A_179 : i32 to vector<16xi32>
        %xor3A_181 = arith.xori %iota3A_175, %xor3A_180 : vector<16xi32>
        %reshape3A_182 = vector.shape_cast %xor3A_181 : vector<16xi32> to vector<16x1xi32>
        %gather3A_183 = vector.shape_cast %reshape3A_182 : vector<16x1xi32> to vector<16xi32>
        %gather3A_184 = tpu.dynamic_gather %max3A[%gather3A_183] in [0] : vector<16xf32>, vector<16xi32> -> vector<16xf32>
        %max3A_185 = arith.maximumf %max3A, %gather3A_184 : vector<16xf32>
        %xor3A_186 = arith.constant 4 : i32
        %xor3A_187 = vector.broadcast %xor3A_186 : i32 to vector<16xi32>
        %xor3A_188 = arith.xori %iota3A_175, %xor3A_187 : vector<16xi32>
        %reshape3A_189 = vector.shape_cast %xor3A_188 : vector<16xi32> to vector<16x1xi32>
        %gather3A_190 = vector.shape_cast %reshape3A_189 : vector<16x1xi32> to vector<16xi32>
        %gather3A_191 = tpu.dynamic_gather %max3A_185[%gather3A_190] in [0] : vector<16xf32>, vector<16xi32> -> vector<16xf32>
        %max3A_192 = arith.maximumf %max3A_185, %gather3A_191 : vector<16xf32>
        %xor3A_193 = arith.constant 8 : i32
        %xor3A_194 = vector.broadcast %xor3A_193 : i32 to vector<16xi32>
        %xor3A_195 = arith.xori %iota3A_175, %xor3A_194 : vector<16xi32>
        %reshape3A_196 = vector.shape_cast %xor3A_195 : vector<16xi32> to vector<16x1xi32>
        %gather3A_197 = vector.shape_cast %reshape3A_196 : vector<16x1xi32> to vector<16xi32>
        %gather3A_198 = tpu.dynamic_gather %max3A_192[%gather3A_197] in [0] : vector<16xf32>, vector<16xi32> -> vector<16xf32>
        %max3A_199 = arith.maximumf %max3A_192, %gather3A_198 : vector<16xf32>
        %jit3A_200 = arith.constant 4 : i32
        %div3A_201 = arith.divsi %scan3A_168, %jit3A_200 : i32
        %sign3A_202 = arith.constant 0 : i32
        %sign3A_203 = arith.cmpi sgt, %scan3A_168, %sign3A_202 : i32
        %sign3A_204 = arith.extui %sign3A_203 : i1 to i32
        %sign3A_205 = arith.constant 0 : i32
        %sign3A_206 = arith.cmpi slt, %scan3A_168, %sign3A_205 : i32
        %sign3A_207 = arith.extui %sign3A_206 : i1 to i32
        %sign3A_208 = arith.subi %sign3A_204, %sign3A_207 : i32
        %sign3A_209 = arith.constant 0 : i32
        %sign3A_210 = arith.cmpi sgt, %jit3A_200, %sign3A_209 : i32
        %sign3A_211 = arith.extui %sign3A_210 : i1 to i32
        %sign3A_212 = arith.constant 0 : i32
        %sign3A_213 = arith.cmpi slt, %jit3A_200, %sign3A_212 : i32
        %sign3A_214 = arith.extui %sign3A_213 : i1 to i32
        %sign3A_215 = arith.subi %sign3A_211, %sign3A_214 : i32
        %ne3A_216 = arith.cmpi ne, %sign3A_208, %sign3A_215 : i32
        %rem3A_217 = arith.remsi %scan3A_168, %jit3A_200 : i32
        %ne3A_218 = arith.constant 0 : i32
        %ne3A_219 = arith.cmpi ne, %rem3A_217, %ne3A_218 : i32
        %and3A_220 = arith.andi %ne3A_216, %ne3A_219 : i1
        %sub3A_221 = arith.constant 1 : i32
        %sub3A_222 = arith.subi %div3A_201, %sub3A_221 : i32
        %select_n3A_223 = arith.select %and3A_220, %sub3A_222, %div3A_201 : i32
        %broadcast_in_dim3A_224 = arith.constant 0 : i32
        %broadcast_in_dim3A_225 = vector.broadcast %broadcast_in_dim3A_224 : i32 to vector<16xi32>
        %add3A_226 = vector.broadcast %select_n3A_223 : i32 to vector<16xi32>
        %add3A_227 = arith.addi %broadcast_in_dim3A_225, %add3A_226 : vector<16xi32>
        %eq3A_228 = arith.cmpi eq, %iota3A, %add3A_227 : vector<16xi32>
        %max3A_229 = arith.maximumf %scan3A_169, %max3A_199 : vector<16xf32>
        %select_n3A_230 = arith.select %eq3A_228, %max3A_229, %scan3A_169 : vector<16xi1>, vector<16xf32>
        scf.yield %select_n3A_230 : vector<16xf32>
      }
      %scan3A_155 = arith.constant 64 : i32
      %scan3A_156 = arith.constant 0 : i32
      %scan3A_157 = arith.constant 500 : i32
      %scan3A_158 = arith.addi %scan3A_156, %scan3A_157 : i32
      %scan3A_159 = arith.constant 1 : i32
      %scan3A_160 = scf.for %scan3A_168 = %scan3A_156 to %scan3A_158 step %scan3A_159 iter_args(%scan3A_169 = %scan3A_154) -> (vector<16xf32>)  : i32 {
        %iota3A_170 = tpu.iota {dimensions = array<i32: 0>} : vector<16xi32>
        %xor3A = arith.constant 1 : i32
        %xor3A_171 = vector.broadcast %xor3A : i32 to vector<16xi32>
        %xor3A_172 = arith.xori %iota3A_170, %xor3A_171 : vector<16xi32>
        %reshape3A = vector.shape_cast %xor3A_172 : vector<16xi32> to vector<16x1xi32>
        %gather3A = vector.shape_cast %reshape3A : vector<16x1xi32> to vector<16xi32>
        %gather3A_173 = tpu.dynamic_gather %scan3A_169[%gather3A] in [0] : vector<16xf32>, vector<16xi32> -> vector<16xf32>
        %max3A = arith.maximumf %scan3A_169, %gather3A_173 : vector<16xf32>
        %xor3A_174 = arith.constant 2 : i32
        %xor3A_175 = vector.broadcast %xor3A_174 : i32 to vector<16xi32>
        %xor3A_176 = arith.xori %iota3A_170, %xor3A_175 : vector<16xi32>
        %reshape3A_177 = vector.shape_cast %xor3A_176 : vector<16xi32> to vector<16x1xi32>
        %gather3A_178 = vector.shape_cast %reshape3A_177 : vector<16x1xi32> to vector<16xi32>
        %gather3A_179 = tpu.dynamic_gather %max3A[%gather3A_178] in [0] : vector<16xf32>, vector<16xi32> -> vector<16xf32>
        %max3A_180 = arith.maximumf %max3A, %gather3A_179 : vector<16xf32>
        %xor3A_181 = arith.constant 4 : i32
        %xor3A_182 = vector.broadcast %xor3A_181 : i32 to vector<16xi32>
        %xor3A_183 = arith.xori %iota3A_170, %xor3A_182 : vector<16xi32>
        %reshape3A_184 = vector.shape_cast %xor3A_183 : vector<16xi32> to vector<16x1xi32>
        %gather3A_185 = vector.shape_cast %reshape3A_184 : vector<16x1xi32> to vector<16xi32>
        %gather3A_186 = tpu.dynamic_gather %max3A_180[%gather3A_185] in [0] : vector<16xf32>, vector<16xi32> -> vector<16xf32>
        %max3A_187 = arith.maximumf %max3A_180, %gather3A_186 : vector<16xf32>
        %xor3A_188 = arith.constant 8 : i32
        %xor3A_189 = vector.broadcast %xor3A_188 : i32 to vector<16xi32>
        %xor3A_190 = arith.xori %iota3A_170, %xor3A_189 : vector<16xi32>
        %reshape3A_191 = vector.shape_cast %xor3A_190 : vector<16xi32> to vector<16x1xi32>
        %gather3A_192 = vector.shape_cast %reshape3A_191 : vector<16x1xi32> to vector<16xi32>
        %gather3A_193 = tpu.dynamic_gather %max3A_187[%gather3A_192] in [0] : vector<16xf32>, vector<16xi32> -> vector<16xf32>
        %max3A_194 = arith.maximumf %max3A_187, %gather3A_193 : vector<16xf32>
        %eq3A_195 = arith.cmpf oeq, %scan3A_169, %max3A_194 : vector<16xf32>
        %jit3A_196 = arith.constant 16 : i32
        %broadcast_in_dim3A_197 = vector.broadcast %jit3A_196 : i32 to vector<16xi32>
        %select_n3A_198 = arith.select %eq3A_195, %iota3A, %broadcast_in_dim3A_197 : vector<16xi1>, vector<16xi32>
        %iota3A_199 = tpu.iota {dimensions = array<i32: 0>} : vector<16xi32>
        %xor3A_200 = arith.constant 1 : i32
        %xor3A_201 = vector.broadcast %xor3A_200 : i32 to vector<16xi32>
        %xor3A_202 = arith.xori %iota3A_199, %xor3A_201 : vector<16xi32>
        %reshape3A_203 = vector.shape_cast %xor3A_202 : vector<16xi32> to vector<16x1xi32>
        %gather3A_204 = vector.shape_cast %reshape3A_203 : vector<16x1xi32> to vector<16xi32>
        %gather3A_205 = tpu.dynamic_gather %select_n3A_198[%gather3A_204] in [0] : vector<16xi32>, vector<16xi32> -> vector<16xi32>
        %min3A = arith.minsi %select_n3A_198, %gather3A_205 : vector<16xi32>
        %xor3A_206 = arith.constant 2 : i32
        %xor3A_207 = vector.broadcast %xor3A_206 : i32 to vector<16xi32>
        %xor3A_208 = arith.xori %iota3A_199, %xor3A_207 : vector<16xi32>
        %reshape3A_209 = vector.shape_cast %xor3A_208 : vector<16xi32> to vector<16x1xi32>
        %gather3A_210 = vector.shape_cast %reshape3A_209 : vector<16x1xi32> to vector<16xi32>
        %gather3A_211 = tpu.dynamic_gather %min3A[%gather3A_210] in [0] : vector<16xi32>, vector<16xi32> -> vector<16xi32>
        %min3A_212 = arith.minsi %min3A, %gather3A_211 : vector<16xi32>
        %xor3A_213 = arith.constant 4 : i32
        %xor3A_214 = vector.broadcast %xor3A_213 : i32 to vector<16xi32>
        %xor3A_215 = arith.xori %iota3A_199, %xor3A_214 : vector<16xi32>
        %reshape3A_216 = vector.shape_cast %xor3A_215 : vector<16xi32> to vector<16x1xi32>
        %gather3A_217 = vector.shape_cast %reshape3A_216 : vector<16x1xi32> to vector<16xi32>
        %gather3A_218 = tpu.dynamic_gather %min3A_212[%gather3A_217] in [0] : vector<16xi32>, vector<16xi32> -> vector<16xi32>
        %min3A_219 = arith.minsi %min3A_212, %gather3A_218 : vector<16xi32>
        %xor3A_220 = arith.constant 8 : i32
        %xor3A_221 = vector.broadcast %xor3A_220 : i32 to vector<16xi32>
        %xor3A_222 = arith.xori %iota3A_199, %xor3A_221 : vector<16xi32>
        %reshape3A_223 = vector.shape_cast %xor3A_222 : vector<16xi32> to vector<16x1xi32>
        %gather3A_224 = vector.shape_cast %reshape3A_223 : vector<16x1xi32> to vector<16xi32>
        %gather3A_225 = tpu.dynamic_gather %min3A_219[%gather3A_224] in [0] : vector<16xi32>, vector<16xi32> -> vector<16xi32>
        %min3A_226 = arith.minsi %min3A_219, %gather3A_225 : vector<16xi32>
        %iota3A_227 = tpu.iota {dimensions = array<i32: 0>} : vector<16xi32>
        %add3A_228 = arith.addi %min3A_226, %iota3A_227 : vector<16xi32>
        %sub3A_229 = arith.subi %add3A_228, %iota3A_227 : vector<16xi32>
        %slice3A_230 = vector.extract_strided_slice %sub3A_229 {offsets = [0], sizes = [1], strides = [1]} : vector<16xi32> to vector<1xi32>
        %squeeze3A_231 = vector.extract %slice3A_230[0] : i32 from vector<1xi32>
        %add3A_232 = arith.constant 1024 : i32
        %add3A_233 = vector.broadcast %add3A_232 : i32 to vector<16xi32>
        %add3A_234 = arith.addi %mul3A_1, %add3A_233 : vector<16xi32>
        %mul3A_235 = arith.constant 64 : i32
        %mul3A_236 = arith.muli %squeeze3A_231, %mul3A_235 : i32
        %add3A_237 = arith.constant 0 : i32
        %add3A_238 = arith.addi %mul3A_236, %add3A_237 : i32
        %get3A_239 = arith.index_cast %add3A_238 : i32 to index
        %get3A_240 = tpu.vector_load %arg13[%get3A_239] {strides = array<i32>} : memref<1024xf32, #tpu.memory_space<vmem>>, vector<16xf32>,
        %get3A_241 = vector.shape_cast %get3A_240 : vector<16xf32> to vector<16xf32>
        %eq3A_242 = arith.cmpf oeq, %get3A_241, %max3A_194 : vector<16xf32>
        %mul3A_243 = arith.constant 64 : i32
        %mul3A_244 = arith.muli %squeeze3A_231, %mul3A_243 : i32
        %add3A_245 = arith.constant 0 : i32
        %add3A_246 = arith.addi %mul3A_244, %add3A_245 : i32
        %add3A_247 = vector.broadcast %add3A_246 : i32 to vector<16xi32>
        %add3A_248 = arith.addi %add3A_247, %iota3A : vector<16xi32>
        %jit3A_249 = arith.constant 1024 : i32
        %broadcast_in_dim3A_250 = vector.broadcast %jit3A_249 : i32 to vector<16xi32>
        %select_n3A_251 = arith.select %eq3A_242, %add3A_248, %broadcast_in_dim3A_250 : vector<16xi1>, vector<16xi32>
        %min3A_252 = arith.minsi %add3A_234, %select_n3A_251 : vector<16xi32>
        %mul3A_253 = arith.constant 64 : i32
        %mul3A_254 = arith.muli %squeeze3A_231, %mul3A_253 : i32
        %add3A_255 = arith.constant 16 : i32
        %add3A_256 = arith.addi %mul3A_254, %add3A_255 : i32
        %get3A_257 = arith.index_cast %add3A_256 : i32 to index
        %get3A_258 = tpu.vector_load %arg13[%get3A_257] {strides = array<i32>} : memref<1024xf32, #tpu.memory_space<vmem>>, vector<16xf32>,
        %get3A_259 = vector.shape_cast %get3A_258 : vector<16xf32> to vector<16xf32>
        %eq3A_260 = arith.cmpf oeq, %get3A_259, %max3A_194 : vector<16xf32>
        %mul3A_261 = arith.constant 64 : i32
        %mul3A_262 = arith.muli %squeeze3A_231, %mul3A_261 : i32
        %add3A_263 = arith.constant 16 : i32
        %add3A_264 = arith.addi %mul3A_262, %add3A_263 : i32
        %add3A_265 = vector.broadcast %add3A_264 : i32 to vector<16xi32>
        %add3A_266 = arith.addi %add3A_265, %iota3A : vector<16xi32>
        %jit3A_267 = arith.constant 1024 : i32
        %broadcast_in_dim3A_268 = vector.broadcast %jit3A_267 : i32 to vector<16xi32>
        %select_n3A_269 = arith.select %eq3A_260, %add3A_266, %broadcast_in_dim3A_268 : vector<16xi1>, vector<16xi32>
        %min3A_270 = arith.minsi %min3A_252, %select_n3A_269 : vector<16xi32>
        %mul3A_271 = arith.constant 64 : i32
        %mul3A_272 = arith.muli %squeeze3A_231, %mul3A_271 : i32
        %add3A_273 = arith.constant 32 : i32
        %add3A_274 = arith.addi %mul3A_272, %add3A_273 : i32
        %get3A_275 = arith.index_cast %add3A_274 : i32 to index
        %get3A_276 = tpu.vector_load %arg13[%get3A_275] {strides = array<i32>} : memref<1024xf32, #tpu.memory_space<vmem>>, vector<16xf32>,
        %get3A_277 = vector.shape_cast %get3A_276 : vector<16xf32> to vector<16xf32>
        %eq3A_278 = arith.cmpf oeq, %get3A_277, %max3A_194 : vector<16xf32>
        %mul3A_279 = arith.constant 64 : i32
        %mul3A_280 = arith.muli %squeeze3A_231, %mul3A_279 : i32
        %add3A_281 = arith.constant 32 : i32
        %add3A_282 = arith.addi %mul3A_280, %add3A_281 : i32
        %add3A_283 = vector.broadcast %add3A_282 : i32 to vector<16xi32>
        %add3A_284 = arith.addi %add3A_283, %iota3A : vector<16xi32>
        %jit3A_285 = arith.constant 1024 : i32
        %broadcast_in_dim3A_286 = vector.broadcast %jit3A_285 : i32 to vector<16xi32>
        %select_n3A_287 = arith.select %eq3A_278, %add3A_284, %broadcast_in_dim3A_286 : vector<16xi1>, vector<16xi32>
        %min3A_288 = arith.minsi %min3A_270, %select_n3A_287 : vector<16xi32>
        %mul3A_289 = arith.constant 64 : i32
        %mul3A_290 = arith.muli %squeeze3A_231, %mul3A_289 : i32
        %add3A_291 = arith.constant 48 : i32
        %add3A_292 = arith.addi %mul3A_290, %add3A_291 : i32
        %get3A_293 = arith.index_cast %add3A_292 : i32 to index
        %get3A_294 = tpu.vector_load %arg13[%get3A_293] {strides = array<i32>} : memref<1024xf32, #tpu.memory_space<vmem>>, vector<16xf32>,
        %get3A_295 = vector.shape_cast %get3A_294 : vector<16xf32> to vector<16xf32>
        %eq3A_296 = arith.cmpf oeq, %get3A_295, %max3A_194 : vector<16xf32>
        %mul3A_297 = arith.constant 64 : i32
        %mul3A_298 = arith.muli %squeeze3A_231, %mul3A_297 : i32
        %add3A_299 = arith.constant 48 : i32
        %add3A_300 = arith.addi %mul3A_298, %add3A_299 : i32
        %add3A_301 = vector.broadcast %add3A_300 : i32 to vector<16xi32>
        %add3A_302 = arith.addi %add3A_301, %iota3A : vector<16xi32>
        %jit3A_303 = arith.constant 1024 : i32
        %broadcast_in_dim3A_304 = vector.broadcast %jit3A_303 : i32 to vector<16xi32>
        %select_n3A_305 = arith.select %eq3A_296, %add3A_302, %broadcast_in_dim3A_304 : vector<16xi1>, vector<16xi32>
        %min3A_306 = arith.minsi %min3A_288, %select_n3A_305 : vector<16xi32>
        %iota3A_307 = tpu.iota {dimensions = array<i32: 0>} : vector<16xi32>
        %xor3A_308 = arith.constant 1 : i32
        %xor3A_309 = vector.broadcast %xor3A_308 : i32 to vector<16xi32>
        %xor3A_310 = arith.xori %iota3A_307, %xor3A_309 : vector<16xi32>
        %reshape3A_311 = vector.shape_cast %xor3A_310 : vector<16xi32> to vector<16x1xi32>
        %gather3A_312 = vector.shape_cast %reshape3A_311 : vector<16x1xi32> to vector<16xi32>
        %gather3A_313 = tpu.dynamic_gather %min3A_306[%gather3A_312] in [0] : vector<16xi32>, vector<16xi32> -> vector<16xi32>
        %min3A_314 = arith.minsi %min3A_306, %gather3A_313 : vector<16xi32>
        %xor3A_315 = arith.constant 2 : i32
        %xor3A_316 = vector.broadcast %xor3A_315 : i32 to vector<16xi32>
        %xor3A_317 = arith.xori %iota3A_307, %xor3A_316 : vector<16xi32>
        %reshape3A_318 = vector.shape_cast %xor3A_317 : vector<16xi32> to vector<16x1xi32>
        %gather3A_319 = vector.shape_cast %reshape3A_318 : vector<16x1xi32> to vector<16xi32>
        %gather3A_320 = tpu.dynamic_gather %min3A_314[%gather3A_319] in [0] : vector<16xi32>, vector<16xi32> -> vector<16xi32>
        %min3A_321 = arith.minsi %min3A_314, %gather3A_320 : vector<16xi32>
        %xor3A_322 = arith.constant 4 : i32
        %xor3A_323 = vector.broadcast %xor3A_322 : i32 to vector<16xi32>
        %xor3A_324 = arith.xori %iota3A_307, %xor3A_323 : vector<16xi32>
        %reshape3A_325 = vector.shape_cast %xor3A_324 : vector<16xi32> to vector<16x1xi32>
        %gather3A_326 = vector.shape_cast %reshape3A_325 : vector<16x1xi32> to vector<16xi32>
        %gather3A_327 = tpu.dynamic_gather %min3A_321[%gather3A_326] in [0] : vector<16xi32>, vector<16xi32> -> vector<16xi32>
        %min3A_328 = arith.minsi %min3A_321, %gather3A_327 : vector<16xi32>
        %xor3A_329 = arith.constant 8 : i32
        %xor3A_330 = vector.broadcast %xor3A_329 : i32 to vector<16xi32>
        %xor3A_331 = arith.xori %iota3A_307, %xor3A_330 : vector<16xi32>
        %reshape3A_332 = vector.shape_cast %xor3A_331 : vector<16xi32> to vector<16x1xi32>
        %gather3A_333 = vector.shape_cast %reshape3A_332 : vector<16x1xi32> to vector<16xi32>
        %gather3A_334 = tpu.dynamic_gather %min3A_328[%gather3A_333] in [0] : vector<16xi32>, vector<16xi32> -> vector<16xi32>
        %min3A_335 = arith.minsi %min3A_328, %gather3A_334 : vector<16xi32>
        %iota3A_336 = tpu.iota {dimensions = array<i32: 0>} : vector<16xi32>
        %add3A_337 = arith.addi %min3A_335, %iota3A_336 : vector<16xi32>
        %sub3A_338 = arith.subi %add3A_337, %iota3A_336 : vector<16xi32>
        %slice3A_339 = vector.extract_strided_slice %sub3A_338 {offsets = [0], sizes = [1], strides = [1]} : vector<16xi32> to vector<1xi32>
        %squeeze3A_340 = vector.extract %slice3A_339[0] : i32 from vector<1xi32>
        %mul3A_341 = arith.constant 64 : i32
        %mul3A_342 = arith.muli %squeeze3A_340, %mul3A_341 : i32
        %add3A_343 = arith.constant 64 : i32
        %add3A_344 = vector.broadcast %add3A_343 : i32 to vector<16xi32>
        %add3A_345 = arith.addi %mul3A_1, %add3A_344 : vector<16xi32>
        %scan3A_346 = arith.constant 0 : i32
        %scan3A_347 = arith.constant 4 : i32
        %scan3A_348 = arith.addi %scan3A_346, %scan3A_347 : i32
        %scan3A_349 = arith.constant 1 : i32
        %scan3A_350 = scf.for %scan3A_658 = %scan3A_346 to %scan3A_348 step %scan3A_349 iter_args(%scan3A_659 = %add3A_345) -> (vector<16xi32>)  : i32 {
          %mul3A_660 = arith.constant 16 : i32
          %mul3A_661 = arith.muli %scan3A_658, %mul3A_660 : i32
          %add3A_662 = arith.addi %mul3A_342, %mul3A_661 : i32
          %get3A_663 = arith.index_cast %add3A_662 : i32 to index
          %get3A_664 = tpu.vector_load %arg12[%get3A_663] {strides = array<i32>} : memref<65536xf32, #tpu.memory_space<vmem>>, vector<16xf32>,
          %get3A_665 = vector.shape_cast %get3A_664 : vector<16xf32> to vector<16xf32>
          %eq3A_666 = arith.cmpf oeq, %get3A_665, %max3A_194 : vector<16xf32>
          %mul3A_667 = arith.constant 16 : i32
          %mul3A_668 = arith.muli %scan3A_658, %mul3A_667 : i32
          %add3A_669 = vector.broadcast %mul3A_668 : i32 to vector<16xi32>
          %add3A_670 = arith.addi %add3A_669, %iota3A : vector<16xi32>
          %jit3A_671 = arith.constant 64 : i32
          %broadcast_in_dim3A_672 = vector.broadcast %jit3A_671 : i32 to vector<16xi32>
          %select_n3A_673 = arith.select %eq3A_666, %add3A_670, %broadcast_in_dim3A_672 : vector<16xi1>, vector<16xi32>
          %min3A_674 = arith.minsi %scan3A_659, %select_n3A_673 : vector<16xi32>
          scf.yield %min3A_674 : vector<16xi32>
        }
        %scan3A_351 = arith.constant 4 : i32
        %iota3A_352 = tpu.iota {dimensions = array<i32: 0>} : vector<16xi32>
        %xor3A_353 = arith.constant 1 : i32
        %xor3A_354 = vector.broadcast %xor3A_353 : i32 to vector<16xi32>
        %xor3A_355 = arith.xori %iota3A_352, %xor3A_354 : vector<16xi32>
        %reshape3A_356 = vector.shape_cast %xor3A_355 : vector<16xi32> to vector<16x1xi32>
        %gather3A_357 = vector.shape_cast %reshape3A_356 : vector<16x1xi32> to vector<16xi32>
        %gather3A_358 = tpu.dynamic_gather %scan3A_350[%gather3A_357] in [0] : vector<16xi32>, vector<16xi32> -> vector<16xi32>
        %min3A_359 = arith.minsi %scan3A_350, %gather3A_358 : vector<16xi32>
        %xor3A_360 = arith.constant 2 : i32
        %xor3A_361 = vector.broadcast %xor3A_360 : i32 to vector<16xi32>
        %xor3A_362 = arith.xori %iota3A_352, %xor3A_361 : vector<16xi32>
        %reshape3A_363 = vector.shape_cast %xor3A_362 : vector<16xi32> to vector<16x1xi32>
        %gather3A_364 = vector.shape_cast %reshape3A_363 : vector<16x1xi32> to vector<16xi32>
        %gather3A_365 = tpu.dynamic_gather %min3A_359[%gather3A_364] in [0] : vector<16xi32>, vector<16xi32> -> vector<16xi32>
        %min3A_366 = arith.minsi %min3A_359, %gather3A_365 : vector<16xi32>
        %xor3A_367 = arith.constant 4 : i32
        %xor3A_368 = vector.broadcast %xor3A_367 : i32 to vector<16xi32>
        %xor3A_369 = arith.xori %iota3A_352, %xor3A_368 : vector<16xi32>
        %reshape3A_370 = vector.shape_cast %xor3A_369 : vector<16xi32> to vector<16x1xi32>
        %gather3A_371 = vector.shape_cast %reshape3A_370 : vector<16x1xi32> to vector<16xi32>
        %gather3A_372 = tpu.dynamic_gather %min3A_366[%gather3A_371] in [0] : vector<16xi32>, vector<16xi32> -> vector<16xi32>
        %min3A_373 = arith.minsi %min3A_366, %gather3A_372 : vector<16xi32>
        %xor3A_374 = arith.constant 8 : i32
        %xor3A_375 = vector.broadcast %xor3A_374 : i32 to vector<16xi32>
        %xor3A_376 = arith.xori %iota3A_352, %xor3A_375 : vector<16xi32>
        %reshape3A_377 = vector.shape_cast %xor3A_376 : vector<16xi32> to vector<16x1xi32>
        %gather3A_378 = vector.shape_cast %reshape3A_377 : vector<16x1xi32> to vector<16xi32>
        %gather3A_379 = tpu.dynamic_gather %min3A_373[%gather3A_378] in [0] : vector<16xi32>, vector<16xi32> -> vector<16xi32>
        %min3A_380 = arith.minsi %min3A_373, %gather3A_379 : vector<16xi32>
        %iota3A_381 = tpu.iota {dimensions = array<i32: 0>} : vector<16xi32>
        %add3A_382 = arith.addi %min3A_380, %iota3A_381 : vector<16xi32>
        %sub3A_383 = arith.subi %add3A_382, %iota3A_381 : vector<16xi32>
        %slice3A_384 = vector.extract_strided_slice %sub3A_383 {offsets = [0], sizes = [1], strides = [1]} : vector<16xi32> to vector<1xi32>
        %squeeze3A_385 = vector.extract %slice3A_384[0] : i32 from vector<1xi32>
        %add3A_386 = arith.addi %mul3A_342, %squeeze3A_385 : i32
        %jit3A_387 = arith.constant 16 : i32
        %div3A_388 = arith.divsi %scan3A_168, %jit3A_387 : i32
        %sign3A_389 = arith.constant 0 : i32
        %sign3A_390 = arith.cmpi sgt, %scan3A_168, %sign3A_389 : i32
        %sign3A_391 = arith.extui %sign3A_390 : i1 to i32
        %sign3A_392 = arith.constant 0 : i32
        %sign3A_393 = arith.cmpi slt, %scan3A_168, %sign3A_392 : i32
        %sign3A_394 = arith.extui %sign3A_393 : i1 to i32
        %sign3A_395 = arith.subi %sign3A_391, %sign3A_394 : i32
        %sign3A_396 = arith.constant 0 : i32
        %sign3A_397 = arith.cmpi sgt, %jit3A_387, %sign3A_396 : i32
        %sign3A_398 = arith.extui %sign3A_397 : i1 to i32
        %sign3A_399 = arith.constant 0 : i32
        %sign3A_400 = arith.cmpi slt, %jit3A_387, %sign3A_399 : i32
        %sign3A_401 = arith.extui %sign3A_400 : i1 to i32
        %sign3A_402 = arith.subi %sign3A_398, %sign3A_401 : i32
        %ne3A_403 = arith.cmpi ne, %sign3A_395, %sign3A_402 : i32
        %rem3A_404 = arith.remsi %scan3A_168, %jit3A_387 : i32
        %ne3A_405 = arith.constant 0 : i32
        %ne3A_406 = arith.cmpi ne, %rem3A_404, %ne3A_405 : i32
        %and3A_407 = arith.andi %ne3A_403, %ne3A_406 : i1
        %sub3A_408 = arith.constant 1 : i32
        %sub3A_409 = arith.subi %div3A_388, %sub3A_408 : i32
        %select_n3A_410 = arith.select %and3A_407, %sub3A_409, %div3A_388 : i32
        %mul3A_411 = arith.constant 16 : i32
        %mul3A_412 = arith.muli %select_n3A_410, %mul3A_411 : i32
        %get3A_413 = arith.index_cast %mul3A_412 : i32 to index
        %get3A_414 = tpu.vector_load %arg14[%get3A_413] {strides = array<i32>} : memref<512xf32, #tpu.memory_space<vmem>>, vector<16xf32>,
        %get3A_415 = vector.shape_cast %get3A_414 : vector<16xf32> to vector<16xf32>
        %iota3A_416 = tpu.iota {dimensions = array<i32: 0>} : vector<16xi32>
        %sub3A_417 = arith.subi %scan3A_168, %mul3A_412 : i32
        %broadcast_in_dim3A_418 = arith.constant 0 : i32
        %broadcast_in_dim3A_419 = vector.broadcast %broadcast_in_dim3A_418 : i32 to vector<16xi32>
        %add3A_420 = vector.broadcast %sub3A_417 : i32 to vector<16xi32>
        %add3A_421 = arith.addi %broadcast_in_dim3A_419, %add3A_420 : vector<16xi32>
        %eq3A_422 = arith.cmpi eq, %iota3A_416, %add3A_421 : vector<16xi32>
        %select_n3A_423 = arith.select %eq3A_422, %max3A_194, %get3A_415 : vector<16xi1>, vector<16xf32>
        %swap3A = arith.index_cast %mul3A_412 : i32 to index
        %swap3A_424 = tpu.vector_load %arg14[%swap3A] {strides = array<i32>} : memref<512xf32, #tpu.memory_space<vmem>>, vector<16xf32>,
        %swap3A_425 = vector.shape_cast %swap3A_424 : vector<16xf32> to vector<16xf32>
        %swap3A_426 = vector.shape_cast %select_n3A_423 : vector<16xf32> to vector<16xf32>
        tpu.vector_store %arg14[%swap3A], %swap3A_426 {strides = array<i32>} : memref<512xf32, #tpu.memory_space<vmem>>, vector<16xf32>,
        %mul3A_427 = arith.constant 65536 : i32
        %mul3A_428 = arith.muli %select_n3A_130, %mul3A_427 : i32
        %add3A_429 = arith.addi %mul3A_428, %add3A_386 : i32
        %broadcast_in_dim3A_430 = arith.constant 0 : i32
        %broadcast_in_dim3A_431 = vector.broadcast %broadcast_in_dim3A_430 : i32 to vector<16xi32>
        %add3A_432 = vector.broadcast %add3A_429 : i32 to vector<16xi32>
        %add3A_433 = arith.addi %broadcast_in_dim3A_431, %add3A_432 : vector<16xi32>
        %jit3A_434 = arith.constant 16 : i32
        %div3A_435 = arith.divsi %scan3A_168, %jit3A_434 : i32
        %sign3A_436 = arith.constant 0 : i32
        %sign3A_437 = arith.cmpi sgt, %scan3A_168, %sign3A_436 : i32
        %sign3A_438 = arith.extui %sign3A_437 : i1 to i32
        %sign3A_439 = arith.constant 0 : i32
        %sign3A_440 = arith.cmpi slt, %scan3A_168, %sign3A_439 : i32
        %sign3A_441 = arith.extui %sign3A_440 : i1 to i32
        %sign3A_442 = arith.subi %sign3A_438, %sign3A_441 : i32
        %sign3A_443 = arith.constant 0 : i32
        %sign3A_444 = arith.cmpi sgt, %jit3A_434, %sign3A_443 : i32
        %sign3A_445 = arith.extui %sign3A_444 : i1 to i32
        %sign3A_446 = arith.constant 0 : i32
        %sign3A_447 = arith.cmpi slt, %jit3A_434, %sign3A_446 : i32
        %sign3A_448 = arith.extui %sign3A_447 : i1 to i32
        %sign3A_449 = arith.subi %sign3A_445, %sign3A_448 : i32
        %ne3A_450 = arith.cmpi ne, %sign3A_442, %sign3A_449 : i32
        %rem3A_451 = arith.remsi %scan3A_168, %jit3A_434 : i32
        %ne3A_452 = arith.constant 0 : i32
        %ne3A_453 = arith.cmpi ne, %rem3A_451, %ne3A_452 : i32
        %and3A_454 = arith.andi %ne3A_450, %ne3A_453 : i1
        %sub3A_455 = arith.constant 1 : i32
        %sub3A_456 = arith.subi %div3A_435, %sub3A_455 : i32
        %select_n3A_457 = arith.select %and3A_454, %sub3A_456, %div3A_435 : i32
        %mul3A_458 = arith.constant 16 : i32
        %mul3A_459 = arith.muli %select_n3A_457, %mul3A_458 : i32
        %get3A_460 = arith.index_cast %mul3A_459 : i32 to index
        %get3A_461 = tpu.vector_load %arg15[%get3A_460] {strides = array<i32>} : memref<512xi32, #tpu.memory_space<vmem>>, vector<16xi32>,
        %get3A_462 = vector.shape_cast %get3A_461 : vector<16xi32> to vector<16xi32>
        %iota3A_463 = tpu.iota {dimensions = array<i32: 0>} : vector<16xi32>
        %sub3A_464 = arith.subi %scan3A_168, %mul3A_459 : i32
        %broadcast_in_dim3A_465 = arith.constant 0 : i32
        %broadcast_in_dim3A_466 = vector.broadcast %broadcast_in_dim3A_465 : i32 to vector<16xi32>
        %add3A_467 = vector.broadcast %sub3A_464 : i32 to vector<16xi32>
        %add3A_468 = arith.addi %broadcast_in_dim3A_466, %add3A_467 : vector<16xi32>
        %eq3A_469 = arith.cmpi eq, %iota3A_463, %add3A_468 : vector<16xi32>
        %select_n3A_470 = arith.select %eq3A_469, %add3A_433, %get3A_462 : vector<16xi1>, vector<16xi32>
        %swap3A_471 = arith.index_cast %mul3A_459 : i32 to index
        %swap3A_472 = tpu.vector_load %arg15[%swap3A_471] {strides = array<i32>} : memref<512xi32, #tpu.memory_space<vmem>>, vector<16xi32>,
        %swap3A_473 = vector.shape_cast %swap3A_472 : vector<16xi32> to vector<16xi32>
        %swap3A_474 = vector.shape_cast %select_n3A_470 : vector<16xi32> to vector<16xi32>
        tpu.vector_store %arg15[%swap3A_471], %swap3A_474 {strides = array<i32>} : memref<512xi32, #tpu.memory_space<vmem>>, vector<16xi32>,
        %jit3A_475 = arith.constant 16 : i32
        %div3A_476 = arith.divsi %add3A_386, %jit3A_475 : i32
        %sign3A_477 = arith.constant 0 : i32
        %sign3A_478 = arith.cmpi sgt, %add3A_386, %sign3A_477 : i32
        %sign3A_479 = arith.extui %sign3A_478 : i1 to i32
        %sign3A_480 = arith.constant 0 : i32
        %sign3A_481 = arith.cmpi slt, %add3A_386, %sign3A_480 : i32
        %sign3A_482 = arith.extui %sign3A_481 : i1 to i32
        %sign3A_483 = arith.subi %sign3A_479, %sign3A_482 : i32
        %sign3A_484 = arith.constant 0 : i32
        %sign3A_485 = arith.cmpi sgt, %jit3A_475, %sign3A_484 : i32
        %sign3A_486 = arith.extui %sign3A_485 : i1 to i32
        %sign3A_487 = arith.constant 0 : i32
        %sign3A_488 = arith.cmpi slt, %jit3A_475, %sign3A_487 : i32
        %sign3A_489 = arith.extui %sign3A_488 : i1 to i32
        %sign3A_490 = arith.subi %sign3A_486, %sign3A_489 : i32
        %ne3A_491 = arith.cmpi ne, %sign3A_483, %sign3A_490 : i32
        %rem3A_492 = arith.remsi %add3A_386, %jit3A_475 : i32
        %ne3A_493 = arith.constant 0 : i32
        %ne3A_494 = arith.cmpi ne, %rem3A_492, %ne3A_493 : i32
        %and3A_495 = arith.andi %ne3A_491, %ne3A_494 : i1
        %sub3A_496 = arith.constant 1 : i32
        %sub3A_497 = arith.subi %div3A_476, %sub3A_496 : i32
        %select_n3A_498 = arith.select %and3A_495, %sub3A_497, %div3A_476 : i32
        %mul3A_499 = arith.constant 16 : i32
        %mul3A_500 = arith.muli %select_n3A_498, %mul3A_499 : i32
        %get3A_501 = arith.index_cast %mul3A_500 : i32 to index
        %get3A_502 = tpu.vector_load %arg12[%get3A_501] {strides = array<i32>} : memref<65536xf32, #tpu.memory_space<vmem>>, vector<16xf32>,
        %get3A_503 = vector.shape_cast %get3A_502 : vector<16xf32> to vector<16xf32>
        %sub3A_504 = arith.subi %add3A_386, %mul3A_500 : i32
        %broadcast_in_dim3A_505 = arith.constant 0 : i32
        %broadcast_in_dim3A_506 = vector.broadcast %broadcast_in_dim3A_505 : i32 to vector<16xi32>
        %add3A_507 = vector.broadcast %sub3A_504 : i32 to vector<16xi32>
        %add3A_508 = arith.addi %broadcast_in_dim3A_506, %add3A_507 : vector<16xi32>
        %eq3A_509 = arith.cmpi eq, %iota3A, %add3A_508 : vector<16xi32>
        %select_n3A_510 = arith.select %eq3A_509, %add3A_3, %get3A_503 : vector<16xi1>, vector<16xf32>
        %swap3A_511 = arith.index_cast %mul3A_500 : i32 to index
        %swap3A_512 = tpu.vector_load %arg12[%swap3A_511] {strides = array<i32>} : memref<65536xf32, #tpu.memory_space<vmem>>, vector<16xf32>,
        %swap3A_513 = vector.shape_cast %swap3A_512 : vector<16xf32> to vector<16xf32>
        %swap3A_514 = vector.shape_cast %select_n3A_510 : vector<16xf32> to vector<16xf32>
        tpu.vector_store %arg12[%swap3A_511], %swap3A_514 {strides = array<i32>} : memref<65536xf32, #tpu.memory_space<vmem>>, vector<16xf32>,
        %scan3A_515 = arith.constant 0 : i32
        %scan3A_516 = arith.constant 4 : i32
        %scan3A_517 = arith.addi %scan3A_515, %scan3A_516 : i32
        %scan3A_518 = arith.constant 1 : i32
        %scan3A_519 = scf.for %scan3A_658 = %scan3A_515 to %scan3A_517 step %scan3A_518 iter_args(%scan3A_659 = %add3A_3) -> (vector<16xf32>)  : i32 {
          %mul3A_660 = arith.constant 16 : i32
          %mul3A_661 = arith.muli %scan3A_658, %mul3A_660 : i32
          %add3A_662 = arith.addi %mul3A_342, %mul3A_661 : i32
          %get3A_663 = arith.index_cast %add3A_662 : i32 to index
          %get3A_664 = tpu.vector_load %arg12[%get3A_663] {strides = array<i32>} : memref<65536xf32, #tpu.memory_space<vmem>>, vector<16xf32>,
          %get3A_665 = vector.shape_cast %get3A_664 : vector<16xf32> to vector<16xf32>
          %max3A_666 = arith.maximumf %scan3A_659, %get3A_665 : vector<16xf32>
          scf.yield %max3A_666 : vector<16xf32>
        }
        %scan3A_520 = arith.constant 4 : i32
        %iota3A_521 = tpu.iota {dimensions = array<i32: 0>} : vector<16xi32>
        %xor3A_522 = arith.constant 1 : i32
        %xor3A_523 = vector.broadcast %xor3A_522 : i32 to vector<16xi32>
        %xor3A_524 = arith.xori %iota3A_521, %xor3A_523 : vector<16xi32>
        %reshape3A_525 = vector.shape_cast %xor3A_524 : vector<16xi32> to vector<16x1xi32>
        %gather3A_526 = vector.shape_cast %reshape3A_525 : vector<16x1xi32> to vector<16xi32>
        %gather3A_527 = tpu.dynamic_gather %scan3A_519[%gather3A_526] in [0] : vector<16xf32>, vector<16xi32> -> vector<16xf32>
        %max3A_528 = arith.maximumf %scan3A_519, %gather3A_527 : vector<16xf32>
        %xor3A_529 = arith.constant 2 : i32
        %xor3A_530 = vector.broadcast %xor3A_529 : i32 to vector<16xi32>
        %xor3A_531 = arith.xori %iota3A_521, %xor3A_530 : vector<16xi32>
        %reshape3A_532 = vector.shape_cast %xor3A_531 : vector<16xi32> to vector<16x1xi32>
        %gather3A_533 = vector.shape_cast %reshape3A_532 : vector<16x1xi32> to vector<16xi32>
        %gather3A_534 = tpu.dynamic_gather %max3A_528[%gather3A_533] in [0] : vector<16xf32>, vector<16xi32> -> vector<16xf32>
        %max3A_535 = arith.maximumf %max3A_528, %gather3A_534 : vector<16xf32>
        %xor3A_536 = arith.constant 4 : i32
        %xor3A_537 = vector.broadcast %xor3A_536 : i32 to vector<16xi32>
        %xor3A_538 = arith.xori %iota3A_521, %xor3A_537 : vector<16xi32>
        %reshape3A_539 = vector.shape_cast %xor3A_538 : vector<16xi32> to vector<16x1xi32>
        %gather3A_540 = vector.shape_cast %reshape3A_539 : vector<16x1xi32> to vector<16xi32>
        %gather3A_541 = tpu.dynamic_gather %max3A_535[%gather3A_540] in [0] : vector<16xf32>, vector<16xi32> -> vector<16xf32>
        %max3A_542 = arith.maximumf %max3A_535, %gather3A_541 : vector<16xf32>
        %xor3A_543 = arith.constant 8 : i32
        %xor3A_544 = vector.broadcast %xor3A_543 : i32 to vector<16xi32>
        %xor3A_545 = arith.xori %iota3A_521, %xor3A_544 : vector<16xi32>
        %reshape3A_546 = vector.shape_cast %xor3A_545 : vector<16xi32> to vector<16x1xi32>
        %gather3A_547 = vector.shape_cast %reshape3A_546 : vector<16x1xi32> to vector<16xi32>
        %gather3A_548 = tpu.dynamic_gather %max3A_542[%gather3A_547] in [0] : vector<16xf32>, vector<16xi32> -> vector<16xf32>
        %max3A_549 = arith.maximumf %max3A_542, %gather3A_548 : vector<16xf32>
        %jit3A_550 = arith.constant 16 : i32
        %div3A_551 = arith.divsi %squeeze3A_340, %jit3A_550 : i32
        %sign3A_552 = arith.constant 0 : i32
        %sign3A_553 = arith.cmpi sgt, %squeeze3A_340, %sign3A_552 : i32
        %sign3A_554 = arith.extui %sign3A_553 : i1 to i32
        %sign3A_555 = arith.constant 0 : i32
        %sign3A_556 = arith.cmpi slt, %squeeze3A_340, %sign3A_555 : i32
        %sign3A_557 = arith.extui %sign3A_556 : i1 to i32
        %sign3A_558 = arith.subi %sign3A_554, %sign3A_557 : i32
        %sign3A_559 = arith.constant 0 : i32
        %sign3A_560 = arith.cmpi sgt, %jit3A_550, %sign3A_559 : i32
        %sign3A_561 = arith.extui %sign3A_560 : i1 to i32
        %sign3A_562 = arith.constant 0 : i32
        %sign3A_563 = arith.cmpi slt, %jit3A_550, %sign3A_562 : i32
        %sign3A_564 = arith.extui %sign3A_563 : i1 to i32
        %sign3A_565 = arith.subi %sign3A_561, %sign3A_564 : i32
        %ne3A_566 = arith.cmpi ne, %sign3A_558, %sign3A_565 : i32
        %rem3A_567 = arith.remsi %squeeze3A_340, %jit3A_550 : i32
        %ne3A_568 = arith.constant 0 : i32
        %ne3A_569 = arith.cmpi ne, %rem3A_567, %ne3A_568 : i32
        %and3A_570 = arith.andi %ne3A_566, %ne3A_569 : i1
        %sub3A_571 = arith.constant 1 : i32
        %sub3A_572 = arith.subi %div3A_551, %sub3A_571 : i32
        %select_n3A_573 = arith.select %and3A_570, %sub3A_572, %div3A_551 : i32
        %mul3A_574 = arith.constant 16 : i32
        %mul3A_575 = arith.muli %select_n3A_573, %mul3A_574 : i32
        %get3A_576 = arith.index_cast %mul3A_575 : i32 to index
        %get3A_577 = tpu.vector_load %arg13[%get3A_576] {strides = array<i32>} : memref<1024xf32, #tpu.memory_space<vmem>>, vector<16xf32>,
        %get3A_578 = vector.shape_cast %get3A_577 : vector<16xf32> to vector<16xf32>
        %iota3A_579 = tpu.iota {dimensions = array<i32: 0>} : vector<16xi32>
        %sub3A_580 = arith.subi %squeeze3A_340, %mul3A_575 : i32
        %broadcast_in_dim3A_581 = arith.constant 0 : i32
        %broadcast_in_dim3A_582 = vector.broadcast %broadcast_in_dim3A_581 : i32 to vector<16xi32>
        %add3A_583 = vector.broadcast %sub3A_580 : i32 to vector<16xi32>
        %add3A_584 = arith.addi %broadcast_in_dim3A_582, %add3A_583 : vector<16xi32>
        %eq3A_585 = arith.cmpi eq, %iota3A_579, %add3A_584 : vector<16xi32>
        %select_n3A_586 = arith.select %eq3A_585, %max3A_549, %get3A_578 : vector<16xi1>, vector<16xf32>
        %swap3A_587 = arith.index_cast %mul3A_575 : i32 to index
        %swap3A_588 = tpu.vector_load %arg13[%swap3A_587] {strides = array<i32>} : memref<1024xf32, #tpu.memory_space<vmem>>, vector<16xf32>,
        %swap3A_589 = vector.shape_cast %swap3A_588 : vector<16xf32> to vector<16xf32>
        %swap3A_590 = vector.shape_cast %select_n3A_586 : vector<16xf32> to vector<16xf32>
        tpu.vector_store %arg13[%swap3A_587], %swap3A_590 {strides = array<i32>} : memref<1024xf32, #tpu.memory_space<vmem>>, vector<16xf32>,
        %mul3A_591 = arith.constant 64 : i32
        %mul3A_592 = arith.muli %squeeze3A_231, %mul3A_591 : i32
        %add3A_593 = arith.constant 0 : i32
        %add3A_594 = arith.addi %mul3A_592, %add3A_593 : i32
        %get3A_595 = arith.index_cast %add3A_594 : i32 to index
        %get3A_596 = tpu.vector_load %arg13[%get3A_595] {strides = array<i32>} : memref<1024xf32, #tpu.memory_space<vmem>>, vector<16xf32>,
        %get3A_597 = vector.shape_cast %get3A_596 : vector<16xf32> to vector<16xf32>
        %max3A_598 = arith.maximumf %add3A_3, %get3A_597 : vector<16xf32>
        %mul3A_599 = arith.constant 64 : i32
        %mul3A_600 = arith.muli %squeeze3A_231, %mul3A_599 : i32
        %add3A_601 = arith.constant 16 : i32
        %add3A_602 = arith.addi %mul3A_600, %add3A_601 : i32
        %get3A_603 = arith.index_cast %add3A_602 : i32 to index
        %get3A_604 = tpu.vector_load %arg13[%get3A_603] {strides = array<i32>} : memref<1024xf32, #tpu.memory_space<vmem>>, vector<16xf32>,
        %get3A_605 = vector.shape_cast %get3A_604 : vector<16xf32> to vector<16xf32>
        %max3A_606 = arith.maximumf %max3A_598, %get3A_605 : vector<16xf32>
        %mul3A_607 = arith.constant 64 : i32
        %mul3A_608 = arith.muli %squeeze3A_231, %mul3A_607 : i32
        %add3A_609 = arith.constant 32 : i32
        %add3A_610 = arith.addi %mul3A_608, %add3A_609 : i32
        %get3A_611 = arith.index_cast %add3A_610 : i32 to index
        %get3A_612 = tpu.vector_load %arg13[%get3A_611] {strides = array<i32>} : memref<1024xf32, #tpu.memory_space<vmem>>, vector<16xf32>,
        %get3A_613 = vector.shape_cast %get3A_612 : vector<16xf32> to vector<16xf32>
        %max3A_614 = arith.maximumf %max3A_606, %get3A_613 : vector<16xf32>
        %mul3A_615 = arith.constant 64 : i32
        %mul3A_616 = arith.muli %squeeze3A_231, %mul3A_615 : i32
        %add3A_617 = arith.constant 48 : i32
        %add3A_618 = arith.addi %mul3A_616, %add3A_617 : i32
        %get3A_619 = arith.index_cast %add3A_618 : i32 to index
        %get3A_620 = tpu.vector_load %arg13[%get3A_619] {strides = array<i32>} : memref<1024xf32, #tpu.memory_space<vmem>>, vector<16xf32>,
        %get3A_621 = vector.shape_cast %get3A_620 : vector<16xf32> to vector<16xf32>
        %max3A_622 = arith.maximumf %max3A_614, %get3A_621 : vector<16xf32>
        %iota3A_623 = tpu.iota {dimensions = array<i32: 0>} : vector<16xi32>
        %xor3A_624 = arith.constant 1 : i32
        %xor3A_625 = vector.broadcast %xor3A_624 : i32 to vector<16xi32>
        %xor3A_626 = arith.xori %iota3A_623, %xor3A_625 : vector<16xi32>
        %reshape3A_627 = vector.shape_cast %xor3A_626 : vector<16xi32> to vector<16x1xi32>
        %gather3A_628 = vector.shape_cast %reshape3A_627 : vector<16x1xi32> to vector<16xi32>
        %gather3A_629 = tpu.dynamic_gather %max3A_622[%gather3A_628] in [0] : vector<16xf32>, vector<16xi32> -> vector<16xf32>
        %max3A_630 = arith.maximumf %max3A_622, %gather3A_629 : vector<16xf32>
        %xor3A_631 = arith.constant 2 : i32
        %xor3A_632 = vector.broadcast %xor3A_631 : i32 to vector<16xi32>
        %xor3A_633 = arith.xori %iota3A_623, %xor3A_632 : vector<16xi32>
        %reshape3A_634 = vector.shape_cast %xor3A_633 : vector<16xi32> to vector<16x1xi32>
        %gather3A_635 = vector.shape_cast %reshape3A_634 : vector<16x1xi32> to vector<16xi32>
        %gather3A_636 = tpu.dynamic_gather %max3A_630[%gather3A_635] in [0] : vector<16xf32>, vector<16xi32> -> vector<16xf32>
        %max3A_637 = arith.maximumf %max3A_630, %gather3A_636 : vector<16xf32>
        %xor3A_638 = arith.constant 4 : i32
        %xor3A_639 = vector.broadcast %xor3A_638 : i32 to vector<16xi32>
        %xor3A_640 = arith.xori %iota3A_623, %xor3A_639 : vector<16xi32>
        %reshape3A_641 = vector.shape_cast %xor3A_640 : vector<16xi32> to vector<16x1xi32>
        %gather3A_642 = vector.shape_cast %reshape3A_641 : vector<16x1xi32> to vector<16xi32>
        %gather3A_643 = tpu.dynamic_gather %max3A_637[%gather3A_642] in [0] : vector<16xf32>, vector<16xi32> -> vector<16xf32>
        %max3A_644 = arith.maximumf %max3A_637, %gather3A_643 : vector<16xf32>
        %xor3A_645 = arith.constant 8 : i32
        %xor3A_646 = vector.broadcast %xor3A_645 : i32 to vector<16xi32>
        %xor3A_647 = arith.xori %iota3A_623, %xor3A_646 : vector<16xi32>
        %reshape3A_648 = vector.shape_cast %xor3A_647 : vector<16xi32> to vector<16x1xi32>
        %gather3A_649 = vector.shape_cast %reshape3A_648 : vector<16x1xi32> to vector<16xi32>
        %gather3A_650 = tpu.dynamic_gather %max3A_644[%gather3A_649] in [0] : vector<16xf32>, vector<16xi32> -> vector<16xf32>
        %max3A_651 = arith.maximumf %max3A_644, %gather3A_650 : vector<16xf32>
        %broadcast_in_dim3A_652 = arith.constant 0 : i32
        %broadcast_in_dim3A_653 = vector.broadcast %broadcast_in_dim3A_652 : i32 to vector<16xi32>
        %add3A_654 = vector.broadcast %squeeze3A_231 : i32 to vector<16xi32>
        %add3A_655 = arith.addi %broadcast_in_dim3A_653, %add3A_654 : vector<16xi32>
        %eq3A_656 = arith.cmpi eq, %iota3A, %add3A_655 : vector<16xi32>
        %select_n3A_657 = arith.select %eq3A_656, %max3A_651, %scan3A_169 : vector<16xi1>, vector<16xf32>
        scf.yield %select_n3A_657 : vector<16xf32>
      }
      %scan3A_161 = arith.constant 500 : i32
      %mul3A_162 = arith.constant 80 : i32
      %mul3A_163 = arith.muli %arg0, %mul3A_162 : i32
      %add3A_164 = arith.addi %mul3A_163, %add3A_94 : i32
      %mul3A_165 = arith.constant 512 : i32
      %mul3A_166 = arith.muli %add3A_164, %mul3A_165 : i32
      "tpu.region"() ({
        %run_scoped3A = tpu.sem_alloc : memref<!tpu.dma_semaphore, #tpu.memory_space<semaphore_mem>>
        %dma_start3A = tpu.memref_slice %arg3[%mul3A_166] : memref<81920xf32, #tpu.memory_space<hbm>> -> memref<512xf32, #tpu.memory_space<hbm>>
        %dma_start3A_168 = tpu.memref_slice %arg3[%mul3A_166] : memref<81920xf32, #tpu.memory_space<hbm>> -> memref<512xf32, #tpu.memory_space<hbm>>
        tpu.enqueue_dma source(%arg14 : memref<512xf32, #tpu.memory_space<vmem>>) target(%dma_start3A_168 : memref<512xf32, #tpu.memory_space<hbm>>) target_semaphore(%run_scoped3A : memref<!tpu.dma_semaphore, #tpu.memory_space<semaphore_mem>>)
        %dma_wait3A = tpu.memref_slice %arg3[%mul3A_166] : memref<81920xf32, #tpu.memory_space<hbm>> -> memref<512xf32, #tpu.memory_space<hbm>>
        %dma_wait3A_169 = tpu.memref_slice %arg3[%mul3A_166] : memref<81920xf32, #tpu.memory_space<hbm>> -> memref<512xf32, #tpu.memory_space<hbm>>
        tpu.wait_dma2 semaphore(%run_scoped3A : memref<!tpu.dma_semaphore, #tpu.memory_space<semaphore_mem>>) src(%arg14 : memref<512xf32, #tpu.memory_space<vmem>>) dst(%dma_wait3A_169 : memref<512xf32, #tpu.memory_space<hbm>>)
        tpu.yield
      }) : () -> ()
      "tpu.region"() ({
        %run_scoped3A = tpu.sem_alloc : memref<!tpu.dma_semaphore, #tpu.memory_space<semaphore_mem>>
        %dma_start3A = tpu.memref_slice %arg4[%mul3A_166] : memref<81920xi32, #tpu.memory_space<hbm>> -> memref<512xi32, #tpu.memory_space<hbm>>
        %dma_start3A_168 = tpu.memref_slice %arg4[%mul3A_166] : memref<81920xi32, #tpu.memory_space<hbm>> -> memref<512xi32, #tpu.memory_space<hbm>>
        tpu.enqueue_dma source(%arg15 : memref<512xi32, #tpu.memory_space<vmem>>) target(%dma_start3A_168 : memref<512xi32, #tpu.memory_space<hbm>>) target_semaphore(%run_scoped3A : memref<!tpu.dma_semaphore, #tpu.memory_space<semaphore_mem>>)
        %dma_wait3A = tpu.memref_slice %arg4[%mul3A_166] : memref<81920xi32, #tpu.memory_space<hbm>> -> memref<512xi32, #tpu.memory_space<hbm>>
        %dma_wait3A_169 = tpu.memref_slice %arg4[%mul3A_166] : memref<81920xi32, #tpu.memory_space<hbm>> -> memref<512xi32, #tpu.memory_space<hbm>>
        tpu.wait_dma2 semaphore(%run_scoped3A : memref<!tpu.dma_semaphore, #tpu.memory_space<semaphore_mem>>) src(%arg15 : memref<512xi32, #tpu.memory_space<vmem>>) dst(%dma_wait3A_169 : memref<512xi32, #tpu.memory_space<hbm>>)
        tpu.yield
      }) : () -> ()
      %scan3A_167 = arith.constant 0 : i32
      scf.yield %scan3A_167 : i32
    }
    %scan3A_9 = arith.constant 5 : i32
    %barrier3A = arith.constant 0 : index
    tpu.barrier barrier_id(%barrier3A)
    %scan3A_10 = arith.constant 0 : i32
    %scan3A_11 = arith.constant 0 : i32
    %scan3A_12 = arith.constant 32 : i32
    %scan3A_13 = arith.addi %scan3A_11, %scan3A_12 : i32
    %scan3A_14 = arith.constant 1 : i32
    %scan3A_15 = scf.for %scan3A_90 = %scan3A_11 to %scan3A_13 step %scan3A_14 iter_args(%scan3A_91 = %scan3A_10) -> (i32)  : i32 {
      %mul3A_92 = arith.constant 16 : i32
      %mul3A_93 = arith.muli %scan3A_90, %mul3A_92 : i32
      %swap3A = arith.index_cast %mul3A_93 : i32 to index
      %swap3A_94 = tpu.vector_load %arg18[%swap3A] {strides = array<i32>} : memref<512xf32, #tpu.memory_space<vmem>>, vector<16xf32>,
      %swap3A_95 = vector.shape_cast %swap3A_94 : vector<16xf32> to vector<16xf32>
      %swap3A_96 = vector.shape_cast %add3A_3 : vector<16xf32> to vector<16xf32>
      tpu.vector_store %arg18[%swap3A], %swap3A_96 {strides = array<i32>} : memref<512xf32, #tpu.memory_space<vmem>>, vector<16xf32>,
      %mul3A_97 = arith.constant 16 : i32
      %mul3A_98 = arith.muli %scan3A_90, %mul3A_97 : i32
      %swap3A_99 = arith.index_cast %mul3A_98 : i32 to index
      %swap3A_100 = tpu.vector_load %arg19[%swap3A_99] {strides = array<i32>} : memref<512xi32, #tpu.memory_space<vmem>>, vector<16xi32>,
      %swap3A_101 = vector.shape_cast %swap3A_100 : vector<16xi32> to vector<16xi32>
      %swap3A_102 = vector.shape_cast %mul3A_1 : vector<16xi32> to vector<16xi32>
      tpu.vector_store %arg19[%swap3A_99], %swap3A_102 {strides = array<i32>} : memref<512xi32, #tpu.memory_space<vmem>>, vector<16xi32>,
      %scan3A_103 = arith.constant 0 : i32
      scf.yield %scan3A_103 : i32
    }
    %scan3A_16 = arith.constant 32 : i32
    %mul3A_17 = arith.constant 80 : i32
    %mul3A_18 = arith.muli %arg0, %mul3A_17 : i32
    %mul3A_19 = arith.constant 4 : i32
    %mul3A_20 = arith.muli %arg1, %mul3A_19 : i32
    %add3A_21 = arith.addi %mul3A_18, %mul3A_20 : i32
    %mul3A_22 = arith.constant 512 : i32
    %mul3A_23 = arith.muli %add3A_21, %mul3A_22 : i32
    "tpu.region"() ({
      %run_scoped3A = tpu.sem_alloc : memref<!tpu.dma_semaphore, #tpu.memory_space<semaphore_mem>>
      %dma_start3A = arith.constant 0 : i32
      %dma_start3A_90 = tpu.memref_slice %arg16[%dma_start3A] : memref<5120xf32, #tpu.memory_space<vmem>> -> memref<2048xf32, #tpu.memory_space<vmem>>
      %dma_start3A_91 = tpu.memref_slice %arg3[%mul3A_23] : memref<81920xf32, #tpu.memory_space<hbm>> -> memref<2048xf32, #tpu.memory_space<hbm>>
      %dma_start3A_92 = arith.constant 0 : i32
      %dma_start3A_93 = tpu.memref_slice %arg16[%dma_start3A_92] : memref<5120xf32, #tpu.memory_space<vmem>> -> memref<2048xf32, #tpu.memory_space<vmem>>
      %dma_start3A_94 = tpu.memref_slice %arg3[%mul3A_23] : memref<81920xf32, #tpu.memory_space<hbm>> -> memref<2048xf32, #tpu.memory_space<hbm>>
      tpu.enqueue_dma source(%dma_start3A_94 : memref<2048xf32, #tpu.memory_space<hbm>>) target(%dma_start3A_93 : memref<2048xf32, #tpu.memory_space<vmem>>) target_semaphore(%run_scoped3A : memref<!tpu.dma_semaphore, #tpu.memory_space<semaphore_mem>>)
      %dma_wait3A = arith.constant 0 : i32
      %dma_wait3A_95 = tpu.memref_slice %arg16[%dma_wait3A] : memref<5120xf32, #tpu.memory_space<vmem>> -> memref<2048xf32, #tpu.memory_space<vmem>>
      %dma_wait3A_96 = tpu.memref_slice %arg3[%mul3A_23] : memref<81920xf32, #tpu.memory_space<hbm>> -> memref<2048xf32, #tpu.memory_space<hbm>>
      %dma_wait3A_97 = arith.constant 0 : i32
      %dma_wait3A_98 = tpu.memref_slice %arg16[%dma_wait3A_97] : memref<5120xf32, #tpu.memory_space<vmem>> -> memref<2048xf32, #tpu.memory_space<vmem>>
      %dma_wait3A_99 = tpu.memref_slice %arg3[%mul3A_23] : memref<81920xf32, #tpu.memory_space<hbm>> -> memref<2048xf32, #tpu.memory_space<hbm>>
      tpu.wait_dma2 semaphore(%run_scoped3A : memref<!tpu.dma_semaphore, #tpu.memory_space<semaphore_mem>>) src(%dma_wait3A_99 : memref<2048xf32, #tpu.memory_space<hbm>>) dst(%dma_wait3A_98 : memref<2048xf32, #tpu.memory_space<vmem>>)
      tpu.yield
    }) : () -> ()
    "tpu.region"() ({
      %run_scoped3A = tpu.sem_alloc : memref<!tpu.dma_semaphore, #tpu.memory_space<semaphore_mem>>
      %dma_start3A = arith.constant 0 : i32
      %dma_start3A_90 = tpu.memref_slice %arg17[%dma_start3A] : memref<5120xi32, #tpu.memory_space<vmem>> -> memref<2048xi32, #tpu.memory_space<vmem>>
      %dma_start3A_91 = tpu.memref_slice %arg4[%mul3A_23] : memref<81920xi32, #tpu.memory_space<hbm>> -> memref<2048xi32, #tpu.memory_space<hbm>>
      %dma_start3A_92 = arith.constant 0 : i32
      %dma_start3A_93 = tpu.memref_slice %arg17[%dma_start3A_92] : memref<5120xi32, #tpu.memory_space<vmem>> -> memref<2048xi32, #tpu.memory_space<vmem>>
      %dma_start3A_94 = tpu.memref_slice %arg4[%mul3A_23] : memref<81920xi32, #tpu.memory_space<hbm>> -> memref<2048xi32, #tpu.memory_space<hbm>>
      tpu.enqueue_dma source(%dma_start3A_94 : memref<2048xi32, #tpu.memory_space<hbm>>) target(%dma_start3A_93 : memref<2048xi32, #tpu.memory_space<vmem>>) target_semaphore(%run_scoped3A : memref<!tpu.dma_semaphore, #tpu.memory_space<semaphore_mem>>)
      %dma_wait3A = arith.constant 0 : i32
      %dma_wait3A_95 = tpu.memref_slice %arg17[%dma_wait3A] : memref<5120xi32, #tpu.memory_space<vmem>> -> memref<2048xi32, #tpu.memory_space<vmem>>
      %dma_wait3A_96 = tpu.memref_slice %arg4[%mul3A_23] : memref<81920xi32, #tpu.memory_space<hbm>> -> memref<2048xi32, #tpu.memory_space<hbm>>
      %dma_wait3A_97 = arith.constant 0 : i32
      %dma_wait3A_98 = tpu.memref_slice %arg17[%dma_wait3A_97] : memref<5120xi32, #tpu.memory_space<vmem>> -> memref<2048xi32, #tpu.memory_space<vmem>>
      %dma_wait3A_99 = tpu.memref_slice %arg4[%mul3A_23] : memref<81920xi32, #tpu.memory_space<hbm>> -> memref<2048xi32, #tpu.memory_space<hbm>>
      tpu.wait_dma2 semaphore(%run_scoped3A : memref<!tpu.dma_semaphore, #tpu.memory_space<semaphore_mem>>) src(%dma_wait3A_99 : memref<2048xi32, #tpu.memory_space<hbm>>) dst(%dma_wait3A_98 : memref<2048xi32, #tpu.memory_space<vmem>>)
      tpu.yield
    }) : () -> ()
    %eq3A = arith.constant 0 : i32
    %eq3A_24 = vector.broadcast %eq3A : i32 to vector<16xi32>
    %eq3A_25 = arith.cmpi eq, %iota3A, %eq3A_24 : vector<16xi32>
    %get3A = arith.constant 0 : index
    %get3A_26 = tpu.vector_load %arg16[%get3A] {strides = array<i32>} : memref<5120xf32, #tpu.memory_space<vmem>>, vector<16xf32>,
    %get3A_27 = vector.shape_cast %get3A_26 : vector<16xf32> to vector<16xf32>
    %slice3A = vector.extract_strided_slice %get3A_27 {offsets = [0], sizes = [1], strides = [1]} : vector<16xf32> to vector<1xf32>
    %squeeze3A = vector.extract %slice3A[0] : f32 from vector<1xf32>
    %broadcast_in_dim3A = arith.constant 0.000000e+00 : f32
    %broadcast_in_dim3A_28 = vector.broadcast %broadcast_in_dim3A : f32 to vector<16xf32>
    %add3A_29 = vector.broadcast %squeeze3A : f32 to vector<16xf32>
    %add3A_30 = arith.addf %broadcast_in_dim3A_28, %add3A_29 : vector<16xf32>
    %select_n3A = arith.select %eq3A_25, %add3A_30, %add3A_3 : vector<16xi1>, vector<16xf32>
    %eq3A_31 = arith.constant 1 : i32
    %eq3A_32 = vector.broadcast %eq3A_31 : i32 to vector<16xi32>
    %eq3A_33 = arith.cmpi eq, %iota3A, %eq3A_32 : vector<16xi32>
    %get3A_34 = arith.constant 512 : index
    %get3A_35 = tpu.vector_load %arg16[%get3A_34] {strides = array<i32>} : memref<5120xf32, #tpu.memory_space<vmem>>, vector<16xf32>,
    %get3A_36 = vector.shape_cast %get3A_35 : vector<16xf32> to vector<16xf32>
    %slice3A_37 = vector.extract_strided_slice %get3A_36 {offsets = [0], sizes = [1], strides = [1]} : vector<16xf32> to vector<1xf32>
    %squeeze3A_38 = vector.extract %slice3A_37[0] : f32 from vector<1xf32>
    %broadcast_in_dim3A_39 = arith.constant 0.000000e+00 : f32
    %broadcast_in_dim3A_40 = vector.broadcast %broadcast_in_dim3A_39 : f32 to vector<16xf32>
    %add3A_41 = vector.broadcast %squeeze3A_38 : f32 to vector<16xf32>
    %add3A_42 = arith.addf %broadcast_in_dim3A_40, %add3A_41 : vector<16xf32>
    %select_n3A_43 = arith.select %eq3A_33, %add3A_42, %select_n3A : vector<16xi1>, vector<16xf32>
    %eq3A_44 = arith.constant 2 : i32
    %eq3A_45 = vector.broadcast %eq3A_44 : i32 to vector<16xi32>
    %eq3A_46 = arith.cmpi eq, %iota3A, %eq3A_45 : vector<16xi32>
    %get3A_47 = arith.constant 1024 : index
    %get3A_48 = tpu.vector_load %arg16[%get3A_47] {strides = array<i32>} : memref<5120xf32, #tpu.memory_space<vmem>>, vector<16xf32>,
    %get3A_49 = vector.shape_cast %get3A_48 : vector<16xf32> to vector<16xf32>
    %slice3A_50 = vector.extract_strided_slice %get3A_49 {offsets = [0], sizes = [1], strides = [1]} : vector<16xf32> to vector<1xf32>
    %squeeze3A_51 = vector.extract %slice3A_50[0] : f32 from vector<1xf32>
    %broadcast_in_dim3A_52 = arith.constant 0.000000e+00 : f32
    %broadcast_in_dim3A_53 = vector.broadcast %broadcast_in_dim3A_52 : f32 to vector<16xf32>
    %add3A_54 = vector.broadcast %squeeze3A_51 : f32 to vector<16xf32>
    %add3A_55 = arith.addf %broadcast_in_dim3A_53, %add3A_54 : vector<16xf32>
    %select_n3A_56 = arith.select %eq3A_46, %add3A_55, %select_n3A_43 : vector<16xi1>, vector<16xf32>
    %eq3A_57 = arith.constant 3 : i32
    %eq3A_58 = vector.broadcast %eq3A_57 : i32 to vector<16xi32>
    %eq3A_59 = arith.cmpi eq, %iota3A, %eq3A_58 : vector<16xi32>
    %get3A_60 = arith.constant 1536 : index
    %get3A_61 = tpu.vector_load %arg16[%get3A_60] {strides = array<i32>} : memref<5120xf32, #tpu.memory_space<vmem>>, vector<16xf32>,
    %get3A_62 = vector.shape_cast %get3A_61 : vector<16xf32> to vector<16xf32>
    %slice3A_63 = vector.extract_strided_slice %get3A_62 {offsets = [0], sizes = [1], strides = [1]} : vector<16xf32> to vector<1xf32>
    %squeeze3A_64 = vector.extract %slice3A_63[0] : f32 from vector<1xf32>
    %broadcast_in_dim3A_65 = arith.constant 0.000000e+00 : f32
    %broadcast_in_dim3A_66 = vector.broadcast %broadcast_in_dim3A_65 : f32 to vector<16xf32>
    %add3A_67 = vector.broadcast %squeeze3A_64 : f32 to vector<16xf32>
    %add3A_68 = arith.addf %broadcast_in_dim3A_66, %add3A_67 : vector<16xf32>
    %select_n3A_69 = arith.select %eq3A_59, %add3A_68, %select_n3A_56 : vector<16xi1>, vector<16xf32>
    %scan3A_70 = arith.constant 0 : i32
    %scan3A_71 = arith.constant 500 : i32
    %scan3A_72 = arith.addi %scan3A_70, %scan3A_71 : i32
    %scan3A_73 = arith.constant 1 : i32
    %scan3A_74:2 = scf.for %scan3A_90 = %scan3A_70 to %scan3A_72 step %scan3A_73 iter_args(%scan3A_91 = %select_n3A_69, %scan3A_92 = %mul3A_1) -> (vector<16xf32>, vector<16xi32>)  : i32 {
      %iota3A_93 = tpu.iota {dimensions = array<i32: 0>} : vector<16xi32>
      %xor3A = arith.constant 1 : i32
      %xor3A_94 = vector.broadcast %xor3A : i32 to vector<16xi32>
      %xor3A_95 = arith.xori %iota3A_93, %xor3A_94 : vector<16xi32>
      %reshape3A = vector.shape_cast %xor3A_95 : vector<16xi32> to vector<16x1xi32>
      %gather3A = vector.shape_cast %reshape3A : vector<16x1xi32> to vector<16xi32>
      %gather3A_96 = tpu.dynamic_gather %scan3A_91[%gather3A] in [0] : vector<16xf32>, vector<16xi32> -> vector<16xf32>
      %max3A = arith.maximumf %scan3A_91, %gather3A_96 : vector<16xf32>
      %xor3A_97 = arith.constant 2 : i32
      %xor3A_98 = vector.broadcast %xor3A_97 : i32 to vector<16xi32>
      %xor3A_99 = arith.xori %iota3A_93, %xor3A_98 : vector<16xi32>
      %reshape3A_100 = vector.shape_cast %xor3A_99 : vector<16xi32> to vector<16x1xi32>
      %gather3A_101 = vector.shape_cast %reshape3A_100 : vector<16x1xi32> to vector<16xi32>
      %gather3A_102 = tpu.dynamic_gather %max3A[%gather3A_101] in [0] : vector<16xf32>, vector<16xi32> -> vector<16xf32>
      %max3A_103 = arith.maximumf %max3A, %gather3A_102 : vector<16xf32>
      %xor3A_104 = arith.constant 4 : i32
      %xor3A_105 = vector.broadcast %xor3A_104 : i32 to vector<16xi32>
      %xor3A_106 = arith.xori %iota3A_93, %xor3A_105 : vector<16xi32>
      %reshape3A_107 = vector.shape_cast %xor3A_106 : vector<16xi32> to vector<16x1xi32>
      %gather3A_108 = vector.shape_cast %reshape3A_107 : vector<16x1xi32> to vector<16xi32>
      %gather3A_109 = tpu.dynamic_gather %max3A_103[%gather3A_108] in [0] : vector<16xf32>, vector<16xi32> -> vector<16xf32>
      %max3A_110 = arith.maximumf %max3A_103, %gather3A_109 : vector<16xf32>
      %xor3A_111 = arith.constant 8 : i32
      %xor3A_112 = vector.broadcast %xor3A_111 : i32 to vector<16xi32>
      %xor3A_113 = arith.xori %iota3A_93, %xor3A_112 : vector<16xi32>
      %reshape3A_114 = vector.shape_cast %xor3A_113 : vector<16xi32> to vector<16x1xi32>
      %gather3A_115 = vector.shape_cast %reshape3A_114 : vector<16x1xi32> to vector<16xi32>
      %gather3A_116 = tpu.dynamic_gather %max3A_110[%gather3A_115] in [0] : vector<16xf32>, vector<16xi32> -> vector<16xf32>
      %max3A_117 = arith.maximumf %max3A_110, %gather3A_116 : vector<16xf32>
      %eq3A_118 = arith.cmpf oeq, %scan3A_91, %max3A_117 : vector<16xf32>
      %jit3A = arith.constant 16 : i32
      %broadcast_in_dim3A_119 = vector.broadcast %jit3A : i32 to vector<16xi32>
      %select_n3A_120 = arith.select %eq3A_118, %iota3A, %broadcast_in_dim3A_119 : vector<16xi1>, vector<16xi32>
      %iota3A_121 = tpu.iota {dimensions = array<i32: 0>} : vector<16xi32>
      %xor3A_122 = arith.constant 1 : i32
      %xor3A_123 = vector.broadcast %xor3A_122 : i32 to vector<16xi32>
      %xor3A_124 = arith.xori %iota3A_121, %xor3A_123 : vector<16xi32>
      %reshape3A_125 = vector.shape_cast %xor3A_124 : vector<16xi32> to vector<16x1xi32>
      %gather3A_126 = vector.shape_cast %reshape3A_125 : vector<16x1xi32> to vector<16xi32>
      %gather3A_127 = tpu.dynamic_gather %select_n3A_120[%gather3A_126] in [0] : vector<16xi32>, vector<16xi32> -> vector<16xi32>
      %min3A = arith.minsi %select_n3A_120, %gather3A_127 : vector<16xi32>
      %xor3A_128 = arith.constant 2 : i32
      %xor3A_129 = vector.broadcast %xor3A_128 : i32 to vector<16xi32>
      %xor3A_130 = arith.xori %iota3A_121, %xor3A_129 : vector<16xi32>
      %reshape3A_131 = vector.shape_cast %xor3A_130 : vector<16xi32> to vector<16x1xi32>
      %gather3A_132 = vector.shape_cast %reshape3A_131 : vector<16x1xi32> to vector<16xi32>
      %gather3A_133 = tpu.dynamic_gather %min3A[%gather3A_132] in [0] : vector<16xi32>, vector<16xi32> -> vector<16xi32>
      %min3A_134 = arith.minsi %min3A, %gather3A_133 : vector<16xi32>
      %xor3A_135 = arith.constant 4 : i32
      %xor3A_136 = vector.broadcast %xor3A_135 : i32 to vector<16xi32>
      %xor3A_137 = arith.xori %iota3A_121, %xor3A_136 : vector<16xi32>
      %reshape3A_138 = vector.shape_cast %xor3A_137 : vector<16xi32> to vector<16x1xi32>
      %gather3A_139 = vector.shape_cast %reshape3A_138 : vector<16x1xi32> to vector<16xi32>
      %gather3A_140 = tpu.dynamic_gather %min3A_134[%gather3A_139] in [0] : vector<16xi32>, vector<16xi32> -> vector<16xi32>
      %min3A_141 = arith.minsi %min3A_134, %gather3A_140 : vector<16xi32>
      %xor3A_142 = arith.constant 8 : i32
      %xor3A_143 = vector.broadcast %xor3A_142 : i32 to vector<16xi32>
      %xor3A_144 = arith.xori %iota3A_121, %xor3A_143 : vector<16xi32>
      %reshape3A_145 = vector.shape_cast %xor3A_144 : vector<16xi32> to vector<16x1xi32>
      %gather3A_146 = vector.shape_cast %reshape3A_145 : vector<16x1xi32> to vector<16xi32>
      %gather3A_147 = tpu.dynamic_gather %min3A_141[%gather3A_146] in [0] : vector<16xi32>, vector<16xi32> -> vector<16xi32>
      %min3A_148 = arith.minsi %min3A_141, %gather3A_147 : vector<16xi32>
      %iota3A_149 = tpu.iota {dimensions = array<i32: 0>} : vector<16xi32>
      %add3A_150 = arith.addi %min3A_148, %iota3A_149 : vector<16xi32>
      %sub3A = arith.subi %add3A_150, %iota3A_149 : vector<16xi32>
      %slice3A_151 = vector.extract_strided_slice %sub3A {offsets = [0], sizes = [1], strides = [1]} : vector<16xi32> to vector<1xi32>
      %squeeze3A_152 = vector.extract %slice3A_151[0] : i32 from vector<1xi32>
      %mul3A_153 = arith.constant 512 : i32
      %mul3A_154 = arith.muli %squeeze3A_152, %mul3A_153 : i32
      %eq3A_155 = vector.broadcast %squeeze3A_152 : i32 to vector<16xi32>
      %eq3A_156 = arith.cmpi eq, %iota3A, %eq3A_155 : vector<16xi32>
      %jit3A_157 = arith.constant 0 : i32
      %broadcast_in_dim3A_158 = vector.broadcast %jit3A_157 : i32 to vector<16xi32>
      %select_n3A_159 = arith.select %eq3A_156, %scan3A_92, %broadcast_in_dim3A_158 : vector<16xi1>, vector<16xi32>
      %iota3A_160 = tpu.iota {dimensions = array<i32: 0>} : vector<16xi32>
      %xor3A_161 = arith.constant 1 : i32
      %xor3A_162 = vector.broadcast %xor3A_161 : i32 to vector<16xi32>
      %xor3A_163 = arith.xori %iota3A_160, %xor3A_162 : vector<16xi32>
      %reshape3A_164 = vector.shape_cast %xor3A_163 : vector<16xi32> to vector<16x1xi32>
      %gather3A_165 = vector.shape_cast %reshape3A_164 : vector<16x1xi32> to vector<16xi32>
      %gather3A_166 = tpu.dynamic_gather %select_n3A_159[%gather3A_165] in [0] : vector<16xi32>, vector<16xi32> -> vector<16xi32>
      %add3A_167 = arith.addi %select_n3A_159, %gather3A_166 : vector<16xi32>
      %xor3A_168 = arith.constant 2 : i32
      %xor3A_169 = vector.broadcast %xor3A_168 : i32 to vector<16xi32>
      %xor3A_170 = arith.xori %iota3A_160, %xor3A_169 : vector<16xi32>
      %reshape3A_171 = vector.shape_cast %xor3A_170 : vector<16xi32> to vector<16x1xi32>
      %gather3A_172 = vector.shape_cast %reshape3A_171 : vector<16x1xi32> to vector<16xi32>
      %gather3A_173 = tpu.dynamic_gather %add3A_167[%gather3A_172] in [0] : vector<16xi32>, vector<16xi32> -> vector<16xi32>
      %add3A_174 = arith.addi %add3A_167, %gather3A_173 : vector<16xi32>
      %xor3A_175 = arith.constant 4 : i32
      %xor3A_176 = vector.broadcast %xor3A_175 : i32 to vector<16xi32>
      %xor3A_177 = arith.xori %iota3A_160, %xor3A_176 : vector<16xi32>
      %reshape3A_178 = vector.shape_cast %xor3A_177 : vector<16xi32> to vector<16x1xi32>
      %gather3A_179 = vector.shape_cast %reshape3A_178 : vector<16x1xi32> to vector<16xi32>
      %gather3A_180 = tpu.dynamic_gather %add3A_174[%gather3A_179] in [0] : vector<16xi32>, vector<16xi32> -> vector<16xi32>
      %add3A_181 = arith.addi %add3A_174, %gather3A_180 : vector<16xi32>
      %xor3A_182 = arith.constant 8 : i32
      %xor3A_183 = vector.broadcast %xor3A_182 : i32 to vector<16xi32>
      %xor3A_184 = arith.xori %iota3A_160, %xor3A_183 : vector<16xi32>
      %reshape3A_185 = vector.shape_cast %xor3A_184 : vector<16xi32> to vector<16x1xi32>
      %gather3A_186 = vector.shape_cast %reshape3A_185 : vector<16x1xi32> to vector<16xi32>
      %gather3A_187 = tpu.dynamic_gather %add3A_181[%gather3A_186] in [0] : vector<16xi32>, vector<16xi32> -> vector<16xi32>
      %add3A_188 = arith.addi %add3A_181, %gather3A_187 : vector<16xi32>
      %iota3A_189 = tpu.iota {dimensions = array<i32: 0>} : vector<16xi32>
      %add3A_190 = arith.addi %add3A_188, %iota3A_189 : vector<16xi32>
      %sub3A_191 = arith.subi %add3A_190, %iota3A_189 : vector<16xi32>
      %slice3A_192 = vector.extract_strided_slice %sub3A_191 {offsets = [0], sizes = [1], strides = [1]} : vector<16xi32> to vector<1xi32>
      %squeeze3A_193 = vector.extract %slice3A_192[0] : i32 from vector<1xi32>
      %add3A_194 = arith.addi %mul3A_154, %squeeze3A_193 : i32
      %jit3A_195 = arith.constant 16 : i32
      %div3A = arith.divsi %scan3A_90, %jit3A_195 : i32
      %sign3A = arith.constant 0 : i32
      %sign3A_196 = arith.cmpi sgt, %scan3A_90, %sign3A : i32
      %sign3A_197 = arith.extui %sign3A_196 : i1 to i32
      %sign3A_198 = arith.constant 0 : i32
      %sign3A_199 = arith.cmpi slt, %scan3A_90, %sign3A_198 : i32
      %sign3A_200 = arith.extui %sign3A_199 : i1 to i32
      %sign3A_201 = arith.subi %sign3A_197, %sign3A_200 : i32
      %sign3A_202 = arith.constant 0 : i32
      %sign3A_203 = arith.cmpi sgt, %jit3A_195, %sign3A_202 : i32
      %sign3A_204 = arith.extui %sign3A_203 : i1 to i32
      %sign3A_205 = arith.constant 0 : i32
      %sign3A_206 = arith.cmpi slt, %jit3A_195, %sign3A_205 : i32
      %sign3A_207 = arith.extui %sign3A_206 : i1 to i32
      %sign3A_208 = arith.subi %sign3A_204, %sign3A_207 : i32
      %ne3A = arith.cmpi ne, %sign3A_201, %sign3A_208 : i32
      %rem3A = arith.remsi %scan3A_90, %jit3A_195 : i32
      %ne3A_209 = arith.constant 0 : i32
      %ne3A_210 = arith.cmpi ne, %rem3A, %ne3A_209 : i32
      %and3A = arith.andi %ne3A, %ne3A_210 : i1
      %sub3A_211 = arith.constant 1 : i32
      %sub3A_212 = arith.subi %div3A, %sub3A_211 : i32
      %select_n3A_213 = arith.select %and3A, %sub3A_212, %div3A : i32
      %mul3A_214 = arith.constant 16 : i32
      %mul3A_215 = arith.muli %select_n3A_213, %mul3A_214 : i32
      %get3A_216 = arith.index_cast %mul3A_215 : i32 to index
      %get3A_217 = tpu.vector_load %arg18[%get3A_216] {strides = array<i32>} : memref<512xf32, #tpu.memory_space<vmem>>, vector<16xf32>,
      %get3A_218 = vector.shape_cast %get3A_217 : vector<16xf32> to vector<16xf32>
      %iota3A_219 = tpu.iota {dimensions = array<i32: 0>} : vector<16xi32>
      %sub3A_220 = arith.subi %scan3A_90, %mul3A_215 : i32
      %broadcast_in_dim3A_221 = arith.constant 0 : i32
      %broadcast_in_dim3A_222 = vector.broadcast %broadcast_in_dim3A_221 : i32 to vector<16xi32>
      %add3A_223 = vector.broadcast %sub3A_220 : i32 to vector<16xi32>
      %add3A_224 = arith.addi %broadcast_in_dim3A_222, %add3A_223 : vector<16xi32>
      %eq3A_225 = arith.cmpi eq, %iota3A_219, %add3A_224 : vector<16xi32>
      %select_n3A_226 = arith.select %eq3A_225, %max3A_117, %get3A_218 : vector<16xi1>, vector<16xf32>
      %swap3A = arith.index_cast %mul3A_215 : i32 to index
      %swap3A_227 = tpu.vector_load %arg18[%swap3A] {strides = array<i32>} : memref<512xf32, #tpu.memory_space<vmem>>, vector<16xf32>,
      %swap3A_228 = vector.shape_cast %swap3A_227 : vector<16xf32> to vector<16xf32>
      %swap3A_229 = vector.shape_cast %select_n3A_226 : vector<16xf32> to vector<16xf32>
      tpu.vector_store %arg18[%swap3A], %swap3A_229 {strides = array<i32>} : memref<512xf32, #tpu.memory_space<vmem>>, vector<16xf32>,
      %jit3A_230 = arith.constant 16 : i32
      %div3A_231 = arith.divsi %add3A_194, %jit3A_230 : i32
      %sign3A_232 = arith.constant 0 : i32
      %sign3A_233 = arith.cmpi sgt, %add3A_194, %sign3A_232 : i32
      %sign3A_234 = arith.extui %sign3A_233 : i1 to i32
      %sign3A_235 = arith.constant 0 : i32
      %sign3A_236 = arith.cmpi slt, %add3A_194, %sign3A_235 : i32
      %sign3A_237 = arith.extui %sign3A_236 : i1 to i32
      %sign3A_238 = arith.subi %sign3A_234, %sign3A_237 : i32
      %sign3A_239 = arith.constant 0 : i32
      %sign3A_240 = arith.cmpi sgt, %jit3A_230, %sign3A_239 : i32
      %sign3A_241 = arith.extui %sign3A_240 : i1 to i32
      %sign3A_242 = arith.constant 0 : i32
      %sign3A_243 = arith.cmpi slt, %jit3A_230, %sign3A_242 : i32
      %sign3A_244 = arith.extui %sign3A_243 : i1 to i32
      %sign3A_245 = arith.subi %sign3A_241, %sign3A_244 : i32
      %ne3A_246 = arith.cmpi ne, %sign3A_238, %sign3A_245 : i32
      %rem3A_247 = arith.remsi %add3A_194, %jit3A_230 : i32
      %ne3A_248 = arith.constant 0 : i32
      %ne3A_249 = arith.cmpi ne, %rem3A_247, %ne3A_248 : i32
      %and3A_250 = arith.andi %ne3A_246, %ne3A_249 : i1
      %sub3A_251 = arith.constant 1 : i32
      %sub3A_252 = arith.subi %div3A_231, %sub3A_251 : i32
      %select_n3A_253 = arith.select %and3A_250, %sub3A_252, %div3A_231 : i32
      %mul3A_254 = arith.constant 16 : i32
      %mul3A_255 = arith.muli %select_n3A_253, %mul3A_254 : i32
      %get3A_256 = arith.index_cast %mul3A_255 : i32 to index
      %get3A_257 = tpu.vector_load %arg17[%get3A_256] {strides = array<i32>} : memref<5120xi32, #tpu.memory_space<vmem>>, vector<16xi32>,
      %get3A_258 = vector.shape_cast %get3A_257 : vector<16xi32> to vector<16xi32>
      %sub3A_259 = arith.subi %add3A_194, %mul3A_255 : i32
      %broadcast_in_dim3A_260 = arith.constant 0 : i32
      %broadcast_in_dim3A_261 = vector.broadcast %broadcast_in_dim3A_260 : i32 to vector<16xi32>
      %add3A_262 = vector.broadcast %sub3A_259 : i32 to vector<16xi32>
      %add3A_263 = arith.addi %broadcast_in_dim3A_261, %add3A_262 : vector<16xi32>
      %reshape3A_264 = vector.shape_cast %add3A_263 : vector<16xi32> to vector<16x1xi32>
      %gather3A_265 = vector.shape_cast %reshape3A_264 : vector<16x1xi32> to vector<16xi32>
      %gather3A_266 = tpu.dynamic_gather %get3A_258[%gather3A_265] in [0] : vector<16xi32>, vector<16xi32> -> vector<16xi32>
      %jit3A_267 = arith.constant 16 : i32
      %div3A_268 = arith.divsi %scan3A_90, %jit3A_267 : i32
      %sign3A_269 = arith.constant 0 : i32
      %sign3A_270 = arith.cmpi sgt, %scan3A_90, %sign3A_269 : i32
      %sign3A_271 = arith.extui %sign3A_270 : i1 to i32
      %sign3A_272 = arith.constant 0 : i32
      %sign3A_273 = arith.cmpi slt, %scan3A_90, %sign3A_272 : i32
      %sign3A_274 = arith.extui %sign3A_273 : i1 to i32
      %sign3A_275 = arith.subi %sign3A_271, %sign3A_274 : i32
      %sign3A_276 = arith.constant 0 : i32
      %sign3A_277 = arith.cmpi sgt, %jit3A_267, %sign3A_276 : i32
      %sign3A_278 = arith.extui %sign3A_277 : i1 to i32
      %sign3A_279 = arith.constant 0 : i32
      %sign3A_280 = arith.cmpi slt, %jit3A_267, %sign3A_279 : i32
      %sign3A_281 = arith.extui %sign3A_280 : i1 to i32
      %sign3A_282 = arith.subi %sign3A_278, %sign3A_281 : i32
      %ne3A_283 = arith.cmpi ne, %sign3A_275, %sign3A_282 : i32
      %rem3A_284 = arith.remsi %scan3A_90, %jit3A_267 : i32
      %ne3A_285 = arith.constant 0 : i32
      %ne3A_286 = arith.cmpi ne, %rem3A_284, %ne3A_285 : i32
      %and3A_287 = arith.andi %ne3A_283, %ne3A_286 : i1
      %sub3A_288 = arith.constant 1 : i32
      %sub3A_289 = arith.subi %div3A_268, %sub3A_288 : i32
      %select_n3A_290 = arith.select %and3A_287, %sub3A_289, %div3A_268 : i32
      %mul3A_291 = arith.constant 16 : i32
      %mul3A_292 = arith.muli %select_n3A_290, %mul3A_291 : i32
      %get3A_293 = arith.index_cast %mul3A_292 : i32 to index
      %get3A_294 = tpu.vector_load %arg19[%get3A_293] {strides = array<i32>} : memref<512xi32, #tpu.memory_space<vmem>>, vector<16xi32>,
      %get3A_295 = vector.shape_cast %get3A_294 : vector<16xi32> to vector<16xi32>
      %iota3A_296 = tpu.iota {dimensions = array<i32: 0>} : vector<16xi32>
      %sub3A_297 = arith.subi %scan3A_90, %mul3A_292 : i32
      %broadcast_in_dim3A_298 = arith.constant 0 : i32
      %broadcast_in_dim3A_299 = vector.broadcast %broadcast_in_dim3A_298 : i32 to vector<16xi32>
      %add3A_300 = vector.broadcast %sub3A_297 : i32 to vector<16xi32>
      %add3A_301 = arith.addi %broadcast_in_dim3A_299, %add3A_300 : vector<16xi32>
      %eq3A_302 = arith.cmpi eq, %iota3A_296, %add3A_301 : vector<16xi32>
      %select_n3A_303 = arith.select %eq3A_302, %gather3A_266, %get3A_295 : vector<16xi1>, vector<16xi32>
      %swap3A_304 = arith.index_cast %mul3A_292 : i32 to index
      %swap3A_305 = tpu.vector_load %arg19[%swap3A_304] {strides = array<i32>} : memref<512xi32, #tpu.memory_space<vmem>>, vector<16xi32>,
      %swap3A_306 = vector.shape_cast %swap3A_305 : vector<16xi32> to vector<16xi32>
      %swap3A_307 = vector.shape_cast %select_n3A_303 : vector<16xi32> to vector<16xi32>
      tpu.vector_store %arg19[%swap3A_304], %swap3A_307 {strides = array<i32>} : memref<512xi32, #tpu.memory_space<vmem>>, vector<16xi32>,
      %broadcast_in_dim3A_308 = arith.constant 0 : i32
      %broadcast_in_dim3A_309 = vector.broadcast %broadcast_in_dim3A_308 : i32 to vector<16xi32>
      %add3A_310 = vector.broadcast %squeeze3A_152 : i32 to vector<16xi32>
      %add3A_311 = arith.addi %broadcast_in_dim3A_309, %add3A_310 : vector<16xi32>
      %eq3A_312 = arith.cmpi eq, %iota3A, %add3A_311 : vector<16xi32>
      %add3A_313 = arith.constant 1 : i32
      %add3A_314 = arith.addi %add3A_194, %add3A_313 : i32
      %jit3A_315 = arith.constant 16 : i32
      %div3A_316 = arith.divsi %add3A_314, %jit3A_315 : i32
      %sign3A_317 = arith.constant 0 : i32
      %sign3A_318 = arith.cmpi sgt, %add3A_314, %sign3A_317 : i32
      %sign3A_319 = arith.extui %sign3A_318 : i1 to i32
      %sign3A_320 = arith.constant 0 : i32
      %sign3A_321 = arith.cmpi slt, %add3A_314, %sign3A_320 : i32
      %sign3A_322 = arith.extui %sign3A_321 : i1 to i32
      %sign3A_323 = arith.subi %sign3A_319, %sign3A_322 : i32
      %sign3A_324 = arith.constant 0 : i32
      %sign3A_325 = arith.cmpi sgt, %jit3A_315, %sign3A_324 : i32
      %sign3A_326 = arith.extui %sign3A_325 : i1 to i32
      %sign3A_327 = arith.constant 0 : i32
      %sign3A_328 = arith.cmpi slt, %jit3A_315, %sign3A_327 : i32
      %sign3A_329 = arith.extui %sign3A_328 : i1 to i32
      %sign3A_330 = arith.subi %sign3A_326, %sign3A_329 : i32
      %ne3A_331 = arith.cmpi ne, %sign3A_323, %sign3A_330 : i32
      %rem3A_332 = arith.remsi %add3A_314, %jit3A_315 : i32
      %ne3A_333 = arith.constant 0 : i32
      %ne3A_334 = arith.cmpi ne, %rem3A_332, %ne3A_333 : i32
      %and3A_335 = arith.andi %ne3A_331, %ne3A_334 : i1
      %sub3A_336 = arith.constant 1 : i32
      %sub3A_337 = arith.subi %div3A_316, %sub3A_336 : i32
      %select_n3A_338 = arith.select %and3A_335, %sub3A_337, %div3A_316 : i32
      %mul3A_339 = arith.constant 16 : i32
      %mul3A_340 = arith.muli %select_n3A_338, %mul3A_339 : i32
      %get3A_341 = arith.index_cast %mul3A_340 : i32 to index
      %get3A_342 = tpu.vector_load %arg16[%get3A_341] {strides = array<i32>} : memref<5120xf32, #tpu.memory_space<vmem>>, vector<16xf32>,
      %get3A_343 = vector.shape_cast %get3A_342 : vector<16xf32> to vector<16xf32>
      %sub3A_344 = arith.subi %add3A_314, %mul3A_340 : i32
      %broadcast_in_dim3A_345 = arith.constant 0 : i32
      %broadcast_in_dim3A_346 = vector.broadcast %broadcast_in_dim3A_345 : i32 to vector<16xi32>
      %add3A_347 = vector.broadcast %sub3A_344 : i32 to vector<16xi32>
      %add3A_348 = arith.addi %broadcast_in_dim3A_346, %add3A_347 : vector<16xi32>
      %reshape3A_349 = vector.shape_cast %add3A_348 : vector<16xi32> to vector<16x1xi32>
      %gather3A_350 = vector.shape_cast %reshape3A_349 : vector<16x1xi32> to vector<16xi32>
      %gather3A_351 = tpu.dynamic_gather %get3A_343[%gather3A_350] in [0] : vector<16xf32>, vector<16xi32> -> vector<16xf32>
      %select_n3A_352 = arith.select %eq3A_312, %gather3A_351, %scan3A_91 : vector<16xi1>, vector<16xf32>
      %broadcast_in_dim3A_353 = arith.constant 0 : i32
      %broadcast_in_dim3A_354 = vector.broadcast %broadcast_in_dim3A_353 : i32 to vector<16xi32>
      %add3A_355 = vector.broadcast %squeeze3A_152 : i32 to vector<16xi32>
      %add3A_356 = arith.addi %broadcast_in_dim3A_354, %add3A_355 : vector<16xi32>
      %eq3A_357 = arith.cmpi eq, %iota3A, %add3A_356 : vector<16xi32>
      %add3A_358 = arith.constant 1 : i32
      %add3A_359 = vector.broadcast %add3A_358 : i32 to vector<16xi32>
      %add3A_360 = arith.addi %scan3A_92, %add3A_359 : vector<16xi32>
      %select_n3A_361 = arith.select %eq3A_357, %add3A_360, %scan3A_92 : vector<16xi1>, vector<16xi32>
      scf.yield %select_n3A_352, %select_n3A_361 : vector<16xf32>, vector<16xi32>
    }
    %scan3A_75 = arith.constant 500 : i32
    %mul3A_76 = arith.constant 20 : i32
    %mul3A_77 = arith.muli %arg0, %mul3A_76 : i32
    %add3A_78 = arith.addi %mul3A_77, %arg1 : i32
    %mul3A_79 = arith.constant 512 : i32
    %mul3A_80 = arith.muli %add3A_78, %mul3A_79 : i32
    "tpu.region"() ({
      %run_scoped3A = tpu.sem_alloc : memref<!tpu.dma_semaphore, #tpu.memory_space<semaphore_mem>>
      %dma_start3A = tpu.memref_slice %arg5[%mul3A_80] : memref<20480xf32, #tpu.memory_space<hbm>> -> memref<512xf32, #tpu.memory_space<hbm>>
      %dma_start3A_90 = tpu.memref_slice %arg5[%mul3A_80] : memref<20480xf32, #tpu.memory_space<hbm>> -> memref<512xf32, #tpu.memory_space<hbm>>
      tpu.enqueue_dma source(%arg18 : memref<512xf32, #tpu.memory_space<vmem>>) target(%dma_start3A_90 : memref<512xf32, #tpu.memory_space<hbm>>) target_semaphore(%run_scoped3A : memref<!tpu.dma_semaphore, #tpu.memory_space<semaphore_mem>>)
      %dma_wait3A = tpu.memref_slice %arg5[%mul3A_80] : memref<20480xf32, #tpu.memory_space<hbm>> -> memref<512xf32, #tpu.memory_space<hbm>>
      %dma_wait3A_91 = tpu.memref_slice %arg5[%mul3A_80] : memref<20480xf32, #tpu.memory_space<hbm>> -> memref<512xf32, #tpu.memory_space<hbm>>
      tpu.wait_dma2 semaphore(%run_scoped3A : memref<!tpu.dma_semaphore, #tpu.memory_space<semaphore_mem>>) src(%arg18 : memref<512xf32, #tpu.memory_space<vmem>>) dst(%dma_wait3A_91 : memref<512xf32, #tpu.memory_space<hbm>>)
      tpu.yield
    }) : () -> ()
    "tpu.region"() ({
      %run_scoped3A = tpu.sem_alloc : memref<!tpu.dma_semaphore, #tpu.memory_space<semaphore_mem>>
      %dma_start3A = tpu.memref_slice %arg6[%mul3A_80] : memref<20480xi32, #tpu.memory_space<hbm>> -> memref<512xi32, #tpu.memory_space<hbm>>
      %dma_start3A_90 = tpu.memref_slice %arg6[%mul3A_80] : memref<20480xi32, #tpu.memory_space<hbm>> -> memref<512xi32, #tpu.memory_space<hbm>>
      tpu.enqueue_dma source(%arg19 : memref<512xi32, #tpu.memory_space<vmem>>) target(%dma_start3A_90 : memref<512xi32, #tpu.memory_space<hbm>>) target_semaphore(%run_scoped3A : memref<!tpu.dma_semaphore, #tpu.memory_space<semaphore_mem>>)
      %dma_wait3A = tpu.memref_slice %arg6[%mul3A_80] : memref<20480xi32, #tpu.memory_space<hbm>> -> memref<512xi32, #tpu.memory_space<hbm>>
      %dma_wait3A_91 = tpu.memref_slice %arg6[%mul3A_80] : memref<20480xi32, #tpu.memory_space<hbm>> -> memref<512xi32, #tpu.memory_space<hbm>>
      tpu.wait_dma2 semaphore(%run_scoped3A : memref<!tpu.dma_semaphore, #tpu.memory_space<semaphore_mem>>) src(%arg19 : memref<512xi32, #tpu.memory_space<vmem>>) dst(%dma_wait3A_91 : memref<512xi32, #tpu.memory_space<hbm>>)
      tpu.yield
    }) : () -> ()
    %lt3A = arith.constant 4 : i32
    %lt3A_81 = arith.cmpi slt, %arg1, %lt3A : i32
    %convert_element_type3A_82 = arith.extui %lt3A_81 : i1 to i32
    %cond3A = arith.constant 0 : i32
    %cond3A_83 = arith.cmpi ne, %convert_element_type3A_82, %cond3A : i32
    scf.if %cond3A_83 {
      %add3A_90 = arith.constant 16 : i32
      %add3A_91 = arith.addi %add3A_90, %arg1 : i32
      %mul3A_92 = arith.constant 80 : i32
      %mul3A_93 = arith.muli %arg0, %mul3A_92 : i32
      %mul3A_94 = arith.constant 4 : i32
      %mul3A_95 = arith.muli %add3A_91, %mul3A_94 : i32
      %add3A_96 = arith.addi %mul3A_93, %mul3A_95 : i32
      %mul3A_97 = arith.constant 512 : i32
      %mul3A_98 = arith.muli %add3A_96, %mul3A_97 : i32
      "tpu.region"() ({
        %run_scoped3A = tpu.sem_alloc : memref<!tpu.dma_semaphore, #tpu.memory_space<semaphore_mem>>
        %dma_start3A = arith.constant 0 : i32
        %dma_start3A_162 = tpu.memref_slice %arg16[%dma_start3A] : memref<5120xf32, #tpu.memory_space<vmem>> -> memref<2048xf32, #tpu.memory_space<vmem>>
        %dma_start3A_163 = tpu.memref_slice %arg3[%mul3A_98] : memref<81920xf32, #tpu.memory_space<hbm>> -> memref<2048xf32, #tpu.memory_space<hbm>>
        %dma_start3A_164 = arith.constant 0 : i32
        %dma_start3A_165 = tpu.memref_slice %arg16[%dma_start3A_164] : memref<5120xf32, #tpu.memory_space<vmem>> -> memref<2048xf32, #tpu.memory_space<vmem>>
        %dma_start3A_166 = tpu.memref_slice %arg3[%mul3A_98] : memref<81920xf32, #tpu.memory_space<hbm>> -> memref<2048xf32, #tpu.memory_space<hbm>>
        tpu.enqueue_dma source(%dma_start3A_166 : memref<2048xf32, #tpu.memory_space<hbm>>) target(%dma_start3A_165 : memref<2048xf32, #tpu.memory_space<vmem>>) target_semaphore(%run_scoped3A : memref<!tpu.dma_semaphore, #tpu.memory_space<semaphore_mem>>)
        %dma_wait3A = arith.constant 0 : i32
        %dma_wait3A_167 = tpu.memref_slice %arg16[%dma_wait3A] : memref<5120xf32, #tpu.memory_space<vmem>> -> memref<2048xf32, #tpu.memory_space<vmem>>
        %dma_wait3A_168 = tpu.memref_slice %arg3[%mul3A_98] : memref<81920xf32, #tpu.memory_space<hbm>> -> memref<2048xf32, #tpu.memory_space<hbm>>
        %dma_wait3A_169 = arith.constant 0 : i32
        %dma_wait3A_170 = tpu.memref_slice %arg16[%dma_wait3A_169] : memref<5120xf32, #tpu.memory_space<vmem>> -> memref<2048xf32, #tpu.memory_space<vmem>>
        %dma_wait3A_171 = tpu.memref_slice %arg3[%mul3A_98] : memref<81920xf32, #tpu.memory_space<hbm>> -> memref<2048xf32, #tpu.memory_space<hbm>>
        tpu.wait_dma2 semaphore(%run_scoped3A : memref<!tpu.dma_semaphore, #tpu.memory_space<semaphore_mem>>) src(%dma_wait3A_171 : memref<2048xf32, #tpu.memory_space<hbm>>) dst(%dma_wait3A_170 : memref<2048xf32, #tpu.memory_space<vmem>>)
        tpu.yield
      }) : () -> ()
      "tpu.region"() ({
        %run_scoped3A = tpu.sem_alloc : memref<!tpu.dma_semaphore, #tpu.memory_space<semaphore_mem>>
        %dma_start3A = arith.constant 0 : i32
        %dma_start3A_162 = tpu.memref_slice %arg17[%dma_start3A] : memref<5120xi32, #tpu.memory_space<vmem>> -> memref<2048xi32, #tpu.memory_space<vmem>>
        %dma_start3A_163 = tpu.memref_slice %arg4[%mul3A_98] : memref<81920xi32, #tpu.memory_space<hbm>> -> memref<2048xi32, #tpu.memory_space<hbm>>
        %dma_start3A_164 = arith.constant 0 : i32
        %dma_start3A_165 = tpu.memref_slice %arg17[%dma_start3A_164] : memref<5120xi32, #tpu.memory_space<vmem>> -> memref<2048xi32, #tpu.memory_space<vmem>>
        %dma_start3A_166 = tpu.memref_slice %arg4[%mul3A_98] : memref<81920xi32, #tpu.memory_space<hbm>> -> memref<2048xi32, #tpu.memory_space<hbm>>
        tpu.enqueue_dma source(%dma_start3A_166 : memref<2048xi32, #tpu.memory_space<hbm>>) target(%dma_start3A_165 : memref<2048xi32, #tpu.memory_space<vmem>>) target_semaphore(%run_scoped3A : memref<!tpu.dma_semaphore, #tpu.memory_space<semaphore_mem>>)
        %dma_wait3A = arith.constant 0 : i32
        %dma_wait3A_167 = tpu.memref_slice %arg17[%dma_wait3A] : memref<5120xi32, #tpu.memory_space<vmem>> -> memref<2048xi32, #tpu.memory_space<vmem>>
        %dma_wait3A_168 = tpu.memref_slice %arg4[%mul3A_98] : memref<81920xi32, #tpu.memory_space<hbm>> -> memref<2048xi32, #tpu.memory_space<hbm>>
        %dma_wait3A_169 = arith.constant 0 : i32
        %dma_wait3A_170 = tpu.memref_slice %arg17[%dma_wait3A_169] : memref<5120xi32, #tpu.memory_space<vmem>> -> memref<2048xi32, #tpu.memory_space<vmem>>
        %dma_wait3A_171 = tpu.memref_slice %arg4[%mul3A_98] : memref<81920xi32, #tpu.memory_space<hbm>> -> memref<2048xi32, #tpu.memory_space<hbm>>
        tpu.wait_dma2 semaphore(%run_scoped3A : memref<!tpu.dma_semaphore, #tpu.memory_space<semaphore_mem>>) src(%dma_wait3A_171 : memref<2048xi32, #tpu.memory_space<hbm>>) dst(%dma_wait3A_170 : memref<2048xi32, #tpu.memory_space<vmem>>)
        tpu.yield
      }) : () -> ()
      %eq3A_99 = arith.constant 0 : i32
      %eq3A_100 = vector.broadcast %eq3A_99 : i32 to vector<16xi32>
      %eq3A_101 = arith.cmpi eq, %iota3A, %eq3A_100 : vector<16xi32>
      %get3A_102 = arith.constant 0 : index
      %get3A_103 = tpu.vector_load %arg16[%get3A_102] {strides = array<i32>} : memref<5120xf32, #tpu.memory_space<vmem>>, vector<16xf32>,
      %get3A_104 = vector.shape_cast %get3A_103 : vector<16xf32> to vector<16xf32>
      %slice3A_105 = vector.extract_strided_slice %get3A_104 {offsets = [0], sizes = [1], strides = [1]} : vector<16xf32> to vector<1xf32>
      %squeeze3A_106 = vector.extract %slice3A_105[0] : f32 from vector<1xf32>
      %broadcast_in_dim3A_107 = arith.constant 0.000000e+00 : f32
      %broadcast_in_dim3A_108 = vector.broadcast %broadcast_in_dim3A_107 : f32 to vector<16xf32>
      %add3A_109 = vector.broadcast %squeeze3A_106 : f32 to vector<16xf32>
      %add3A_110 = arith.addf %broadcast_in_dim3A_108, %add3A_109 : vector<16xf32>
      %select_n3A_111 = arith.select %eq3A_101, %add3A_110, %add3A_3 : vector<16xi1>, vector<16xf32>
      %eq3A_112 = arith.constant 1 : i32
      %eq3A_113 = vector.broadcast %eq3A_112 : i32 to vector<16xi32>
      %eq3A_114 = arith.cmpi eq, %iota3A, %eq3A_113 : vector<16xi32>
      %get3A_115 = arith.constant 512 : index
      %get3A_116 = tpu.vector_load %arg16[%get3A_115] {strides = array<i32>} : memref<5120xf32, #tpu.memory_space<vmem>>, vector<16xf32>,
      %get3A_117 = vector.shape_cast %get3A_116 : vector<16xf32> to vector<16xf32>
      %slice3A_118 = vector.extract_strided_slice %get3A_117 {offsets = [0], sizes = [1], strides = [1]} : vector<16xf32> to vector<1xf32>
      %squeeze3A_119 = vector.extract %slice3A_118[0] : f32 from vector<1xf32>
      %broadcast_in_dim3A_120 = arith.constant 0.000000e+00 : f32
      %broadcast_in_dim3A_121 = vector.broadcast %broadcast_in_dim3A_120 : f32 to vector<16xf32>
      %add3A_122 = vector.broadcast %squeeze3A_119 : f32 to vector<16xf32>
      %add3A_123 = arith.addf %broadcast_in_dim3A_121, %add3A_122 : vector<16xf32>
      %select_n3A_124 = arith.select %eq3A_114, %add3A_123, %select_n3A_111 : vector<16xi1>, vector<16xf32>
      %eq3A_125 = arith.constant 2 : i32
      %eq3A_126 = vector.broadcast %eq3A_125 : i32 to vector<16xi32>
      %eq3A_127 = arith.cmpi eq, %iota3A, %eq3A_126 : vector<16xi32>
      %get3A_128 = arith.constant 1024 : index
      %get3A_129 = tpu.vector_load %arg16[%get3A_128] {strides = array<i32>} : memref<5120xf32, #tpu.memory_space<vmem>>, vector<16xf32>,
      %get3A_130 = vector.shape_cast %get3A_129 : vector<16xf32> to vector<16xf32>
      %slice3A_131 = vector.extract_strided_slice %get3A_130 {offsets = [0], sizes = [1], strides = [1]} : vector<16xf32> to vector<1xf32>
      %squeeze3A_132 = vector.extract %slice3A_131[0] : f32 from vector<1xf32>
      %broadcast_in_dim3A_133 = arith.constant 0.000000e+00 : f32
      %broadcast_in_dim3A_134 = vector.broadcast %broadcast_in_dim3A_133 : f32 to vector<16xf32>
      %add3A_135 = vector.broadcast %squeeze3A_132 : f32 to vector<16xf32>
      %add3A_136 = arith.addf %broadcast_in_dim3A_134, %add3A_135 : vector<16xf32>
      %select_n3A_137 = arith.select %eq3A_127, %add3A_136, %select_n3A_124 : vector<16xi1>, vector<16xf32>
      %eq3A_138 = arith.constant 3 : i32
      %eq3A_139 = vector.broadcast %eq3A_138 : i32 to vector<16xi32>
      %eq3A_140 = arith.cmpi eq, %iota3A, %eq3A_139 : vector<16xi32>
      %get3A_141 = arith.constant 1536 : index
      %get3A_142 = tpu.vector_load %arg16[%get3A_141] {strides = array<i32>} : memref<5120xf32, #tpu.memory_space<vmem>>, vector<16xf32>,
      %get3A_143 = vector.shape_cast %get3A_142 : vector<16xf32> to vector<16xf32>
      %slice3A_144 = vector.extract_strided_slice %get3A_143 {offsets = [0], sizes = [1], strides = [1]} : vector<16xf32> to vector<1xf32>
      %squeeze3A_145 = vector.extract %slice3A_144[0] : f32 from vector<1xf32>
      %broadcast_in_dim3A_146 = arith.constant 0.000000e+00 : f32
      %broadcast_in_dim3A_147 = vector.broadcast %broadcast_in_dim3A_146 : f32 to vector<16xf32>
      %add3A_148 = vector.broadcast %squeeze3A_145 : f32 to vector<16xf32>
      %add3A_149 = arith.addf %broadcast_in_dim3A_147, %add3A_148 : vector<16xf32>
      %select_n3A_150 = arith.select %eq3A_140, %add3A_149, %select_n3A_137 : vector<16xi1>, vector<16xf32>
      %scan3A_151 = arith.constant 0 : i32
      %scan3A_152 = arith.constant 500 : i32
      %scan3A_153 = arith.addi %scan3A_151, %scan3A_152 : i32
      %scan3A_154 = arith.constant 1 : i32
      %scan3A_155:2 = scf.for %scan3A_162 = %scan3A_151 to %scan3A_153 step %scan3A_154 iter_args(%scan3A_163 = %select_n3A_150, %scan3A_164 = %mul3A_1) -> (vector<16xf32>, vector<16xi32>)  : i32 {
        %iota3A_165 = tpu.iota {dimensions = array<i32: 0>} : vector<16xi32>
        %xor3A = arith.constant 1 : i32
        %xor3A_166 = vector.broadcast %xor3A : i32 to vector<16xi32>
        %xor3A_167 = arith.xori %iota3A_165, %xor3A_166 : vector<16xi32>
        %reshape3A = vector.shape_cast %xor3A_167 : vector<16xi32> to vector<16x1xi32>
        %gather3A = vector.shape_cast %reshape3A : vector<16x1xi32> to vector<16xi32>
        %gather3A_168 = tpu.dynamic_gather %scan3A_163[%gather3A] in [0] : vector<16xf32>, vector<16xi32> -> vector<16xf32>
        %max3A = arith.maximumf %scan3A_163, %gather3A_168 : vector<16xf32>
        %xor3A_169 = arith.constant 2 : i32
        %xor3A_170 = vector.broadcast %xor3A_169 : i32 to vector<16xi32>
        %xor3A_171 = arith.xori %iota3A_165, %xor3A_170 : vector<16xi32>
        %reshape3A_172 = vector.shape_cast %xor3A_171 : vector<16xi32> to vector<16x1xi32>
        %gather3A_173 = vector.shape_cast %reshape3A_172 : vector<16x1xi32> to vector<16xi32>
        %gather3A_174 = tpu.dynamic_gather %max3A[%gather3A_173] in [0] : vector<16xf32>, vector<16xi32> -> vector<16xf32>
        %max3A_175 = arith.maximumf %max3A, %gather3A_174 : vector<16xf32>
        %xor3A_176 = arith.constant 4 : i32
        %xor3A_177 = vector.broadcast %xor3A_176 : i32 to vector<16xi32>
        %xor3A_178 = arith.xori %iota3A_165, %xor3A_177 : vector<16xi32>
        %reshape3A_179 = vector.shape_cast %xor3A_178 : vector<16xi32> to vector<16x1xi32>
        %gather3A_180 = vector.shape_cast %reshape3A_179 : vector<16x1xi32> to vector<16xi32>
        %gather3A_181 = tpu.dynamic_gather %max3A_175[%gather3A_180] in [0] : vector<16xf32>, vector<16xi32> -> vector<16xf32>
        %max3A_182 = arith.maximumf %max3A_175, %gather3A_181 : vector<16xf32>
        %xor3A_183 = arith.constant 8 : i32
        %xor3A_184 = vector.broadcast %xor3A_183 : i32 to vector<16xi32>
        %xor3A_185 = arith.xori %iota3A_165, %xor3A_184 : vector<16xi32>
        %reshape3A_186 = vector.shape_cast %xor3A_185 : vector<16xi32> to vector<16x1xi32>
        %gather3A_187 = vector.shape_cast %reshape3A_186 : vector<16x1xi32> to vector<16xi32>
        %gather3A_188 = tpu.dynamic_gather %max3A_182[%gather3A_187] in [0] : vector<16xf32>, vector<16xi32> -> vector<16xf32>
        %max3A_189 = arith.maximumf %max3A_182, %gather3A_188 : vector<16xf32>
        %eq3A_190 = arith.cmpf oeq, %scan3A_163, %max3A_189 : vector<16xf32>
        %jit3A = arith.constant 16 : i32
        %broadcast_in_dim3A_191 = vector.broadcast %jit3A : i32 to vector<16xi32>
        %select_n3A_192 = arith.select %eq3A_190, %iota3A, %broadcast_in_dim3A_191 : vector<16xi1>, vector<16xi32>
        %iota3A_193 = tpu.iota {dimensions = array<i32: 0>} : vector<16xi32>
        %xor3A_194 = arith.constant 1 : i32
        %xor3A_195 = vector.broadcast %xor3A_194 : i32 to vector<16xi32>
        %xor3A_196 = arith.xori %iota3A_193, %xor3A_195 : vector<16xi32>
        %reshape3A_197 = vector.shape_cast %xor3A_196 : vector<16xi32> to vector<16x1xi32>
        %gather3A_198 = vector.shape_cast %reshape3A_197 : vector<16x1xi32> to vector<16xi32>
        %gather3A_199 = tpu.dynamic_gather %select_n3A_192[%gather3A_198] in [0] : vector<16xi32>, vector<16xi32> -> vector<16xi32>
        %min3A = arith.minsi %select_n3A_192, %gather3A_199 : vector<16xi32>
        %xor3A_200 = arith.constant 2 : i32
        %xor3A_201 = vector.broadcast %xor3A_200 : i32 to vector<16xi32>
        %xor3A_202 = arith.xori %iota3A_193, %xor3A_201 : vector<16xi32>
        %reshape3A_203 = vector.shape_cast %xor3A_202 : vector<16xi32> to vector<16x1xi32>
        %gather3A_204 = vector.shape_cast %reshape3A_203 : vector<16x1xi32> to vector<16xi32>
        %gather3A_205 = tpu.dynamic_gather %min3A[%gather3A_204] in [0] : vector<16xi32>, vector<16xi32> -> vector<16xi32>
        %min3A_206 = arith.minsi %min3A, %gather3A_205 : vector<16xi32>
        %xor3A_207 = arith.constant 4 : i32
        %xor3A_208 = vector.broadcast %xor3A_207 : i32 to vector<16xi32>
        %xor3A_209 = arith.xori %iota3A_193, %xor3A_208 : vector<16xi32>
        %reshape3A_210 = vector.shape_cast %xor3A_209 : vector<16xi32> to vector<16x1xi32>
        %gather3A_211 = vector.shape_cast %reshape3A_210 : vector<16x1xi32> to vector<16xi32>
        %gather3A_212 = tpu.dynamic_gather %min3A_206[%gather3A_211] in [0] : vector<16xi32>, vector<16xi32> -> vector<16xi32>
        %min3A_213 = arith.minsi %min3A_206, %gather3A_212 : vector<16xi32>
        %xor3A_214 = arith.constant 8 : i32
        %xor3A_215 = vector.broadcast %xor3A_214 : i32 to vector<16xi32>
        %xor3A_216 = arith.xori %iota3A_193, %xor3A_215 : vector<16xi32>
        %reshape3A_217 = vector.shape_cast %xor3A_216 : vector<16xi32> to vector<16x1xi32>
        %gather3A_218 = vector.shape_cast %reshape3A_217 : vector<16x1xi32> to vector<16xi32>
        %gather3A_219 = tpu.dynamic_gather %min3A_213[%gather3A_218] in [0] : vector<16xi32>, vector<16xi32> -> vector<16xi32>
        %min3A_220 = arith.minsi %min3A_213, %gather3A_219 : vector<16xi32>
        %iota3A_221 = tpu.iota {dimensions = array<i32: 0>} : vector<16xi32>
        %add3A_222 = arith.addi %min3A_220, %iota3A_221 : vector<16xi32>
        %sub3A = arith.subi %add3A_222, %iota3A_221 : vector<16xi32>
        %slice3A_223 = vector.extract_strided_slice %sub3A {offsets = [0], sizes = [1], strides = [1]} : vector<16xi32> to vector<1xi32>
        %squeeze3A_224 = vector.extract %slice3A_223[0] : i32 from vector<1xi32>
        %mul3A_225 = arith.constant 512 : i32
        %mul3A_226 = arith.muli %squeeze3A_224, %mul3A_225 : i32
        %eq3A_227 = vector.broadcast %squeeze3A_224 : i32 to vector<16xi32>
        %eq3A_228 = arith.cmpi eq, %iota3A, %eq3A_227 : vector<16xi32>
        %jit3A_229 = arith.constant 0 : i32
        %broadcast_in_dim3A_230 = vector.broadcast %jit3A_229 : i32 to vector<16xi32>
        %select_n3A_231 = arith.select %eq3A_228, %scan3A_164, %broadcast_in_dim3A_230 : vector<16xi1>, vector<16xi32>
        %iota3A_232 = tpu.iota {dimensions = array<i32: 0>} : vector<16xi32>
        %xor3A_233 = arith.constant 1 : i32
        %xor3A_234 = vector.broadcast %xor3A_233 : i32 to vector<16xi32>
        %xor3A_235 = arith.xori %iota3A_232, %xor3A_234 : vector<16xi32>
        %reshape3A_236 = vector.shape_cast %xor3A_235 : vector<16xi32> to vector<16x1xi32>
        %gather3A_237 = vector.shape_cast %reshape3A_236 : vector<16x1xi32> to vector<16xi32>
        %gather3A_238 = tpu.dynamic_gather %select_n3A_231[%gather3A_237] in [0] : vector<16xi32>, vector<16xi32> -> vector<16xi32>
        %add3A_239 = arith.addi %select_n3A_231, %gather3A_238 : vector<16xi32>
        %xor3A_240 = arith.constant 2 : i32
        %xor3A_241 = vector.broadcast %xor3A_240 : i32 to vector<16xi32>
        %xor3A_242 = arith.xori %iota3A_232, %xor3A_241 : vector<16xi32>
        %reshape3A_243 = vector.shape_cast %xor3A_242 : vector<16xi32> to vector<16x1xi32>
        %gather3A_244 = vector.shape_cast %reshape3A_243 : vector<16x1xi32> to vector<16xi32>
        %gather3A_245 = tpu.dynamic_gather %add3A_239[%gather3A_244] in [0] : vector<16xi32>, vector<16xi32> -> vector<16xi32>
        %add3A_246 = arith.addi %add3A_239, %gather3A_245 : vector<16xi32>
        %xor3A_247 = arith.constant 4 : i32
        %xor3A_248 = vector.broadcast %xor3A_247 : i32 to vector<16xi32>
        %xor3A_249 = arith.xori %iota3A_232, %xor3A_248 : vector<16xi32>
        %reshape3A_250 = vector.shape_cast %xor3A_249 : vector<16xi32> to vector<16x1xi32>
        %gather3A_251 = vector.shape_cast %reshape3A_250 : vector<16x1xi32> to vector<16xi32>
        %gather3A_252 = tpu.dynamic_gather %add3A_246[%gather3A_251] in [0] : vector<16xi32>, vector<16xi32> -> vector<16xi32>
        %add3A_253 = arith.addi %add3A_246, %gather3A_252 : vector<16xi32>
        %xor3A_254 = arith.constant 8 : i32
        %xor3A_255 = vector.broadcast %xor3A_254 : i32 to vector<16xi32>
        %xor3A_256 = arith.xori %iota3A_232, %xor3A_255 : vector<16xi32>
        %reshape3A_257 = vector.shape_cast %xor3A_256 : vector<16xi32> to vector<16x1xi32>
        %gather3A_258 = vector.shape_cast %reshape3A_257 : vector<16x1xi32> to vector<16xi32>
        %gather3A_259 = tpu.dynamic_gather %add3A_253[%gather3A_258] in [0] : vector<16xi32>, vector<16xi32> -> vector<16xi32>
        %add3A_260 = arith.addi %add3A_253, %gather3A_259 : vector<16xi32>
        %iota3A_261 = tpu.iota {dimensions = array<i32: 0>} : vector<16xi32>
        %add3A_262 = arith.addi %add3A_260, %iota3A_261 : vector<16xi32>
        %sub3A_263 = arith.subi %add3A_262, %iota3A_261 : vector<16xi32>
        %slice3A_264 = vector.extract_strided_slice %sub3A_263 {offsets = [0], sizes = [1], strides = [1]} : vector<16xi32> to vector<1xi32>
        %squeeze3A_265 = vector.extract %slice3A_264[0] : i32 from vector<1xi32>
        %add3A_266 = arith.addi %mul3A_226, %squeeze3A_265 : i32
        %jit3A_267 = arith.constant 16 : i32
        %div3A = arith.divsi %scan3A_162, %jit3A_267 : i32
        %sign3A = arith.constant 0 : i32
        %sign3A_268 = arith.cmpi sgt, %scan3A_162, %sign3A : i32
        %sign3A_269 = arith.extui %sign3A_268 : i1 to i32
        %sign3A_270 = arith.constant 0 : i32
        %sign3A_271 = arith.cmpi slt, %scan3A_162, %sign3A_270 : i32
        %sign3A_272 = arith.extui %sign3A_271 : i1 to i32
        %sign3A_273 = arith.subi %sign3A_269, %sign3A_272 : i32
        %sign3A_274 = arith.constant 0 : i32
        %sign3A_275 = arith.cmpi sgt, %jit3A_267, %sign3A_274 : i32
        %sign3A_276 = arith.extui %sign3A_275 : i1 to i32
        %sign3A_277 = arith.constant 0 : i32
        %sign3A_278 = arith.cmpi slt, %jit3A_267, %sign3A_277 : i32
        %sign3A_279 = arith.extui %sign3A_278 : i1 to i32
        %sign3A_280 = arith.subi %sign3A_276, %sign3A_279 : i32
        %ne3A = arith.cmpi ne, %sign3A_273, %sign3A_280 : i32
        %rem3A = arith.remsi %scan3A_162, %jit3A_267 : i32
        %ne3A_281 = arith.constant 0 : i32
        %ne3A_282 = arith.cmpi ne, %rem3A, %ne3A_281 : i32
        %and3A = arith.andi %ne3A, %ne3A_282 : i1
        %sub3A_283 = arith.constant 1 : i32
        %sub3A_284 = arith.subi %div3A, %sub3A_283 : i32
        %select_n3A_285 = arith.select %and3A, %sub3A_284, %div3A : i32
        %mul3A_286 = arith.constant 16 : i32
        %mul3A_287 = arith.muli %select_n3A_285, %mul3A_286 : i32
        %get3A_288 = arith.index_cast %mul3A_287 : i32 to index
        %get3A_289 = tpu.vector_load %arg18[%get3A_288] {strides = array<i32>} : memref<512xf32, #tpu.memory_space<vmem>>, vector<16xf32>,
        %get3A_290 = vector.shape_cast %get3A_289 : vector<16xf32> to vector<16xf32>
        %iota3A_291 = tpu.iota {dimensions = array<i32: 0>} : vector<16xi32>
        %sub3A_292 = arith.subi %scan3A_162, %mul3A_287 : i32
        %broadcast_in_dim3A_293 = arith.constant 0 : i32
        %broadcast_in_dim3A_294 = vector.broadcast %broadcast_in_dim3A_293 : i32 to vector<16xi32>
        %add3A_295 = vector.broadcast %sub3A_292 : i32 to vector<16xi32>
        %add3A_296 = arith.addi %broadcast_in_dim3A_294, %add3A_295 : vector<16xi32>
        %eq3A_297 = arith.cmpi eq, %iota3A_291, %add3A_296 : vector<16xi32>
        %select_n3A_298 = arith.select %eq3A_297, %max3A_189, %get3A_290 : vector<16xi1>, vector<16xf32>
        %swap3A = arith.index_cast %mul3A_287 : i32 to index
        %swap3A_299 = tpu.vector_load %arg18[%swap3A] {strides = array<i32>} : memref<512xf32, #tpu.memory_space<vmem>>, vector<16xf32>,
        %swap3A_300 = vector.shape_cast %swap3A_299 : vector<16xf32> to vector<16xf32>
        %swap3A_301 = vector.shape_cast %select_n3A_298 : vector<16xf32> to vector<16xf32>
        tpu.vector_store %arg18[%swap3A], %swap3A_301 {strides = array<i32>} : memref<512xf32, #tpu.memory_space<vmem>>, vector<16xf32>,
        %jit3A_302 = arith.constant 16 : i32
        %div3A_303 = arith.divsi %add3A_266, %jit3A_302 : i32
        %sign3A_304 = arith.constant 0 : i32
        %sign3A_305 = arith.cmpi sgt, %add3A_266, %sign3A_304 : i32
        %sign3A_306 = arith.extui %sign3A_305 : i1 to i32
        %sign3A_307 = arith.constant 0 : i32
        %sign3A_308 = arith.cmpi slt, %add3A_266, %sign3A_307 : i32
        %sign3A_309 = arith.extui %sign3A_308 : i1 to i32
        %sign3A_310 = arith.subi %sign3A_306, %sign3A_309 : i32
        %sign3A_311 = arith.constant 0 : i32
        %sign3A_312 = arith.cmpi sgt, %jit3A_302, %sign3A_311 : i32
        %sign3A_313 = arith.extui %sign3A_312 : i1 to i32
        %sign3A_314 = arith.constant 0 : i32
        %sign3A_315 = arith.cmpi slt, %jit3A_302, %sign3A_314 : i32
        %sign3A_316 = arith.extui %sign3A_315 : i1 to i32
        %sign3A_317 = arith.subi %sign3A_313, %sign3A_316 : i32
        %ne3A_318 = arith.cmpi ne, %sign3A_310, %sign3A_317 : i32
        %rem3A_319 = arith.remsi %add3A_266, %jit3A_302 : i32
        %ne3A_320 = arith.constant 0 : i32
        %ne3A_321 = arith.cmpi ne, %rem3A_319, %ne3A_320 : i32
        %and3A_322 = arith.andi %ne3A_318, %ne3A_321 : i1
        %sub3A_323 = arith.constant 1 : i32
        %sub3A_324 = arith.subi %div3A_303, %sub3A_323 : i32
        %select_n3A_325 = arith.select %and3A_322, %sub3A_324, %div3A_303 : i32
        %mul3A_326 = arith.constant 16 : i32
        %mul3A_327 = arith.muli %select_n3A_325, %mul3A_326 : i32
        %get3A_328 = arith.index_cast %mul3A_327 : i32 to index
        %get3A_329 = tpu.vector_load %arg17[%get3A_328] {strides = array<i32>} : memref<5120xi32, #tpu.memory_space<vmem>>, vector<16xi32>,
        %get3A_330 = vector.shape_cast %get3A_329 : vector<16xi32> to vector<16xi32>
        %sub3A_331 = arith.subi %add3A_266, %mul3A_327 : i32
        %broadcast_in_dim3A_332 = arith.constant 0 : i32
        %broadcast_in_dim3A_333 = vector.broadcast %broadcast_in_dim3A_332 : i32 to vector<16xi32>
        %add3A_334 = vector.broadcast %sub3A_331 : i32 to vector<16xi32>
        %add3A_335 = arith.addi %broadcast_in_dim3A_333, %add3A_334 : vector<16xi32>
        %reshape3A_336 = vector.shape_cast %add3A_335 : vector<16xi32> to vector<16x1xi32>
        %gather3A_337 = vector.shape_cast %reshape3A_336 : vector<16x1xi32> to vector<16xi32>
        %gather3A_338 = tpu.dynamic_gather %get3A_330[%gather3A_337] in [0] : vector<16xi32>, vector<16xi32> -> vector<16xi32>
        %jit3A_339 = arith.constant 16 : i32
        %div3A_340 = arith.divsi %scan3A_162, %jit3A_339 : i32
        %sign3A_341 = arith.constant 0 : i32
        %sign3A_342 = arith.cmpi sgt, %scan3A_162, %sign3A_341 : i32
        %sign3A_343 = arith.extui %sign3A_342 : i1 to i32
        %sign3A_344 = arith.constant 0 : i32
        %sign3A_345 = arith.cmpi slt, %scan3A_162, %sign3A_344 : i32
        %sign3A_346 = arith.extui %sign3A_345 : i1 to i32
        %sign3A_347 = arith.subi %sign3A_343, %sign3A_346 : i32
        %sign3A_348 = arith.constant 0 : i32
        %sign3A_349 = arith.cmpi sgt, %jit3A_339, %sign3A_348 : i32
        %sign3A_350 = arith.extui %sign3A_349 : i1 to i32
        %sign3A_351 = arith.constant 0 : i32
        %sign3A_352 = arith.cmpi slt, %jit3A_339, %sign3A_351 : i32
        %sign3A_353 = arith.extui %sign3A_352 : i1 to i32
        %sign3A_354 = arith.subi %sign3A_350, %sign3A_353 : i32
        %ne3A_355 = arith.cmpi ne, %sign3A_347, %sign3A_354 : i32
        %rem3A_356 = arith.remsi %scan3A_162, %jit3A_339 : i32
        %ne3A_357 = arith.constant 0 : i32
        %ne3A_358 = arith.cmpi ne, %rem3A_356, %ne3A_357 : i32
        %and3A_359 = arith.andi %ne3A_355, %ne3A_358 : i1
        %sub3A_360 = arith.constant 1 : i32
        %sub3A_361 = arith.subi %div3A_340, %sub3A_360 : i32
        %select_n3A_362 = arith.select %and3A_359, %sub3A_361, %div3A_340 : i32
        %mul3A_363 = arith.constant 16 : i32
        %mul3A_364 = arith.muli %select_n3A_362, %mul3A_363 : i32
        %get3A_365 = arith.index_cast %mul3A_364 : i32 to index
        %get3A_366 = tpu.vector_load %arg19[%get3A_365] {strides = array<i32>} : memref<512xi32, #tpu.memory_space<vmem>>, vector<16xi32>,
        %get3A_367 = vector.shape_cast %get3A_366 : vector<16xi32> to vector<16xi32>
        %iota3A_368 = tpu.iota {dimensions = array<i32: 0>} : vector<16xi32>
        %sub3A_369 = arith.subi %scan3A_162, %mul3A_364 : i32
        %broadcast_in_dim3A_370 = arith.constant 0 : i32
        %broadcast_in_dim3A_371 = vector.broadcast %broadcast_in_dim3A_370 : i32 to vector<16xi32>
        %add3A_372 = vector.broadcast %sub3A_369 : i32 to vector<16xi32>
        %add3A_373 = arith.addi %broadcast_in_dim3A_371, %add3A_372 : vector<16xi32>
        %eq3A_374 = arith.cmpi eq, %iota3A_368, %add3A_373 : vector<16xi32>
        %select_n3A_375 = arith.select %eq3A_374, %gather3A_338, %get3A_367 : vector<16xi1>, vector<16xi32>
        %swap3A_376 = arith.index_cast %mul3A_364 : i32 to index
        %swap3A_377 = tpu.vector_load %arg19[%swap3A_376] {strides = array<i32>} : memref<512xi32, #tpu.memory_space<vmem>>, vector<16xi32>,
        %swap3A_378 = vector.shape_cast %swap3A_377 : vector<16xi32> to vector<16xi32>
        %swap3A_379 = vector.shape_cast %select_n3A_375 : vector<16xi32> to vector<16xi32>
        tpu.vector_store %arg19[%swap3A_376], %swap3A_379 {strides = array<i32>} : memref<512xi32, #tpu.memory_space<vmem>>, vector<16xi32>,
        %broadcast_in_dim3A_380 = arith.constant 0 : i32
        %broadcast_in_dim3A_381 = vector.broadcast %broadcast_in_dim3A_380 : i32 to vector<16xi32>
        %add3A_382 = vector.broadcast %squeeze3A_224 : i32 to vector<16xi32>
        %add3A_383 = arith.addi %broadcast_in_dim3A_381, %add3A_382 : vector<16xi32>
        %eq3A_384 = arith.cmpi eq, %iota3A, %add3A_383 : vector<16xi32>
        %add3A_385 = arith.constant 1 : i32
        %add3A_386 = arith.addi %add3A_266, %add3A_385 : i32
        %jit3A_387 = arith.constant 16 : i32
        %div3A_388 = arith.divsi %add3A_386, %jit3A_387 : i32
        %sign3A_389 = arith.constant 0 : i32
        %sign3A_390 = arith.cmpi sgt, %add3A_386, %sign3A_389 : i32
        %sign3A_391 = arith.extui %sign3A_390 : i1 to i32
        %sign3A_392 = arith.constant 0 : i32
        %sign3A_393 = arith.cmpi slt, %add3A_386, %sign3A_392 : i32
        %sign3A_394 = arith.extui %sign3A_393 : i1 to i32
        %sign3A_395 = arith.subi %sign3A_391, %sign3A_394 : i32
        %sign3A_396 = arith.constant 0 : i32
        %sign3A_397 = arith.cmpi sgt, %jit3A_387, %sign3A_396 : i32
        %sign3A_398 = arith.extui %sign3A_397 : i1 to i32
        %sign3A_399 = arith.constant 0 : i32
        %sign3A_400 = arith.cmpi slt, %jit3A_387, %sign3A_399 : i32
        %sign3A_401 = arith.extui %sign3A_400 : i1 to i32
        %sign3A_402 = arith.subi %sign3A_398, %sign3A_401 : i32
        %ne3A_403 = arith.cmpi ne, %sign3A_395, %sign3A_402 : i32
        %rem3A_404 = arith.remsi %add3A_386, %jit3A_387 : i32
        %ne3A_405 = arith.constant 0 : i32
        %ne3A_406 = arith.cmpi ne, %rem3A_404, %ne3A_405 : i32
        %and3A_407 = arith.andi %ne3A_403, %ne3A_406 : i1
        %sub3A_408 = arith.constant 1 : i32
        %sub3A_409 = arith.subi %div3A_388, %sub3A_408 : i32
        %select_n3A_410 = arith.select %and3A_407, %sub3A_409, %div3A_388 : i32
        %mul3A_411 = arith.constant 16 : i32
        %mul3A_412 = arith.muli %select_n3A_410, %mul3A_411 : i32
        %get3A_413 = arith.index_cast %mul3A_412 : i32 to index
        %get3A_414 = tpu.vector_load %arg16[%get3A_413] {strides = array<i32>} : memref<5120xf32, #tpu.memory_space<vmem>>, vector<16xf32>,
        %get3A_415 = vector.shape_cast %get3A_414 : vector<16xf32> to vector<16xf32>
        %sub3A_416 = arith.subi %add3A_386, %mul3A_412 : i32
        %broadcast_in_dim3A_417 = arith.constant 0 : i32
        %broadcast_in_dim3A_418 = vector.broadcast %broadcast_in_dim3A_417 : i32 to vector<16xi32>
        %add3A_419 = vector.broadcast %sub3A_416 : i32 to vector<16xi32>
        %add3A_420 = arith.addi %broadcast_in_dim3A_418, %add3A_419 : vector<16xi32>
        %reshape3A_421 = vector.shape_cast %add3A_420 : vector<16xi32> to vector<16x1xi32>
        %gather3A_422 = vector.shape_cast %reshape3A_421 : vector<16x1xi32> to vector<16xi32>
        %gather3A_423 = tpu.dynamic_gather %get3A_415[%gather3A_422] in [0] : vector<16xf32>, vector<16xi32> -> vector<16xf32>
        %select_n3A_424 = arith.select %eq3A_384, %gather3A_423, %scan3A_163 : vector<16xi1>, vector<16xf32>
        %broadcast_in_dim3A_425 = arith.constant 0 : i32
        %broadcast_in_dim3A_426 = vector.broadcast %broadcast_in_dim3A_425 : i32 to vector<16xi32>
        %add3A_427 = vector.broadcast %squeeze3A_224 : i32 to vector<16xi32>
        %add3A_428 = arith.addi %broadcast_in_dim3A_426, %add3A_427 : vector<16xi32>
        %eq3A_429 = arith.cmpi eq, %iota3A, %add3A_428 : vector<16xi32>
        %add3A_430 = arith.constant 1 : i32
        %add3A_431 = vector.broadcast %add3A_430 : i32 to vector<16xi32>
        %add3A_432 = arith.addi %scan3A_164, %add3A_431 : vector<16xi32>
        %select_n3A_433 = arith.select %eq3A_429, %add3A_432, %scan3A_164 : vector<16xi1>, vector<16xi32>
        scf.yield %select_n3A_424, %select_n3A_433 : vector<16xf32>, vector<16xi32>
      }
      %scan3A_156 = arith.constant 500 : i32
      %mul3A_157 = arith.constant 20 : i32
      %mul3A_158 = arith.muli %arg0, %mul3A_157 : i32
      %add3A_159 = arith.addi %mul3A_158, %add3A_91 : i32
      %mul3A_160 = arith.constant 512 : i32
      %mul3A_161 = arith.muli %add3A_159, %mul3A_160 : i32
      "tpu.region"() ({
        %run_scoped3A = tpu.sem_alloc : memref<!tpu.dma_semaphore, #tpu.memory_space<semaphore_mem>>
        %dma_start3A = tpu.memref_slice %arg5[%mul3A_161] : memref<20480xf32, #tpu.memory_space<hbm>> -> memref<512xf32, #tpu.memory_space<hbm>>
        %dma_start3A_162 = tpu.memref_slice %arg5[%mul3A_161] : memref<20480xf32, #tpu.memory_space<hbm>> -> memref<512xf32, #tpu.memory_space<hbm>>
        tpu.enqueue_dma source(%arg18 : memref<512xf32, #tpu.memory_space<vmem>>) target(%dma_start3A_162 : memref<512xf32, #tpu.memory_space<hbm>>) target_semaphore(%run_scoped3A : memref<!tpu.dma_semaphore, #tpu.memory_space<semaphore_mem>>)
        %dma_wait3A = tpu.memref_slice %arg5[%mul3A_161] : memref<20480xf32, #tpu.memory_space<hbm>> -> memref<512xf32, #tpu.memory_space<hbm>>
        %dma_wait3A_163 = tpu.memref_slice %arg5[%mul3A_161] : memref<20480xf32, #tpu.memory_space<hbm>> -> memref<512xf32, #tpu.memory_space<hbm>>
        tpu.wait_dma2 semaphore(%run_scoped3A : memref<!tpu.dma_semaphore, #tpu.memory_space<semaphore_mem>>) src(%arg18 : memref<512xf32, #tpu.memory_space<vmem>>) dst(%dma_wait3A_163 : memref<512xf32, #tpu.memory_space<hbm>>)
        tpu.yield
      }) : () -> ()
      "tpu.region"() ({
        %run_scoped3A = tpu.sem_alloc : memref<!tpu.dma_semaphore, #tpu.memory_space<semaphore_mem>>
        %dma_start3A = tpu.memref_slice %arg6[%mul3A_161] : memref<20480xi32, #tpu.memory_space<hbm>> -> memref<512xi32, #tpu.memory_space<hbm>>
        %dma_start3A_162 = tpu.memref_slice %arg6[%mul3A_161] : memref<20480xi32, #tpu.memory_space<hbm>> -> memref<512xi32, #tpu.memory_space<hbm>>
        tpu.enqueue_dma source(%arg19 : memref<512xi32, #tpu.memory_space<vmem>>) target(%dma_start3A_162 : memref<512xi32, #tpu.memory_space<hbm>>) target_semaphore(%run_scoped3A : memref<!tpu.dma_semaphore, #tpu.memory_space<semaphore_mem>>)
        %dma_wait3A = tpu.memref_slice %arg6[%mul3A_161] : memref<20480xi32, #tpu.memory_space<hbm>> -> memref<512xi32, #tpu.memory_space<hbm>>
        %dma_wait3A_163 = tpu.memref_slice %arg6[%mul3A_161] : memref<20480xi32, #tpu.memory_space<hbm>> -> memref<512xi32, #tpu.memory_space<hbm>>
        tpu.wait_dma2 semaphore(%run_scoped3A : memref<!tpu.dma_semaphore, #tpu.memory_space<semaphore_mem>>) src(%arg19 : memref<512xi32, #tpu.memory_space<vmem>>) dst(%dma_wait3A_163 : memref<512xi32, #tpu.memory_space<hbm>>)
        tpu.yield
      }) : () -> ()
    } else {
    }
    %barrier3A_84 = arith.constant 0 : index
    tpu.barrier barrier_id(%barrier3A_84)
    %lt3A_85 = arith.constant 2 : i32
    %lt3A_86 = arith.cmpi slt, %arg1, %lt3A_85 : i32
    %convert_element_type3A_87 = arith.extui %lt3A_86 : i1 to i32
    %cond3A_88 = arith.constant 0 : i32
    %cond3A_89 = arith.cmpi ne, %convert_element_type3A_87, %cond3A_88 : i32
    scf.if %cond3A_89 {
      %mul3A_90 = arith.constant 2 : i32
      %mul3A_91 = arith.muli %arg0, %mul3A_90 : i32
      %add3A_92 = arith.addi %mul3A_91, %arg1 : i32
      %mul3A_93 = arith.constant 10 : i32
      %mul3A_94 = arith.muli %add3A_92, %mul3A_93 : i32
      %mul3A_95 = arith.constant 512 : i32
      %mul3A_96 = arith.muli %mul3A_94, %mul3A_95 : i32
      "tpu.region"() ({
        %run_scoped3A = tpu.sem_alloc : memref<!tpu.dma_semaphore, #tpu.memory_space<semaphore_mem>>
        %dma_start3A = arith.constant 0 : i32
        %dma_start3A_235 = tpu.memref_slice %arg16[%dma_start3A] : memref<5120xf32, #tpu.memory_space<vmem>> -> memref<5120xf32, #tpu.memory_space<vmem>>
        %dma_start3A_236 = tpu.memref_slice %arg5[%mul3A_96] : memref<20480xf32, #tpu.memory_space<hbm>> -> memref<5120xf32, #tpu.memory_space<hbm>>
        %dma_start3A_237 = arith.constant 0 : i32
        %dma_start3A_238 = tpu.memref_slice %arg16[%dma_start3A_237] : memref<5120xf32, #tpu.memory_space<vmem>> -> memref<5120xf32, #tpu.memory_space<vmem>>
        %dma_start3A_239 = tpu.memref_slice %arg5[%mul3A_96] : memref<20480xf32, #tpu.memory_space<hbm>> -> memref<5120xf32, #tpu.memory_space<hbm>>
        tpu.enqueue_dma source(%dma_start3A_239 : memref<5120xf32, #tpu.memory_space<hbm>>) target(%dma_start3A_238 : memref<5120xf32, #tpu.memory_space<vmem>>) target_semaphore(%run_scoped3A : memref<!tpu.dma_semaphore, #tpu.memory_space<semaphore_mem>>)
        %dma_wait3A = arith.constant 0 : i32
        %dma_wait3A_240 = tpu.memref_slice %arg16[%dma_wait3A] : memref<5120xf32, #tpu.memory_space<vmem>> -> memref<5120xf32, #tpu.memory_space<vmem>>
        %dma_wait3A_241 = tpu.memref_slice %arg5[%mul3A_96] : memref<20480xf32, #tpu.memory_space<hbm>> -> memref<5120xf32, #tpu.memory_space<hbm>>
        %dma_wait3A_242 = arith.constant 0 : i32
        %dma_wait3A_243 = tpu.memref_slice %arg16[%dma_wait3A_242] : memref<5120xf32, #tpu.memory_space<vmem>> -> memref<5120xf32, #tpu.memory_space<vmem>>
        %dma_wait3A_244 = tpu.memref_slice %arg5[%mul3A_96] : memref<20480xf32, #tpu.memory_space<hbm>> -> memref<5120xf32, #tpu.memory_space<hbm>>
        tpu.wait_dma2 semaphore(%run_scoped3A : memref<!tpu.dma_semaphore, #tpu.memory_space<semaphore_mem>>) src(%dma_wait3A_244 : memref<5120xf32, #tpu.memory_space<hbm>>) dst(%dma_wait3A_243 : memref<5120xf32, #tpu.memory_space<vmem>>)
        tpu.yield
      }) : () -> ()
      "tpu.region"() ({
        %run_scoped3A = tpu.sem_alloc : memref<!tpu.dma_semaphore, #tpu.memory_space<semaphore_mem>>
        %dma_start3A = arith.constant 0 : i32
        %dma_start3A_235 = tpu.memref_slice %arg17[%dma_start3A] : memref<5120xi32, #tpu.memory_space<vmem>> -> memref<5120xi32, #tpu.memory_space<vmem>>
        %dma_start3A_236 = tpu.memref_slice %arg6[%mul3A_96] : memref<20480xi32, #tpu.memory_space<hbm>> -> memref<5120xi32, #tpu.memory_space<hbm>>
        %dma_start3A_237 = arith.constant 0 : i32
        %dma_start3A_238 = tpu.memref_slice %arg17[%dma_start3A_237] : memref<5120xi32, #tpu.memory_space<vmem>> -> memref<5120xi32, #tpu.memory_space<vmem>>
        %dma_start3A_239 = tpu.memref_slice %arg6[%mul3A_96] : memref<20480xi32, #tpu.memory_space<hbm>> -> memref<5120xi32, #tpu.memory_space<hbm>>
        tpu.enqueue_dma source(%dma_start3A_239 : memref<5120xi32, #tpu.memory_space<hbm>>) target(%dma_start3A_238 : memref<5120xi32, #tpu.memory_space<vmem>>) target_semaphore(%run_scoped3A : memref<!tpu.dma_semaphore, #tpu.memory_space<semaphore_mem>>)
        %dma_wait3A = arith.constant 0 : i32
        %dma_wait3A_240 = tpu.memref_slice %arg17[%dma_wait3A] : memref<5120xi32, #tpu.memory_space<vmem>> -> memref<5120xi32, #tpu.memory_space<vmem>>
        %dma_wait3A_241 = tpu.memref_slice %arg6[%mul3A_96] : memref<20480xi32, #tpu.memory_space<hbm>> -> memref<5120xi32, #tpu.memory_space<hbm>>
        %dma_wait3A_242 = arith.constant 0 : i32
        %dma_wait3A_243 = tpu.memref_slice %arg17[%dma_wait3A_242] : memref<5120xi32, #tpu.memory_space<vmem>> -> memref<5120xi32, #tpu.memory_space<vmem>>
        %dma_wait3A_244 = tpu.memref_slice %arg6[%mul3A_96] : memref<20480xi32, #tpu.memory_space<hbm>> -> memref<5120xi32, #tpu.memory_space<hbm>>
        tpu.wait_dma2 semaphore(%run_scoped3A : memref<!tpu.dma_semaphore, #tpu.memory_space<semaphore_mem>>) src(%dma_wait3A_244 : memref<5120xi32, #tpu.memory_space<hbm>>) dst(%dma_wait3A_243 : memref<5120xi32, #tpu.memory_space<vmem>>)
        tpu.yield
      }) : () -> ()
      %eq3A_97 = arith.constant 0 : i32
      %eq3A_98 = vector.broadcast %eq3A_97 : i32 to vector<16xi32>
      %eq3A_99 = arith.cmpi eq, %iota3A, %eq3A_98 : vector<16xi32>
      %get3A_100 = arith.constant 0 : index
      %get3A_101 = tpu.vector_load %arg16[%get3A_100] {strides = array<i32>} : memref<5120xf32, #tpu.memory_space<vmem>>, vector<16xf32>,
      %get3A_102 = vector.shape_cast %get3A_101 : vector<16xf32> to vector<16xf32>
      %slice3A_103 = vector.extract_strided_slice %get3A_102 {offsets = [0], sizes = [1], strides = [1]} : vector<16xf32> to vector<1xf32>
      %squeeze3A_104 = vector.extract %slice3A_103[0] : f32 from vector<1xf32>
      %broadcast_in_dim3A_105 = arith.constant 0.000000e+00 : f32
      %broadcast_in_dim3A_106 = vector.broadcast %broadcast_in_dim3A_105 : f32 to vector<16xf32>
      %add3A_107 = vector.broadcast %squeeze3A_104 : f32 to vector<16xf32>
      %add3A_108 = arith.addf %broadcast_in_dim3A_106, %add3A_107 : vector<16xf32>
      %select_n3A_109 = arith.select %eq3A_99, %add3A_108, %add3A_3 : vector<16xi1>, vector<16xf32>
      %eq3A_110 = arith.constant 1 : i32
      %eq3A_111 = vector.broadcast %eq3A_110 : i32 to vector<16xi32>
      %eq3A_112 = arith.cmpi eq, %iota3A, %eq3A_111 : vector<16xi32>
      %get3A_113 = arith.constant 512 : index
      %get3A_114 = tpu.vector_load %arg16[%get3A_113] {strides = array<i32>} : memref<5120xf32, #tpu.memory_space<vmem>>, vector<16xf32>,
      %get3A_115 = vector.shape_cast %get3A_114 : vector<16xf32> to vector<16xf32>
      %slice3A_116 = vector.extract_strided_slice %get3A_115 {offsets = [0], sizes = [1], strides = [1]} : vector<16xf32> to vector<1xf32>
      %squeeze3A_117 = vector.extract %slice3A_116[0] : f32 from vector<1xf32>
      %broadcast_in_dim3A_118 = arith.constant 0.000000e+00 : f32
      %broadcast_in_dim3A_119 = vector.broadcast %broadcast_in_dim3A_118 : f32 to vector<16xf32>
      %add3A_120 = vector.broadcast %squeeze3A_117 : f32 to vector<16xf32>
      %add3A_121 = arith.addf %broadcast_in_dim3A_119, %add3A_120 : vector<16xf32>
      %select_n3A_122 = arith.select %eq3A_112, %add3A_121, %select_n3A_109 : vector<16xi1>, vector<16xf32>
      %eq3A_123 = arith.constant 2 : i32
      %eq3A_124 = vector.broadcast %eq3A_123 : i32 to vector<16xi32>
      %eq3A_125 = arith.cmpi eq, %iota3A, %eq3A_124 : vector<16xi32>
      %get3A_126 = arith.constant 1024 : index
      %get3A_127 = tpu.vector_load %arg16[%get3A_126] {strides = array<i32>} : memref<5120xf32, #tpu.memory_space<vmem>>, vector<16xf32>,
      %get3A_128 = vector.shape_cast %get3A_127 : vector<16xf32> to vector<16xf32>
      %slice3A_129 = vector.extract_strided_slice %get3A_128 {offsets = [0], sizes = [1], strides = [1]} : vector<16xf32> to vector<1xf32>
      %squeeze3A_130 = vector.extract %slice3A_129[0] : f32 from vector<1xf32>
      %broadcast_in_dim3A_131 = arith.constant 0.000000e+00 : f32
      %broadcast_in_dim3A_132 = vector.broadcast %broadcast_in_dim3A_131 : f32 to vector<16xf32>
      %add3A_133 = vector.broadcast %squeeze3A_130 : f32 to vector<16xf32>
      %add3A_134 = arith.addf %broadcast_in_dim3A_132, %add3A_133 : vector<16xf32>
      %select_n3A_135 = arith.select %eq3A_125, %add3A_134, %select_n3A_122 : vector<16xi1>, vector<16xf32>
      %eq3A_136 = arith.constant 3 : i32
      %eq3A_137 = vector.broadcast %eq3A_136 : i32 to vector<16xi32>
      %eq3A_138 = arith.cmpi eq, %iota3A, %eq3A_137 : vector<16xi32>
      %get3A_139 = arith.constant 1536 : index
      %get3A_140 = tpu.vector_load %arg16[%get3A_139] {strides = array<i32>} : memref<5120xf32, #tpu.memory_space<vmem>>, vector<16xf32>,
      %get3A_141 = vector.shape_cast %get3A_140 : vector<16xf32> to vector<16xf32>
      %slice3A_142 = vector.extract_strided_slice %get3A_141 {offsets = [0], sizes = [1], strides = [1]} : vector<16xf32> to vector<1xf32>
      %squeeze3A_143 = vector.extract %slice3A_142[0] : f32 from vector<1xf32>
      %broadcast_in_dim3A_144 = arith.constant 0.000000e+00 : f32
      %broadcast_in_dim3A_145 = vector.broadcast %broadcast_in_dim3A_144 : f32 to vector<16xf32>
      %add3A_146 = vector.broadcast %squeeze3A_143 : f32 to vector<16xf32>
      %add3A_147 = arith.addf %broadcast_in_dim3A_145, %add3A_146 : vector<16xf32>
      %select_n3A_148 = arith.select %eq3A_138, %add3A_147, %select_n3A_135 : vector<16xi1>, vector<16xf32>
      %eq3A_149 = arith.constant 4 : i32
      %eq3A_150 = vector.broadcast %eq3A_149 : i32 to vector<16xi32>
      %eq3A_151 = arith.cmpi eq, %iota3A, %eq3A_150 : vector<16xi32>
      %get3A_152 = arith.constant 2048 : index
      %get3A_153 = tpu.vector_load %arg16[%get3A_152] {strides = array<i32>} : memref<5120xf32, #tpu.memory_space<vmem>>, vector<16xf32>,
      %get3A_154 = vector.shape_cast %get3A_153 : vector<16xf32> to vector<16xf32>
      %slice3A_155 = vector.extract_strided_slice %get3A_154 {offsets = [0], sizes = [1], strides = [1]} : vector<16xf32> to vector<1xf32>
      %squeeze3A_156 = vector.extract %slice3A_155[0] : f32 from vector<1xf32>
      %broadcast_in_dim3A_157 = arith.constant 0.000000e+00 : f32
      %broadcast_in_dim3A_158 = vector.broadcast %broadcast_in_dim3A_157 : f32 to vector<16xf32>
      %add3A_159 = vector.broadcast %squeeze3A_156 : f32 to vector<16xf32>
      %add3A_160 = arith.addf %broadcast_in_dim3A_158, %add3A_159 : vector<16xf32>
      %select_n3A_161 = arith.select %eq3A_151, %add3A_160, %select_n3A_148 : vector<16xi1>, vector<16xf32>
      %eq3A_162 = arith.constant 5 : i32
      %eq3A_163 = vector.broadcast %eq3A_162 : i32 to vector<16xi32>
      %eq3A_164 = arith.cmpi eq, %iota3A, %eq3A_163 : vector<16xi32>
      %get3A_165 = arith.constant 2560 : index
      %get3A_166 = tpu.vector_load %arg16[%get3A_165] {strides = array<i32>} : memref<5120xf32, #tpu.memory_space<vmem>>, vector<16xf32>,
      %get3A_167 = vector.shape_cast %get3A_166 : vector<16xf32> to vector<16xf32>
      %slice3A_168 = vector.extract_strided_slice %get3A_167 {offsets = [0], sizes = [1], strides = [1]} : vector<16xf32> to vector<1xf32>
      %squeeze3A_169 = vector.extract %slice3A_168[0] : f32 from vector<1xf32>
      %broadcast_in_dim3A_170 = arith.constant 0.000000e+00 : f32
      %broadcast_in_dim3A_171 = vector.broadcast %broadcast_in_dim3A_170 : f32 to vector<16xf32>
      %add3A_172 = vector.broadcast %squeeze3A_169 : f32 to vector<16xf32>
      %add3A_173 = arith.addf %broadcast_in_dim3A_171, %add3A_172 : vector<16xf32>
      %select_n3A_174 = arith.select %eq3A_164, %add3A_173, %select_n3A_161 : vector<16xi1>, vector<16xf32>
      %eq3A_175 = arith.constant 6 : i32
      %eq3A_176 = vector.broadcast %eq3A_175 : i32 to vector<16xi32>
      %eq3A_177 = arith.cmpi eq, %iota3A, %eq3A_176 : vector<16xi32>
      %get3A_178 = arith.constant 3072 : index
      %get3A_179 = tpu.vector_load %arg16[%get3A_178] {strides = array<i32>} : memref<5120xf32, #tpu.memory_space<vmem>>, vector<16xf32>,
      %get3A_180 = vector.shape_cast %get3A_179 : vector<16xf32> to vector<16xf32>
      %slice3A_181 = vector.extract_strided_slice %get3A_180 {offsets = [0], sizes = [1], strides = [1]} : vector<16xf32> to vector<1xf32>
      %squeeze3A_182 = vector.extract %slice3A_181[0] : f32 from vector<1xf32>
      %broadcast_in_dim3A_183 = arith.constant 0.000000e+00 : f32
      %broadcast_in_dim3A_184 = vector.broadcast %broadcast_in_dim3A_183 : f32 to vector<16xf32>
      %add3A_185 = vector.broadcast %squeeze3A_182 : f32 to vector<16xf32>
      %add3A_186 = arith.addf %broadcast_in_dim3A_184, %add3A_185 : vector<16xf32>
      %select_n3A_187 = arith.select %eq3A_177, %add3A_186, %select_n3A_174 : vector<16xi1>, vector<16xf32>
      %eq3A_188 = arith.constant 7 : i32
      %eq3A_189 = vector.broadcast %eq3A_188 : i32 to vector<16xi32>
      %eq3A_190 = arith.cmpi eq, %iota3A, %eq3A_189 : vector<16xi32>
      %get3A_191 = arith.constant 3584 : index
      %get3A_192 = tpu.vector_load %arg16[%get3A_191] {strides = array<i32>} : memref<5120xf32, #tpu.memory_space<vmem>>, vector<16xf32>,
      %get3A_193 = vector.shape_cast %get3A_192 : vector<16xf32> to vector<16xf32>
      %slice3A_194 = vector.extract_strided_slice %get3A_193 {offsets = [0], sizes = [1], strides = [1]} : vector<16xf32> to vector<1xf32>
      %squeeze3A_195 = vector.extract %slice3A_194[0] : f32 from vector<1xf32>
      %broadcast_in_dim3A_196 = arith.constant 0.000000e+00 : f32
      %broadcast_in_dim3A_197 = vector.broadcast %broadcast_in_dim3A_196 : f32 to vector<16xf32>
      %add3A_198 = vector.broadcast %squeeze3A_195 : f32 to vector<16xf32>
      %add3A_199 = arith.addf %broadcast_in_dim3A_197, %add3A_198 : vector<16xf32>
      %select_n3A_200 = arith.select %eq3A_190, %add3A_199, %select_n3A_187 : vector<16xi1>, vector<16xf32>
      %eq3A_201 = arith.constant 8 : i32
      %eq3A_202 = vector.broadcast %eq3A_201 : i32 to vector<16xi32>
      %eq3A_203 = arith.cmpi eq, %iota3A, %eq3A_202 : vector<16xi32>
      %get3A_204 = arith.constant 4096 : index
      %get3A_205 = tpu.vector_load %arg16[%get3A_204] {strides = array<i32>} : memref<5120xf32, #tpu.memory_space<vmem>>, vector<16xf32>,
      %get3A_206 = vector.shape_cast %get3A_205 : vector<16xf32> to vector<16xf32>
      %slice3A_207 = vector.extract_strided_slice %get3A_206 {offsets = [0], sizes = [1], strides = [1]} : vector<16xf32> to vector<1xf32>
      %squeeze3A_208 = vector.extract %slice3A_207[0] : f32 from vector<1xf32>
      %broadcast_in_dim3A_209 = arith.constant 0.000000e+00 : f32
      %broadcast_in_dim3A_210 = vector.broadcast %broadcast_in_dim3A_209 : f32 to vector<16xf32>
      %add3A_211 = vector.broadcast %squeeze3A_208 : f32 to vector<16xf32>
      %add3A_212 = arith.addf %broadcast_in_dim3A_210, %add3A_211 : vector<16xf32>
      %select_n3A_213 = arith.select %eq3A_203, %add3A_212, %select_n3A_200 : vector<16xi1>, vector<16xf32>
      %eq3A_214 = arith.constant 9 : i32
      %eq3A_215 = vector.broadcast %eq3A_214 : i32 to vector<16xi32>
      %eq3A_216 = arith.cmpi eq, %iota3A, %eq3A_215 : vector<16xi32>
      %get3A_217 = arith.constant 4608 : index
      %get3A_218 = tpu.vector_load %arg16[%get3A_217] {strides = array<i32>} : memref<5120xf32, #tpu.memory_space<vmem>>, vector<16xf32>,
      %get3A_219 = vector.shape_cast %get3A_218 : vector<16xf32> to vector<16xf32>
      %slice3A_220 = vector.extract_strided_slice %get3A_219 {offsets = [0], sizes = [1], strides = [1]} : vector<16xf32> to vector<1xf32>
      %squeeze3A_221 = vector.extract %slice3A_220[0] : f32 from vector<1xf32>
      %broadcast_in_dim3A_222 = arith.constant 0.000000e+00 : f32
      %broadcast_in_dim3A_223 = vector.broadcast %broadcast_in_dim3A_222 : f32 to vector<16xf32>
      %add3A_224 = vector.broadcast %squeeze3A_221 : f32 to vector<16xf32>
      %add3A_225 = arith.addf %broadcast_in_dim3A_223, %add3A_224 : vector<16xf32>
      %select_n3A_226 = arith.select %eq3A_216, %add3A_225, %select_n3A_213 : vector<16xi1>, vector<16xf32>
      %scan3A_227 = arith.constant 0 : i32
      %scan3A_228 = arith.constant 500 : i32
      %scan3A_229 = arith.addi %scan3A_227, %scan3A_228 : i32
      %scan3A_230 = arith.constant 1 : i32
      %scan3A_231:2 = scf.for %scan3A_235 = %scan3A_227 to %scan3A_229 step %scan3A_230 iter_args(%scan3A_236 = %select_n3A_226, %scan3A_237 = %mul3A_1) -> (vector<16xf32>, vector<16xi32>)  : i32 {
        %iota3A_238 = tpu.iota {dimensions = array<i32: 0>} : vector<16xi32>
        %xor3A = arith.constant 1 : i32
        %xor3A_239 = vector.broadcast %xor3A : i32 to vector<16xi32>
        %xor3A_240 = arith.xori %iota3A_238, %xor3A_239 : vector<16xi32>
        %reshape3A = vector.shape_cast %xor3A_240 : vector<16xi32> to vector<16x1xi32>
        %gather3A = vector.shape_cast %reshape3A : vector<16x1xi32> to vector<16xi32>
        %gather3A_241 = tpu.dynamic_gather %scan3A_236[%gather3A] in [0] : vector<16xf32>, vector<16xi32> -> vector<16xf32>
        %max3A = arith.maximumf %scan3A_236, %gather3A_241 : vector<16xf32>
        %xor3A_242 = arith.constant 2 : i32
        %xor3A_243 = vector.broadcast %xor3A_242 : i32 to vector<16xi32>
        %xor3A_244 = arith.xori %iota3A_238, %xor3A_243 : vector<16xi32>
        %reshape3A_245 = vector.shape_cast %xor3A_244 : vector<16xi32> to vector<16x1xi32>
        %gather3A_246 = vector.shape_cast %reshape3A_245 : vector<16x1xi32> to vector<16xi32>
        %gather3A_247 = tpu.dynamic_gather %max3A[%gather3A_246] in [0] : vector<16xf32>, vector<16xi32> -> vector<16xf32>
        %max3A_248 = arith.maximumf %max3A, %gather3A_247 : vector<16xf32>
        %xor3A_249 = arith.constant 4 : i32
        %xor3A_250 = vector.broadcast %xor3A_249 : i32 to vector<16xi32>
        %xor3A_251 = arith.xori %iota3A_238, %xor3A_250 : vector<16xi32>
        %reshape3A_252 = vector.shape_cast %xor3A_251 : vector<16xi32> to vector<16x1xi32>
        %gather3A_253 = vector.shape_cast %reshape3A_252 : vector<16x1xi32> to vector<16xi32>
        %gather3A_254 = tpu.dynamic_gather %max3A_248[%gather3A_253] in [0] : vector<16xf32>, vector<16xi32> -> vector<16xf32>
        %max3A_255 = arith.maximumf %max3A_248, %gather3A_254 : vector<16xf32>
        %xor3A_256 = arith.constant 8 : i32
        %xor3A_257 = vector.broadcast %xor3A_256 : i32 to vector<16xi32>
        %xor3A_258 = arith.xori %iota3A_238, %xor3A_257 : vector<16xi32>
        %reshape3A_259 = vector.shape_cast %xor3A_258 : vector<16xi32> to vector<16x1xi32>
        %gather3A_260 = vector.shape_cast %reshape3A_259 : vector<16x1xi32> to vector<16xi32>
        %gather3A_261 = tpu.dynamic_gather %max3A_255[%gather3A_260] in [0] : vector<16xf32>, vector<16xi32> -> vector<16xf32>
        %max3A_262 = arith.maximumf %max3A_255, %gather3A_261 : vector<16xf32>
        %eq3A_263 = arith.cmpf oeq, %scan3A_236, %max3A_262 : vector<16xf32>
        %jit3A = arith.constant 16 : i32
        %broadcast_in_dim3A_264 = vector.broadcast %jit3A : i32 to vector<16xi32>
        %select_n3A_265 = arith.select %eq3A_263, %iota3A, %broadcast_in_dim3A_264 : vector<16xi1>, vector<16xi32>
        %iota3A_266 = tpu.iota {dimensions = array<i32: 0>} : vector<16xi32>
        %xor3A_267 = arith.constant 1 : i32
        %xor3A_268 = vector.broadcast %xor3A_267 : i32 to vector<16xi32>
        %xor3A_269 = arith.xori %iota3A_266, %xor3A_268 : vector<16xi32>
        %reshape3A_270 = vector.shape_cast %xor3A_269 : vector<16xi32> to vector<16x1xi32>
        %gather3A_271 = vector.shape_cast %reshape3A_270 : vector<16x1xi32> to vector<16xi32>
        %gather3A_272 = tpu.dynamic_gather %select_n3A_265[%gather3A_271] in [0] : vector<16xi32>, vector<16xi32> -> vector<16xi32>
        %min3A = arith.minsi %select_n3A_265, %gather3A_272 : vector<16xi32>
        %xor3A_273 = arith.constant 2 : i32
        %xor3A_274 = vector.broadcast %xor3A_273 : i32 to vector<16xi32>
        %xor3A_275 = arith.xori %iota3A_266, %xor3A_274 : vector<16xi32>
        %reshape3A_276 = vector.shape_cast %xor3A_275 : vector<16xi32> to vector<16x1xi32>
        %gather3A_277 = vector.shape_cast %reshape3A_276 : vector<16x1xi32> to vector<16xi32>
        %gather3A_278 = tpu.dynamic_gather %min3A[%gather3A_277] in [0] : vector<16xi32>, vector<16xi32> -> vector<16xi32>
        %min3A_279 = arith.minsi %min3A, %gather3A_278 : vector<16xi32>
        %xor3A_280 = arith.constant 4 : i32
        %xor3A_281 = vector.broadcast %xor3A_280 : i32 to vector<16xi32>
        %xor3A_282 = arith.xori %iota3A_266, %xor3A_281 : vector<16xi32>
        %reshape3A_283 = vector.shape_cast %xor3A_282 : vector<16xi32> to vector<16x1xi32>
        %gather3A_284 = vector.shape_cast %reshape3A_283 : vector<16x1xi32> to vector<16xi32>
        %gather3A_285 = tpu.dynamic_gather %min3A_279[%gather3A_284] in [0] : vector<16xi32>, vector<16xi32> -> vector<16xi32>
        %min3A_286 = arith.minsi %min3A_279, %gather3A_285 : vector<16xi32>
        %xor3A_287 = arith.constant 8 : i32
        %xor3A_288 = vector.broadcast %xor3A_287 : i32 to vector<16xi32>
        %xor3A_289 = arith.xori %iota3A_266, %xor3A_288 : vector<16xi32>
        %reshape3A_290 = vector.shape_cast %xor3A_289 : vector<16xi32> to vector<16x1xi32>
        %gather3A_291 = vector.shape_cast %reshape3A_290 : vector<16x1xi32> to vector<16xi32>
        %gather3A_292 = tpu.dynamic_gather %min3A_286[%gather3A_291] in [0] : vector<16xi32>, vector<16xi32> -> vector<16xi32>
        %min3A_293 = arith.minsi %min3A_286, %gather3A_292 : vector<16xi32>
        %iota3A_294 = tpu.iota {dimensions = array<i32: 0>} : vector<16xi32>
        %add3A_295 = arith.addi %min3A_293, %iota3A_294 : vector<16xi32>
        %sub3A = arith.subi %add3A_295, %iota3A_294 : vector<16xi32>
        %slice3A_296 = vector.extract_strided_slice %sub3A {offsets = [0], sizes = [1], strides = [1]} : vector<16xi32> to vector<1xi32>
        %squeeze3A_297 = vector.extract %slice3A_296[0] : i32 from vector<1xi32>
        %mul3A_298 = arith.constant 512 : i32
        %mul3A_299 = arith.muli %squeeze3A_297, %mul3A_298 : i32
        %eq3A_300 = vector.broadcast %squeeze3A_297 : i32 to vector<16xi32>
        %eq3A_301 = arith.cmpi eq, %iota3A, %eq3A_300 : vector<16xi32>
        %jit3A_302 = arith.constant 0 : i32
        %broadcast_in_dim3A_303 = vector.broadcast %jit3A_302 : i32 to vector<16xi32>
        %select_n3A_304 = arith.select %eq3A_301, %scan3A_237, %broadcast_in_dim3A_303 : vector<16xi1>, vector<16xi32>
        %iota3A_305 = tpu.iota {dimensions = array<i32: 0>} : vector<16xi32>
        %xor3A_306 = arith.constant 1 : i32
        %xor3A_307 = vector.broadcast %xor3A_306 : i32 to vector<16xi32>
        %xor3A_308 = arith.xori %iota3A_305, %xor3A_307 : vector<16xi32>
        %reshape3A_309 = vector.shape_cast %xor3A_308 : vector<16xi32> to vector<16x1xi32>
        %gather3A_310 = vector.shape_cast %reshape3A_309 : vector<16x1xi32> to vector<16xi32>
        %gather3A_311 = tpu.dynamic_gather %select_n3A_304[%gather3A_310] in [0] : vector<16xi32>, vector<16xi32> -> vector<16xi32>
        %add3A_312 = arith.addi %select_n3A_304, %gather3A_311 : vector<16xi32>
        %xor3A_313 = arith.constant 2 : i32
        %xor3A_314 = vector.broadcast %xor3A_313 : i32 to vector<16xi32>
        %xor3A_315 = arith.xori %iota3A_305, %xor3A_314 : vector<16xi32>
        %reshape3A_316 = vector.shape_cast %xor3A_315 : vector<16xi32> to vector<16x1xi32>
        %gather3A_317 = vector.shape_cast %reshape3A_316 : vector<16x1xi32> to vector<16xi32>
        %gather3A_318 = tpu.dynamic_gather %add3A_312[%gather3A_317] in [0] : vector<16xi32>, vector<16xi32> -> vector<16xi32>
        %add3A_319 = arith.addi %add3A_312, %gather3A_318 : vector<16xi32>
        %xor3A_320 = arith.constant 4 : i32
        %xor3A_321 = vector.broadcast %xor3A_320 : i32 to vector<16xi32>
        %xor3A_322 = arith.xori %iota3A_305, %xor3A_321 : vector<16xi32>
        %reshape3A_323 = vector.shape_cast %xor3A_322 : vector<16xi32> to vector<16x1xi32>
        %gather3A_324 = vector.shape_cast %reshape3A_323 : vector<16x1xi32> to vector<16xi32>
        %gather3A_325 = tpu.dynamic_gather %add3A_319[%gather3A_324] in [0] : vector<16xi32>, vector<16xi32> -> vector<16xi32>
        %add3A_326 = arith.addi %add3A_319, %gather3A_325 : vector<16xi32>
        %xor3A_327 = arith.constant 8 : i32
        %xor3A_328 = vector.broadcast %xor3A_327 : i32 to vector<16xi32>
        %xor3A_329 = arith.xori %iota3A_305, %xor3A_328 : vector<16xi32>
        %reshape3A_330 = vector.shape_cast %xor3A_329 : vector<16xi32> to vector<16x1xi32>
        %gather3A_331 = vector.shape_cast %reshape3A_330 : vector<16x1xi32> to vector<16xi32>
        %gather3A_332 = tpu.dynamic_gather %add3A_326[%gather3A_331] in [0] : vector<16xi32>, vector<16xi32> -> vector<16xi32>
        %add3A_333 = arith.addi %add3A_326, %gather3A_332 : vector<16xi32>
        %iota3A_334 = tpu.iota {dimensions = array<i32: 0>} : vector<16xi32>
        %add3A_335 = arith.addi %add3A_333, %iota3A_334 : vector<16xi32>
        %sub3A_336 = arith.subi %add3A_335, %iota3A_334 : vector<16xi32>
        %slice3A_337 = vector.extract_strided_slice %sub3A_336 {offsets = [0], sizes = [1], strides = [1]} : vector<16xi32> to vector<1xi32>
        %squeeze3A_338 = vector.extract %slice3A_337[0] : i32 from vector<1xi32>
        %add3A_339 = arith.addi %mul3A_299, %squeeze3A_338 : i32
        %jit3A_340 = arith.constant 16 : i32
        %div3A = arith.divsi %add3A_339, %jit3A_340 : i32
        %sign3A = arith.constant 0 : i32
        %sign3A_341 = arith.cmpi sgt, %add3A_339, %sign3A : i32
        %sign3A_342 = arith.extui %sign3A_341 : i1 to i32
        %sign3A_343 = arith.constant 0 : i32
        %sign3A_344 = arith.cmpi slt, %add3A_339, %sign3A_343 : i32
        %sign3A_345 = arith.extui %sign3A_344 : i1 to i32
        %sign3A_346 = arith.subi %sign3A_342, %sign3A_345 : i32
        %sign3A_347 = arith.constant 0 : i32
        %sign3A_348 = arith.cmpi sgt, %jit3A_340, %sign3A_347 : i32
        %sign3A_349 = arith.extui %sign3A_348 : i1 to i32
        %sign3A_350 = arith.constant 0 : i32
        %sign3A_351 = arith.cmpi slt, %jit3A_340, %sign3A_350 : i32
        %sign3A_352 = arith.extui %sign3A_351 : i1 to i32
        %sign3A_353 = arith.subi %sign3A_349, %sign3A_352 : i32
        %ne3A = arith.cmpi ne, %sign3A_346, %sign3A_353 : i32
        %rem3A = arith.remsi %add3A_339, %jit3A_340 : i32
        %ne3A_354 = arith.constant 0 : i32
        %ne3A_355 = arith.cmpi ne, %rem3A, %ne3A_354 : i32
        %and3A = arith.andi %ne3A, %ne3A_355 : i1
        %sub3A_356 = arith.constant 1 : i32
        %sub3A_357 = arith.subi %div3A, %sub3A_356 : i32
        %select_n3A_358 = arith.select %and3A, %sub3A_357, %div3A : i32
        %mul3A_359 = arith.constant 16 : i32
        %mul3A_360 = arith.muli %select_n3A_358, %mul3A_359 : i32
        %get3A_361 = arith.index_cast %mul3A_360 : i32 to index
        %get3A_362 = tpu.vector_load %arg17[%get3A_361] {strides = array<i32>} : memref<5120xi32, #tpu.memory_space<vmem>>, vector<16xi32>,
        %get3A_363 = vector.shape_cast %get3A_362 : vector<16xi32> to vector<16xi32>
        %sub3A_364 = arith.subi %add3A_339, %mul3A_360 : i32
        %broadcast_in_dim3A_365 = arith.constant 0 : i32
        %broadcast_in_dim3A_366 = vector.broadcast %broadcast_in_dim3A_365 : i32 to vector<16xi32>
        %add3A_367 = vector.broadcast %sub3A_364 : i32 to vector<16xi32>
        %add3A_368 = arith.addi %broadcast_in_dim3A_366, %add3A_367 : vector<16xi32>
        %reshape3A_369 = vector.shape_cast %add3A_368 : vector<16xi32> to vector<16x1xi32>
        %gather3A_370 = vector.shape_cast %reshape3A_369 : vector<16x1xi32> to vector<16xi32>
        %gather3A_371 = tpu.dynamic_gather %get3A_363[%gather3A_370] in [0] : vector<16xi32>, vector<16xi32> -> vector<16xi32>
        %jit3A_372 = arith.constant 16 : i32
        %div3A_373 = arith.divsi %scan3A_235, %jit3A_372 : i32
        %sign3A_374 = arith.constant 0 : i32
        %sign3A_375 = arith.cmpi sgt, %scan3A_235, %sign3A_374 : i32
        %sign3A_376 = arith.extui %sign3A_375 : i1 to i32
        %sign3A_377 = arith.constant 0 : i32
        %sign3A_378 = arith.cmpi slt, %scan3A_235, %sign3A_377 : i32
        %sign3A_379 = arith.extui %sign3A_378 : i1 to i32
        %sign3A_380 = arith.subi %sign3A_376, %sign3A_379 : i32
        %sign3A_381 = arith.constant 0 : i32
        %sign3A_382 = arith.cmpi sgt, %jit3A_372, %sign3A_381 : i32
        %sign3A_383 = arith.extui %sign3A_382 : i1 to i32
        %sign3A_384 = arith.constant 0 : i32
        %sign3A_385 = arith.cmpi slt, %jit3A_372, %sign3A_384 : i32
        %sign3A_386 = arith.extui %sign3A_385 : i1 to i32
        %sign3A_387 = arith.subi %sign3A_383, %sign3A_386 : i32
        %ne3A_388 = arith.cmpi ne, %sign3A_380, %sign3A_387 : i32
        %rem3A_389 = arith.remsi %scan3A_235, %jit3A_372 : i32
        %ne3A_390 = arith.constant 0 : i32
        %ne3A_391 = arith.cmpi ne, %rem3A_389, %ne3A_390 : i32
        %and3A_392 = arith.andi %ne3A_388, %ne3A_391 : i1
        %sub3A_393 = arith.constant 1 : i32
        %sub3A_394 = arith.subi %div3A_373, %sub3A_393 : i32
        %select_n3A_395 = arith.select %and3A_392, %sub3A_394, %div3A_373 : i32
        %mul3A_396 = arith.constant 16 : i32
        %mul3A_397 = arith.muli %select_n3A_395, %mul3A_396 : i32
        %get3A_398 = arith.index_cast %mul3A_397 : i32 to index
        %get3A_399 = tpu.vector_load %arg20[%get3A_398] {strides = array<i32>} : memref<512xf32, #tpu.memory_space<vmem>>, vector<16xf32>,
        %get3A_400 = vector.shape_cast %get3A_399 : vector<16xf32> to vector<16xf32>
        %iota3A_401 = tpu.iota {dimensions = array<i32: 0>} : vector<16xi32>
        %sub3A_402 = arith.subi %scan3A_235, %mul3A_397 : i32
        %broadcast_in_dim3A_403 = arith.constant 0 : i32
        %broadcast_in_dim3A_404 = vector.broadcast %broadcast_in_dim3A_403 : i32 to vector<16xi32>
        %add3A_405 = vector.broadcast %sub3A_402 : i32 to vector<16xi32>
        %add3A_406 = arith.addi %broadcast_in_dim3A_404, %add3A_405 : vector<16xi32>
        %eq3A_407 = arith.cmpi eq, %iota3A_401, %add3A_406 : vector<16xi32>
        %select_n3A_408 = arith.select %eq3A_407, %max3A_262, %get3A_400 : vector<16xi1>, vector<16xf32>
        %swap3A = arith.index_cast %mul3A_397 : i32 to index
        %swap3A_409 = tpu.vector_load %arg20[%swap3A] {strides = array<i32>} : memref<512xf32, #tpu.memory_space<vmem>>, vector<16xf32>,
        %swap3A_410 = vector.shape_cast %swap3A_409 : vector<16xf32> to vector<16xf32>
        %swap3A_411 = vector.shape_cast %select_n3A_408 : vector<16xf32> to vector<16xf32>
        tpu.vector_store %arg20[%swap3A], %swap3A_411 {strides = array<i32>} : memref<512xf32, #tpu.memory_space<vmem>>, vector<16xf32>,
        %jit3A_412 = arith.constant 16 : i32
        %div3A_413 = arith.divsi %scan3A_235, %jit3A_412 : i32
        %sign3A_414 = arith.constant 0 : i32
        %sign3A_415 = arith.cmpi sgt, %scan3A_235, %sign3A_414 : i32
        %sign3A_416 = arith.extui %sign3A_415 : i1 to i32
        %sign3A_417 = arith.constant 0 : i32
        %sign3A_418 = arith.cmpi slt, %scan3A_235, %sign3A_417 : i32
        %sign3A_419 = arith.extui %sign3A_418 : i1 to i32
        %sign3A_420 = arith.subi %sign3A_416, %sign3A_419 : i32
        %sign3A_421 = arith.constant 0 : i32
        %sign3A_422 = arith.cmpi sgt, %jit3A_412, %sign3A_421 : i32
        %sign3A_423 = arith.extui %sign3A_422 : i1 to i32
        %sign3A_424 = arith.constant 0 : i32
        %sign3A_425 = arith.cmpi slt, %jit3A_412, %sign3A_424 : i32
        %sign3A_426 = arith.extui %sign3A_425 : i1 to i32
        %sign3A_427 = arith.subi %sign3A_423, %sign3A_426 : i32
        %ne3A_428 = arith.cmpi ne, %sign3A_420, %sign3A_427 : i32
        %rem3A_429 = arith.remsi %scan3A_235, %jit3A_412 : i32
        %ne3A_430 = arith.constant 0 : i32
        %ne3A_431 = arith.cmpi ne, %rem3A_429, %ne3A_430 : i32
        %and3A_432 = arith.andi %ne3A_428, %ne3A_431 : i1
        %sub3A_433 = arith.constant 1 : i32
        %sub3A_434 = arith.subi %div3A_413, %sub3A_433 : i32
        %select_n3A_435 = arith.select %and3A_432, %sub3A_434, %div3A_413 : i32
        %mul3A_436 = arith.constant 16 : i32
        %mul3A_437 = arith.muli %select_n3A_435, %mul3A_436 : i32
        %get3A_438 = arith.index_cast %mul3A_437 : i32 to index
        %get3A_439 = tpu.vector_load %arg21[%get3A_438] {strides = array<i32>} : memref<512xi32, #tpu.memory_space<vmem>>, vector<16xi32>,
        %get3A_440 = vector.shape_cast %get3A_439 : vector<16xi32> to vector<16xi32>
        %iota3A_441 = tpu.iota {dimensions = array<i32: 0>} : vector<16xi32>
        %sub3A_442 = arith.subi %scan3A_235, %mul3A_437 : i32
        %broadcast_in_dim3A_443 = arith.constant 0 : i32
        %broadcast_in_dim3A_444 = vector.broadcast %broadcast_in_dim3A_443 : i32 to vector<16xi32>
        %add3A_445 = vector.broadcast %sub3A_442 : i32 to vector<16xi32>
        %add3A_446 = arith.addi %broadcast_in_dim3A_444, %add3A_445 : vector<16xi32>
        %eq3A_447 = arith.cmpi eq, %iota3A_441, %add3A_446 : vector<16xi32>
        %select_n3A_448 = arith.select %eq3A_447, %gather3A_371, %get3A_440 : vector<16xi1>, vector<16xi32>
        %swap3A_449 = arith.index_cast %mul3A_437 : i32 to index
        %swap3A_450 = tpu.vector_load %arg21[%swap3A_449] {strides = array<i32>} : memref<512xi32, #tpu.memory_space<vmem>>, vector<16xi32>,
        %swap3A_451 = vector.shape_cast %swap3A_450 : vector<16xi32> to vector<16xi32>
        %swap3A_452 = vector.shape_cast %select_n3A_448 : vector<16xi32> to vector<16xi32>
        tpu.vector_store %arg21[%swap3A_449], %swap3A_452 {strides = array<i32>} : memref<512xi32, #tpu.memory_space<vmem>>, vector<16xi32>,
        %broadcast_in_dim3A_453 = arith.constant 0 : i32
        %broadcast_in_dim3A_454 = vector.broadcast %broadcast_in_dim3A_453 : i32 to vector<16xi32>
        %add3A_455 = vector.broadcast %squeeze3A_297 : i32 to vector<16xi32>
        %add3A_456 = arith.addi %broadcast_in_dim3A_454, %add3A_455 : vector<16xi32>
        %jit3A_457 = arith.constant 16 : i32
        %div3A_458 = arith.divsi %scan3A_235, %jit3A_457 : i32
        %sign3A_459 = arith.constant 0 : i32
        %sign3A_460 = arith.cmpi sgt, %scan3A_235, %sign3A_459 : i32
        %sign3A_461 = arith.extui %sign3A_460 : i1 to i32
        %sign3A_462 = arith.constant 0 : i32
        %sign3A_463 = arith.cmpi slt, %scan3A_235, %sign3A_462 : i32
        %sign3A_464 = arith.extui %sign3A_463 : i1 to i32
        %sign3A_465 = arith.subi %sign3A_461, %sign3A_464 : i32
        %sign3A_466 = arith.constant 0 : i32
        %sign3A_467 = arith.cmpi sgt, %jit3A_457, %sign3A_466 : i32
        %sign3A_468 = arith.extui %sign3A_467 : i1 to i32
        %sign3A_469 = arith.constant 0 : i32
        %sign3A_470 = arith.cmpi slt, %jit3A_457, %sign3A_469 : i32
        %sign3A_471 = arith.extui %sign3A_470 : i1 to i32
        %sign3A_472 = arith.subi %sign3A_468, %sign3A_471 : i32
        %ne3A_473 = arith.cmpi ne, %sign3A_465, %sign3A_472 : i32
        %rem3A_474 = arith.remsi %scan3A_235, %jit3A_457 : i32
        %ne3A_475 = arith.constant 0 : i32
        %ne3A_476 = arith.cmpi ne, %rem3A_474, %ne3A_475 : i32
        %and3A_477 = arith.andi %ne3A_473, %ne3A_476 : i1
        %sub3A_478 = arith.constant 1 : i32
        %sub3A_479 = arith.subi %div3A_458, %sub3A_478 : i32
        %select_n3A_480 = arith.select %and3A_477, %sub3A_479, %div3A_458 : i32
        %mul3A_481 = arith.constant 16 : i32
        %mul3A_482 = arith.muli %select_n3A_480, %mul3A_481 : i32
        %get3A_483 = arith.index_cast %mul3A_482 : i32 to index
        %get3A_484 = tpu.vector_load %arg22[%get3A_483] {strides = array<i32>} : memref<512xi32, #tpu.memory_space<vmem>>, vector<16xi32>,
        %get3A_485 = vector.shape_cast %get3A_484 : vector<16xi32> to vector<16xi32>
        %iota3A_486 = tpu.iota {dimensions = array<i32: 0>} : vector<16xi32>
        %sub3A_487 = arith.subi %scan3A_235, %mul3A_482 : i32
        %broadcast_in_dim3A_488 = arith.constant 0 : i32
        %broadcast_in_dim3A_489 = vector.broadcast %broadcast_in_dim3A_488 : i32 to vector<16xi32>
        %add3A_490 = vector.broadcast %sub3A_487 : i32 to vector<16xi32>
        %add3A_491 = arith.addi %broadcast_in_dim3A_489, %add3A_490 : vector<16xi32>
        %eq3A_492 = arith.cmpi eq, %iota3A_486, %add3A_491 : vector<16xi32>
        %select_n3A_493 = arith.select %eq3A_492, %add3A_456, %get3A_485 : vector<16xi1>, vector<16xi32>
        %swap3A_494 = arith.index_cast %mul3A_482 : i32 to index
        %swap3A_495 = tpu.vector_load %arg22[%swap3A_494] {strides = array<i32>} : memref<512xi32, #tpu.memory_space<vmem>>, vector<16xi32>,
        %swap3A_496 = vector.shape_cast %swap3A_495 : vector<16xi32> to vector<16xi32>
        %swap3A_497 = vector.shape_cast %select_n3A_493 : vector<16xi32> to vector<16xi32>
        tpu.vector_store %arg22[%swap3A_494], %swap3A_497 {strides = array<i32>} : memref<512xi32, #tpu.memory_space<vmem>>, vector<16xi32>,
        %shift_right_logical3A = arith.constant 9 : i32
        %shift_right_logical3A_498 = vector.broadcast %shift_right_logical3A : i32 to vector<16xi32>
        %shift_right_logical3A_499 = arith.shrui %gather3A_371, %shift_right_logical3A_498 : vector<16xi32>
        %convert_element_type3A_500 = arith.sitofp %shift_right_logical3A_499 : vector<16xi32> to vector<16xf32>
        %jit3A_501 = arith.constant 16 : i32
        %div3A_502 = arith.divsi %scan3A_235, %jit3A_501 : i32
        %sign3A_503 = arith.constant 0 : i32
        %sign3A_504 = arith.cmpi sgt, %scan3A_235, %sign3A_503 : i32
        %sign3A_505 = arith.extui %sign3A_504 : i1 to i32
        %sign3A_506 = arith.constant 0 : i32
        %sign3A_507 = arith.cmpi slt, %scan3A_235, %sign3A_506 : i32
        %sign3A_508 = arith.extui %sign3A_507 : i1 to i32
        %sign3A_509 = arith.subi %sign3A_505, %sign3A_508 : i32
        %sign3A_510 = arith.constant 0 : i32
        %sign3A_511 = arith.cmpi sgt, %jit3A_501, %sign3A_510 : i32
        %sign3A_512 = arith.extui %sign3A_511 : i1 to i32
        %sign3A_513 = arith.constant 0 : i32
        %sign3A_514 = arith.cmpi slt, %jit3A_501, %sign3A_513 : i32
        %sign3A_515 = arith.extui %sign3A_514 : i1 to i32
        %sign3A_516 = arith.subi %sign3A_512, %sign3A_515 : i32
        %ne3A_517 = arith.cmpi ne, %sign3A_509, %sign3A_516 : i32
        %rem3A_518 = arith.remsi %scan3A_235, %jit3A_501 : i32
        %ne3A_519 = arith.constant 0 : i32
        %ne3A_520 = arith.cmpi ne, %rem3A_518, %ne3A_519 : i32
        %and3A_521 = arith.andi %ne3A_517, %ne3A_520 : i1
        %sub3A_522 = arith.constant 1 : i32
        %sub3A_523 = arith.subi %div3A_502, %sub3A_522 : i32
        %select_n3A_524 = arith.select %and3A_521, %sub3A_523, %div3A_502 : i32
        %mul3A_525 = arith.constant 16 : i32
        %mul3A_526 = arith.muli %select_n3A_524, %mul3A_525 : i32
        %get3A_527 = arith.index_cast %mul3A_526 : i32 to index
        %get3A_528 = tpu.vector_load %arg23[%get3A_527] {strides = array<i32>} : memref<512xf32, #tpu.memory_space<vmem>>, vector<16xf32>,
        %get3A_529 = vector.shape_cast %get3A_528 : vector<16xf32> to vector<16xf32>
        %iota3A_530 = tpu.iota {dimensions = array<i32: 0>} : vector<16xi32>
        %sub3A_531 = arith.subi %scan3A_235, %mul3A_526 : i32
        %broadcast_in_dim3A_532 = arith.constant 0 : i32
        %broadcast_in_dim3A_533 = vector.broadcast %broadcast_in_dim3A_532 : i32 to vector<16xi32>
        %add3A_534 = vector.broadcast %sub3A_531 : i32 to vector<16xi32>
        %add3A_535 = arith.addi %broadcast_in_dim3A_533, %add3A_534 : vector<16xi32>
        %eq3A_536 = arith.cmpi eq, %iota3A_530, %add3A_535 : vector<16xi32>
        %select_n3A_537 = arith.select %eq3A_536, %convert_element_type3A_500, %get3A_529 : vector<16xi1>, vector<16xf32>
        %swap3A_538 = arith.index_cast %mul3A_526 : i32 to index
        %swap3A_539 = tpu.vector_load %arg23[%swap3A_538] {strides = array<i32>} : memref<512xf32, #tpu.memory_space<vmem>>, vector<16xf32>,
        %swap3A_540 = vector.shape_cast %swap3A_539 : vector<16xf32> to vector<16xf32>
        %swap3A_541 = vector.shape_cast %select_n3A_537 : vector<16xf32> to vector<16xf32>
        tpu.vector_store %arg23[%swap3A_538], %swap3A_541 {strides = array<i32>} : memref<512xf32, #tpu.memory_space<vmem>>, vector<16xf32>,
        %and3A_542 = arith.constant 511 : i32
        %and3A_543 = vector.broadcast %and3A_542 : i32 to vector<16xi32>
        %and3A_544 = arith.andi %gather3A_371, %and3A_543 : vector<16xi32>
        %convert_element_type3A_545 = arith.sitofp %and3A_544 : vector<16xi32> to vector<16xf32>
        %jit3A_546 = arith.constant 16 : i32
        %div3A_547 = arith.divsi %scan3A_235, %jit3A_546 : i32
        %sign3A_548 = arith.constant 0 : i32
        %sign3A_549 = arith.cmpi sgt, %scan3A_235, %sign3A_548 : i32
        %sign3A_550 = arith.extui %sign3A_549 : i1 to i32
        %sign3A_551 = arith.constant 0 : i32
        %sign3A_552 = arith.cmpi slt, %scan3A_235, %sign3A_551 : i32
        %sign3A_553 = arith.extui %sign3A_552 : i1 to i32
        %sign3A_554 = arith.subi %sign3A_550, %sign3A_553 : i32
        %sign3A_555 = arith.constant 0 : i32
        %sign3A_556 = arith.cmpi sgt, %jit3A_546, %sign3A_555 : i32
        %sign3A_557 = arith.extui %sign3A_556 : i1 to i32
        %sign3A_558 = arith.constant 0 : i32
        %sign3A_559 = arith.cmpi slt, %jit3A_546, %sign3A_558 : i32
        %sign3A_560 = arith.extui %sign3A_559 : i1 to i32
        %sign3A_561 = arith.subi %sign3A_557, %sign3A_560 : i32
        %ne3A_562 = arith.cmpi ne, %sign3A_554, %sign3A_561 : i32
        %rem3A_563 = arith.remsi %scan3A_235, %jit3A_546 : i32
        %ne3A_564 = arith.constant 0 : i32
        %ne3A_565 = arith.cmpi ne, %rem3A_563, %ne3A_564 : i32
        %and3A_566 = arith.andi %ne3A_562, %ne3A_565 : i1
        %sub3A_567 = arith.constant 1 : i32
        %sub3A_568 = arith.subi %div3A_547, %sub3A_567 : i32
        %select_n3A_569 = arith.select %and3A_566, %sub3A_568, %div3A_547 : i32
        %mul3A_570 = arith.constant 16 : i32
        %mul3A_571 = arith.muli %select_n3A_569, %mul3A_570 : i32
        %get3A_572 = arith.index_cast %mul3A_571 : i32 to index
        %get3A_573 = tpu.vector_load %arg24[%get3A_572] {strides = array<i32>} : memref<512xf32, #tpu.memory_space<vmem>>, vector<16xf32>,
        %get3A_574 = vector.shape_cast %get3A_573 : vector<16xf32> to vector<16xf32>
        %iota3A_575 = tpu.iota {dimensions = array<i32: 0>} : vector<16xi32>
        %sub3A_576 = arith.subi %scan3A_235, %mul3A_571 : i32
        %broadcast_in_dim3A_577 = arith.constant 0 : i32
        %broadcast_in_dim3A_578 = vector.broadcast %broadcast_in_dim3A_577 : i32 to vector<16xi32>
        %add3A_579 = vector.broadcast %sub3A_576 : i32 to vector<16xi32>
        %add3A_580 = arith.addi %broadcast_in_dim3A_578, %add3A_579 : vector<16xi32>
        %eq3A_581 = arith.cmpi eq, %iota3A_575, %add3A_580 : vector<16xi32>
        %select_n3A_582 = arith.select %eq3A_581, %convert_element_type3A_545, %get3A_574 : vector<16xi1>, vector<16xf32>
        %swap3A_583 = arith.index_cast %mul3A_571 : i32 to index
        %swap3A_584 = tpu.vector_load %arg24[%swap3A_583] {strides = array<i32>} : memref<512xf32, #tpu.memory_space<vmem>>, vector<16xf32>,
        %swap3A_585 = vector.shape_cast %swap3A_584 : vector<16xf32> to vector<16xf32>
        %swap3A_586 = vector.shape_cast %select_n3A_582 : vector<16xf32> to vector<16xf32>
        tpu.vector_store %arg24[%swap3A_583], %swap3A_586 {strides = array<i32>} : memref<512xf32, #tpu.memory_space<vmem>>, vector<16xf32>,
        %broadcast_in_dim3A_587 = arith.constant 0 : i32
        %broadcast_in_dim3A_588 = vector.broadcast %broadcast_in_dim3A_587 : i32 to vector<16xi32>
        %add3A_589 = vector.broadcast %squeeze3A_297 : i32 to vector<16xi32>
        %add3A_590 = arith.addi %broadcast_in_dim3A_588, %add3A_589 : vector<16xi32>
        %eq3A_591 = arith.cmpi eq, %iota3A, %add3A_590 : vector<16xi32>
        %add3A_592 = arith.constant 1 : i32
        %add3A_593 = arith.addi %add3A_339, %add3A_592 : i32
        %jit3A_594 = arith.constant 16 : i32
        %div3A_595 = arith.divsi %add3A_593, %jit3A_594 : i32
        %sign3A_596 = arith.constant 0 : i32
        %sign3A_597 = arith.cmpi sgt, %add3A_593, %sign3A_596 : i32
        %sign3A_598 = arith.extui %sign3A_597 : i1 to i32
        %sign3A_599 = arith.constant 0 : i32
        %sign3A_600 = arith.cmpi slt, %add3A_593, %sign3A_599 : i32
        %sign3A_601 = arith.extui %sign3A_600 : i1 to i32
        %sign3A_602 = arith.subi %sign3A_598, %sign3A_601 : i32
        %sign3A_603 = arith.constant 0 : i32
        %sign3A_604 = arith.cmpi sgt, %jit3A_594, %sign3A_603 : i32
        %sign3A_605 = arith.extui %sign3A_604 : i1 to i32
        %sign3A_606 = arith.constant 0 : i32
        %sign3A_607 = arith.cmpi slt, %jit3A_594, %sign3A_606 : i32
        %sign3A_608 = arith.extui %sign3A_607 : i1 to i32
        %sign3A_609 = arith.subi %sign3A_605, %sign3A_608 : i32
        %ne3A_610 = arith.cmpi ne, %sign3A_602, %sign3A_609 : i32
        %rem3A_611 = arith.remsi %add3A_593, %jit3A_594 : i32
        %ne3A_612 = arith.constant 0 : i32
        %ne3A_613 = arith.cmpi ne, %rem3A_611, %ne3A_612 : i32
        %and3A_614 = arith.andi %ne3A_610, %ne3A_613 : i1
        %sub3A_615 = arith.constant 1 : i32
        %sub3A_616 = arith.subi %div3A_595, %sub3A_615 : i32
        %select_n3A_617 = arith.select %and3A_614, %sub3A_616, %div3A_595 : i32
        %mul3A_618 = arith.constant 16 : i32
        %mul3A_619 = arith.muli %select_n3A_617, %mul3A_618 : i32
        %get3A_620 = arith.index_cast %mul3A_619 : i32 to index
        %get3A_621 = tpu.vector_load %arg16[%get3A_620] {strides = array<i32>} : memref<5120xf32, #tpu.memory_space<vmem>>, vector<16xf32>,
        %get3A_622 = vector.shape_cast %get3A_621 : vector<16xf32> to vector<16xf32>
        %sub3A_623 = arith.subi %add3A_593, %mul3A_619 : i32
        %broadcast_in_dim3A_624 = arith.constant 0 : i32
        %broadcast_in_dim3A_625 = vector.broadcast %broadcast_in_dim3A_624 : i32 to vector<16xi32>
        %add3A_626 = vector.broadcast %sub3A_623 : i32 to vector<16xi32>
        %add3A_627 = arith.addi %broadcast_in_dim3A_625, %add3A_626 : vector<16xi32>
        %reshape3A_628 = vector.shape_cast %add3A_627 : vector<16xi32> to vector<16x1xi32>
        %gather3A_629 = vector.shape_cast %reshape3A_628 : vector<16x1xi32> to vector<16xi32>
        %gather3A_630 = tpu.dynamic_gather %get3A_622[%gather3A_629] in [0] : vector<16xf32>, vector<16xi32> -> vector<16xf32>
        %select_n3A_631 = arith.select %eq3A_591, %gather3A_630, %scan3A_236 : vector<16xi1>, vector<16xf32>
        %broadcast_in_dim3A_632 = arith.constant 0 : i32
        %broadcast_in_dim3A_633 = vector.broadcast %broadcast_in_dim3A_632 : i32 to vector<16xi32>
        %add3A_634 = vector.broadcast %squeeze3A_297 : i32 to vector<16xi32>
        %add3A_635 = arith.addi %broadcast_in_dim3A_633, %add3A_634 : vector<16xi32>
        %eq3A_636 = arith.cmpi eq, %iota3A, %add3A_635 : vector<16xi32>
        %add3A_637 = arith.constant 1 : i32
        %add3A_638 = vector.broadcast %add3A_637 : i32 to vector<16xi32>
        %add3A_639 = arith.addi %scan3A_237, %add3A_638 : vector<16xi32>
        %select_n3A_640 = arith.select %eq3A_636, %add3A_639, %scan3A_237 : vector<16xi1>, vector<16xi32>
        scf.yield %select_n3A_631, %select_n3A_640 : vector<16xf32>, vector<16xi32>
      }
      %scan3A_232 = arith.constant 500 : i32
      %mul3A_233 = arith.constant 512 : i32
      %mul3A_234 = arith.muli %add3A_92, %mul3A_233 : i32
      "tpu.region"() ({
        %run_scoped3A = tpu.sem_alloc : memref<!tpu.dma_semaphore, #tpu.memory_space<semaphore_mem>>
        %dma_start3A = tpu.memref_slice %arg7[%mul3A_234] : memref<2048xf32, #tpu.memory_space<hbm>> -> memref<512xf32, #tpu.memory_space<hbm>>
        %dma_start3A_235 = tpu.memref_slice %arg7[%mul3A_234] : memref<2048xf32, #tpu.memory_space<hbm>> -> memref<512xf32, #tpu.memory_space<hbm>>
        tpu.enqueue_dma source(%arg20 : memref<512xf32, #tpu.memory_space<vmem>>) target(%dma_start3A_235 : memref<512xf32, #tpu.memory_space<hbm>>) target_semaphore(%run_scoped3A : memref<!tpu.dma_semaphore, #tpu.memory_space<semaphore_mem>>)
        %dma_wait3A = tpu.memref_slice %arg7[%mul3A_234] : memref<2048xf32, #tpu.memory_space<hbm>> -> memref<512xf32, #tpu.memory_space<hbm>>
        %dma_wait3A_236 = tpu.memref_slice %arg7[%mul3A_234] : memref<2048xf32, #tpu.memory_space<hbm>> -> memref<512xf32, #tpu.memory_space<hbm>>
        tpu.wait_dma2 semaphore(%run_scoped3A : memref<!tpu.dma_semaphore, #tpu.memory_space<semaphore_mem>>) src(%arg20 : memref<512xf32, #tpu.memory_space<vmem>>) dst(%dma_wait3A_236 : memref<512xf32, #tpu.memory_space<hbm>>)
        tpu.yield
      }) : () -> ()
      "tpu.region"() ({
        %run_scoped3A = tpu.sem_alloc : memref<!tpu.dma_semaphore, #tpu.memory_space<semaphore_mem>>
        %dma_start3A = tpu.memref_slice %arg8[%mul3A_234] : memref<2048xi32, #tpu.memory_space<hbm>> -> memref<512xi32, #tpu.memory_space<hbm>>
        %dma_start3A_235 = tpu.memref_slice %arg8[%mul3A_234] : memref<2048xi32, #tpu.memory_space<hbm>> -> memref<512xi32, #tpu.memory_space<hbm>>
        tpu.enqueue_dma source(%arg21 : memref<512xi32, #tpu.memory_space<vmem>>) target(%dma_start3A_235 : memref<512xi32, #tpu.memory_space<hbm>>) target_semaphore(%run_scoped3A : memref<!tpu.dma_semaphore, #tpu.memory_space<semaphore_mem>>)
        %dma_wait3A = tpu.memref_slice %arg8[%mul3A_234] : memref<2048xi32, #tpu.memory_space<hbm>> -> memref<512xi32, #tpu.memory_space<hbm>>
        %dma_wait3A_236 = tpu.memref_slice %arg8[%mul3A_234] : memref<2048xi32, #tpu.memory_space<hbm>> -> memref<512xi32, #tpu.memory_space<hbm>>
        tpu.wait_dma2 semaphore(%run_scoped3A : memref<!tpu.dma_semaphore, #tpu.memory_space<semaphore_mem>>) src(%arg21 : memref<512xi32, #tpu.memory_space<vmem>>) dst(%dma_wait3A_236 : memref<512xi32, #tpu.memory_space<hbm>>)
        tpu.yield
      }) : () -> ()
      "tpu.region"() ({
        %run_scoped3A = tpu.sem_alloc : memref<!tpu.dma_semaphore, #tpu.memory_space<semaphore_mem>>
        %dma_start3A = tpu.memref_slice %arg9[%mul3A_234] : memref<2048xi32, #tpu.memory_space<hbm>> -> memref<512xi32, #tpu.memory_space<hbm>>
        %dma_start3A_235 = tpu.memref_slice %arg9[%mul3A_234] : memref<2048xi32, #tpu.memory_space<hbm>> -> memref<512xi32, #tpu.memory_space<hbm>>
        tpu.enqueue_dma source(%arg22 : memref<512xi32, #tpu.memory_space<vmem>>) target(%dma_start3A_235 : memref<512xi32, #tpu.memory_space<hbm>>) target_semaphore(%run_scoped3A : memref<!tpu.dma_semaphore, #tpu.memory_space<semaphore_mem>>)
        %dma_wait3A = tpu.memref_slice %arg9[%mul3A_234] : memref<2048xi32, #tpu.memory_space<hbm>> -> memref<512xi32, #tpu.memory_space<hbm>>
        %dma_wait3A_236 = tpu.memref_slice %arg9[%mul3A_234] : memref<2048xi32, #tpu.memory_space<hbm>> -> memref<512xi32, #tpu.memory_space<hbm>>
        tpu.wait_dma2 semaphore(%run_scoped3A : memref<!tpu.dma_semaphore, #tpu.memory_space<semaphore_mem>>) src(%arg22 : memref<512xi32, #tpu.memory_space<vmem>>) dst(%dma_wait3A_236 : memref<512xi32, #tpu.memory_space<hbm>>)
        tpu.yield
      }) : () -> ()
      "tpu.region"() ({
        %run_scoped3A = tpu.sem_alloc : memref<!tpu.dma_semaphore, #tpu.memory_space<semaphore_mem>>
        %dma_start3A = tpu.memref_slice %arg10[%mul3A_234] : memref<2048xf32, #tpu.memory_space<hbm>> -> memref<512xf32, #tpu.memory_space<hbm>>
        %dma_start3A_235 = tpu.memref_slice %arg10[%mul3A_234] : memref<2048xf32, #tpu.memory_space<hbm>> -> memref<512xf32, #tpu.memory_space<hbm>>
        tpu.enqueue_dma source(%arg23 : memref<512xf32, #tpu.memory_space<vmem>>) target(%dma_start3A_235 : memref<512xf32, #tpu.memory_space<hbm>>) target_semaphore(%run_scoped3A : memref<!tpu.dma_semaphore, #tpu.memory_space<semaphore_mem>>)
        %dma_wait3A = tpu.memref_slice %arg10[%mul3A_234] : memref<2048xf32, #tpu.memory_space<hbm>> -> memref<512xf32, #tpu.memory_space<hbm>>
        %dma_wait3A_236 = tpu.memref_slice %arg10[%mul3A_234] : memref<2048xf32, #tpu.memory_space<hbm>> -> memref<512xf32, #tpu.memory_space<hbm>>
        tpu.wait_dma2 semaphore(%run_scoped3A : memref<!tpu.dma_semaphore, #tpu.memory_space<semaphore_mem>>) src(%arg23 : memref<512xf32, #tpu.memory_space<vmem>>) dst(%dma_wait3A_236 : memref<512xf32, #tpu.memory_space<hbm>>)
        tpu.yield
      }) : () -> ()
      "tpu.region"() ({
        %run_scoped3A = tpu.sem_alloc : memref<!tpu.dma_semaphore, #tpu.memory_space<semaphore_mem>>
        %dma_start3A = tpu.memref_slice %arg11[%mul3A_234] : memref<2048xf32, #tpu.memory_space<hbm>> -> memref<512xf32, #tpu.memory_space<hbm>>
        %dma_start3A_235 = tpu.memref_slice %arg11[%mul3A_234] : memref<2048xf32, #tpu.memory_space<hbm>> -> memref<512xf32, #tpu.memory_space<hbm>>
        tpu.enqueue_dma source(%arg24 : memref<512xf32, #tpu.memory_space<vmem>>) target(%dma_start3A_235 : memref<512xf32, #tpu.memory_space<hbm>>) target_semaphore(%run_scoped3A : memref<!tpu.dma_semaphore, #tpu.memory_space<semaphore_mem>>)
        %dma_wait3A = tpu.memref_slice %arg11[%mul3A_234] : memref<2048xf32, #tpu.memory_space<hbm>> -> memref<512xf32, #tpu.memory_space<hbm>>
        %dma_wait3A_236 = tpu.memref_slice %arg11[%mul3A_234] : memref<2048xf32, #tpu.memory_space<hbm>> -> memref<512xf32, #tpu.memory_space<hbm>>
        tpu.wait_dma2 semaphore(%run_scoped3A : memref<!tpu.dma_semaphore, #tpu.memory_space<semaphore_mem>>) src(%arg24 : memref<512xf32, #tpu.memory_space<vmem>>) dst(%dma_wait3A_236 : memref<512xf32, #tpu.memory_space<hbm>>)
        tpu.yield
      }) : () -> ()
    } else {
    }
    return
  }
}

module attributes {stable_mosaic.version = 14 : i64} {
  func.func @_nms_kernel(%arg0: i32, %arg1: memref<1x512x512xf32, #tpu.memory_space<vmem>>, %arg2: memref<1x512x512xf32, #tpu.memory_space<vmem>>) attributes {dimension_semantics = [#tpu.dimension_semantics<arbitrary>], iteration_bounds = array<i64: 40>, scalar_prefetch = 0 : i64, scratch_operands = 0 : i64, tpu.core_type = #tpu.core_type<tc>, window_params = [{transform_indices = @transform_0, window_bounds = array<i64: 1, 512, 512>}, {transform_indices = @transform_1, window_bounds = array<i64: 1, 512, 512>}]} {
    %get3A = arith.constant 0 : index
    %get3A_0 = arith.constant 0 : index
    %get3A_1 = arith.constant 0 : index
    %get3A_2 = vector.load %arg1[%get3A, %get3A_0, %get3A_1] : memref<1x512x512xf32, #tpu.memory_space<vmem>>, vector<1x512x512xf32>
    %get3A_3 = vector.shape_cast %get3A_2 : vector<1x512x512xf32> to vector<512x512xf32>
    %broadcast_in_dim3A = arith.constant 0xFF800000 : f32
    %broadcast_in_dim3A_4 = vector.broadcast %broadcast_in_dim3A : f32 to vector<1x512xf32>
    %slice3A = vector.extract_strided_slice %get3A_3 {offsets = [1, 0], sizes = [511, 512], strides = [1, 1]} : vector<512x512xf32> to vector<511x512xf32>
    %concatenate3A = tpu.concatenate %slice3A, %broadcast_in_dim3A_4 in 0 : vector<511x512xf32>, vector<1x512xf32> -> vector<512x512xf32>
    %slice3A_5 = vector.extract_strided_slice %get3A_3 {offsets = [0, 0], sizes = [511, 512], strides = [1, 1]} : vector<512x512xf32> to vector<511x512xf32>
    %concatenate3A_6 = tpu.concatenate %broadcast_in_dim3A_4, %slice3A_5 in 0 : vector<1x512xf32>, vector<511x512xf32> -> vector<512x512xf32>
    %max3A = arith.maximumf %concatenate3A, %concatenate3A_6 : vector<512x512xf32>
    %max3A_7 = arith.maximumf %max3A, %get3A_3 : vector<512x512xf32>
    %broadcast_in_dim3A_8 = arith.constant 0xFF800000 : f32
    %broadcast_in_dim3A_9 = vector.broadcast %broadcast_in_dim3A_8 : f32 to vector<512x1xf32>
    %slice3A_10 = vector.extract_strided_slice %max3A_7 {offsets = [0, 1], sizes = [512, 511], strides = [1, 1]} : vector<512x512xf32> to vector<512x511xf32>
    %concatenate3A_11 = tpu.concatenate %slice3A_10, %broadcast_in_dim3A_9 in 1 : vector<512x511xf32>, vector<512x1xf32> -> vector<512x512xf32>
    %slice3A_12 = vector.extract_strided_slice %max3A_7 {offsets = [0, 0], sizes = [512, 511], strides = [1, 1]} : vector<512x512xf32> to vector<512x511xf32>
    %concatenate3A_13 = tpu.concatenate %broadcast_in_dim3A_9, %slice3A_12 in 1 : vector<512x1xf32>, vector<512x511xf32> -> vector<512x512xf32>
    %max3A_14 = arith.maximumf %concatenate3A_11, %concatenate3A_13 : vector<512x512xf32>
    %max3A_15 = arith.maximumf %max3A_14, %max3A_7 : vector<512x512xf32>
    %eq3A = arith.cmpf oeq, %max3A_15, %get3A_3 : vector<512x512xf32>
    %jit3A = arith.constant 0.000000e+00 : f32
    %broadcast_in_dim3A_16 = vector.broadcast %jit3A : f32 to vector<512x512xf32>
    %select_n3A = arith.select %eq3A, %get3A_3, %broadcast_in_dim3A_16 : vector<512x512xi1>, vector<512x512xf32>
    %swap3A = arith.constant 0 : index
    %swap3A_17 = arith.constant 0 : index
    %swap3A_18 = arith.constant 0 : index
    %swap3A_19 = vector.load %arg2[%swap3A, %swap3A_17, %swap3A_18] : memref<1x512x512xf32, #tpu.memory_space<vmem>>, vector<1x512x512xf32>
    %swap3A_20 = vector.shape_cast %swap3A_19 : vector<1x512x512xf32> to vector<512x512xf32>
    %swap3A_21 = vector.shape_cast %select_n3A : vector<512x512xf32> to vector<1x512x512xf32>
    tpu.vector_store %arg2[%swap3A, %swap3A_17, %swap3A_18], %swap3A_21 {strides = array<i32>} : memref<1x512x512xf32, #tpu.memory_space<vmem>>, vector<1x512x512xf32>,
    return
  }
  func.func @transform_0(%arg0: i32) -> (i32, i32, i32) {
    %c0_i32 = arith.constant 0 : i32
    %c0_i32_0 = arith.constant 0 : i32
    %c0_i32_1 = arith.constant 0 : i32
    return %arg0, %c0_i32, %c0_i32_0 : i32, i32, i32
  }
  func.func @transform_1(%arg0: i32) -> (i32, i32, i32) {
    %c0_i32 = arith.constant 0 : i32
    %c0_i32_0 = arith.constant 0 : i32
    %c0_i32_1 = arith.constant 0 : i32
    return %arg0, %c0_i32, %c0_i32_0 : i32, i32, i32
  }
}

</mosaic_0001>

<sc_bundles>
// kernel: kernel.4.cloned.1.call-start
scs
__scs_entry_jumppad:
0x0: {  	(pc) =	sbr.rel $0x88, $3  }
0x1: {  	(tag) =	ssettag $0x0;
	lr =	simm.s32 $0x1  }
0x2: {  	[smem:$0x3FA0] =	sst lr;
	_ =	strace $0xD0000000  }
0x3: {  	_ = 	snop  }
0x4: {  	_ = 	snop  }
0x5: {  	_ = 	snop  }
0x6: {  	_ = 	snop  }
0x7: {  	_ = 	snop  }
__scs_overlays_trampoline_lowered:
0x8: {  	[smem:$0x3FAF] =	sst s0  }
0x9: {  	[smem:$0x3FB0] =	sst s1  }
0xa: {  	[smem:$0x3FB1] =	sst s2  }
0xb: {  	[smem:$0x3FB2] =	sst s3  }
0xc: {  	[smem:$0x3FB3] =	sst s4  }
0xd: {  	[smem:$0x3FB4] =	sst s5  }
0xe: {  	[smem:$0x3FB5] =	sst s6  }
0xf: {  	[smem:$0x3FB6] =	sst s7  }
0x10: {  	[smem:$0x3FB7] =	sst s8  }
0x11: {  	[smem:$0x3FB8] =	sst s9;
	s0 =	simm.s32 @!p0 $0x0  }
0x12: {  	s1 =	sld [smem:$0x3F9E];
	s0 =	simm.s32 @p0 $0x1  }
0x13: {  	[smem:$0x3FB9] =	sst s0;
	s0 =	simm.s32 @!p1 $0x0  }
0x14: {  	s2 =	sld [smem:$0x3F9D];
	s0 =	simm.s32 @p1 $0x1  }
0x15: {  	[smem:$0x3FBA] =	sst s0;
	s0 =	simm.s32 @!p2 $0x0  }
0x16: {  	s3 =	sld [smem:$0x3FDB];
	s0 =	simm.s32 @p2 $0x1  }
0x17: {  	s4 =	simm.s32 $0x1BF5;
	[smem:$0x3FBC] =	sst s0  }
0x18: {  	s0 =	sld [smem:$0x3F9F];
	_ =	swait.ge [sflag:s4], $0x0  }
0x19: {  	s7 =	sld [smem:$0x3FA0]  }
0x1a: {  	s8 =	sadd.s32 $0xFFFFE003, lr  }
0x1b: {  	s9 =	sadd.s32 $0xFFFFFEF7, lr;
	s5 =	simm.s32 $0xFFFFFFFF;
	p2 =	slt.u32 s8, $0xFFFFF086  }
0x1c: {  	p1 =	slt.u32 s9, $0xF7A;
	s5 =	simm.s32 @!p2 $0x0  }
0x1d: {  	s5 =	simm.s32 @p1 $0x1;
	p0 =	seq.s32 s7, s2  }
0x1e: {  	s7 =	smul.u32 @!p0 $0xF7A, s2;
	p2 =	seq.s32 @!p0 s5, $0x0  }
0x1f: {  	s9 =	smul.u32 $0xF7A, s1;
	s8 =	simm.s32 @!p0 $0x1BF5;
	p2 =	por !p2, p0  }
0x20: {  	[sflag:s8] =	ssyncset.s32 @!p0 $0xFFFFF086;
	s6 =	sadd.s32 @!p0 s3, s7;
	s7 =	simm.s32 @!p0 $0x108  }
0x21: {  	s3 =	sadd.s32 s3, s9;
	s6 =	sadd.s32 @!p0 $0x88, s6;
	s7 =	simm.s32 @p2 $0x1082  }
0x22: {  	[simem:s7], [sflag:s8] =	dma.local @!p0 [hbm:s6], $0xF7A  }
0x23: {  	s9 =	sor.u32 $0xD0000000, s2;
	s6 =	simm.s32 $0x108;
	_ =	swait.ge @!p0 [sflag:s8], $0x0  }
0x24: {  	s3 =	sadd.s32 $0x88, s3;
	s6 =	simm.s32 @!p1 $0x1082;
	[sflag:s4] =	ssyncset.s32 $0xFFFFF086  }
0x25: {  	[simem:s6], [sflag:s4] =	dma.local [hbm:s3], $0xF7A  }
0x26: {  	[smem:$0x3FA0] =	sst s1;
	(tag) =	ssettag s2;
	_ =	strace s9  }
0x27: {  	s1 =	sld [smem:$0x3FB0]  }
0x28: {  	s2 =	sld [smem:$0x3FB1]  }
0x29: {  	s4 =	sld [smem:$0x3FB3]  }
0x2a: {  	p0 =	seq.s32 s5, $0x0;
	s5 =	sld [smem:$0x3FB4]  }
0x2b: {  	s6 =	sld [smem:$0x3FB5]  }
0x2c: {  	s7 =	sld [smem:$0x3FB6]  }
0x2d: {  	s3 =	simm.s32 $0x108;
	s8 =	sld [smem:$0x3FB7]  }
0x2e: {  	s3 =	simm.s32 @!p0 $0x1082;
	s9 =	sld [smem:$0x3FB8]  }
0x2f: {  	lr =	sadd.s32 s0, s3;
	s0 =	sld [smem:$0x3FAF]  }
0x30: {  	s3 =	sld [smem:$0x3FB2]  }
0x31: {  	[smem:$0x3FBB] =	sst s10  }
0x32: {  	s10 =	sld [smem:$0x3FB9];
	_ =	sdelay $0x3  }
0x33: {  	p0 =	seq.s32 s10, $0x1;
	s10 =	sld [smem:$0x3FBB];
	_ =	sdelay $0x3  }
0x34: {  	[smem:$0x3FBB] =	sst s10  }
0x35: {  	s10 =	sld [smem:$0x3FBA];
	_ =	sdelay $0x3  }
0x36: {  	p1 =	seq.s32 s10, $0x1;
	s10 =	sld [smem:$0x3FBB];
	_ =	sdelay $0x3  }
0x37: {  	[smem:$0x3FBB] =	sst s10  }
0x38: {  	s10 =	sld [smem:$0x3FBC]  }
0x39: {  	_ = 	snop;
	(pc) =	sbr.ind lr, $3  }
0x3a: {  	_ = 	snop  }
0x3b: {  	_ = 	snop  }
0x3c: {  	p2 =	seq.s32 s10, $0x1;
	s10 =	sld [smem:$0x3FBB]  }
0x3d: {  	_ =	shalt  }
0x3e: {  	_ =	shalt  }
0x3f: {  	_ =	shalt  }
0x40: {  	_ =	shalt  }
0x41: {  	_ =	shalt  }
0x42: {  	_ =	shalt  }
0x43: {  	_ =	shalt  }
0x44: {  	_ =	shalt  }
0x45: {  	_ =	shalt  }
0x46: {  	_ =	shalt  }
0x47: {  	_ =	shalt  }
0x48: {  	_ =	shalt  }
0x49: {  	_ =	shalt  }
0x4a: {  	_ =	shalt  }
0x4b: {  	_ =	shalt  }
0x4c: {  	_ =	shalt  }
0x4d: {  	_ =	shalt  }
0x4e: {  	_ =	shalt  }
0x4f: {  	_ =	shalt  }
0x50: {  	_ =	shalt  }
0x51: {  	_ =	shalt  }
0x52: {  	_ =	shalt  }
0x53: {  	_ =	shalt  }
0x54: {  	_ =	shalt  }
0x55: {  	_ =	shalt  }
0x56: {  	_ =	shalt  }
0x57: {  	_ =	shalt  }
0x58: {  	_ =	shalt  }
0x59: {  	_ =	shalt  }
0x5a: {  	_ =	shalt  }
0x5b: {  	_ =	shalt  }
0x5c: {  	_ =	shalt  }
0x5d: {  	_ =	shalt  }
0x5e: {  	_ =	shalt  }
0x5f: {  	_ =	shalt  }
0x60: {  	_ =	shalt  }
0x61: {  	_ =	shalt  }
0x62: {  	_ =	shalt  }
0x63: {  	_ =	shalt  }
0x64: {  	_ =	shalt  }
0x65: {  	_ =	shalt  }
0x66: {  	_ =	shalt  }
0x67: {  	_ =	shalt  }
0x68: {  	_ =	shalt  }
0x69: {  	_ =	shalt  }
0x6a: {  	_ =	shalt  }
0x6b: {  	_ =	shalt  }
0x6c: {  	_ =	shalt  }
0x6d: {  	_ =	shalt  }
0x6e: {  	_ =	shalt  }
0x6f: {  	_ =	shalt  }
0x70: {  	_ =	shalt  }
0x71: {  	_ =	shalt  }
0x72: {  	_ =	shalt  }
0x73: {  	_ =	shalt  }
0x74: {  	_ =	shalt  }
0x75: {  	_ =	shalt  }
0x76: {  	_ =	shalt  }
0x77: {  	_ =	shalt  }
0x78: {  	_ =	shalt  }
0x79: {  	_ =	shalt  }
0x7a: {  	_ =	shalt  }
0x7b: {  	_ =	shalt  }
0x7c: {  	_ =	shalt  }
0x7d: {  	_ =	shalt  }
0x7e: {  	_ =	shalt  }
0x7f: {  	_ =	shalt  }
0x80: {  	_ =	shalt  }
0x81: {  	_ =	shalt  }
0x82: {  	_ =	shalt  }
0x83: {  	_ =	shalt  }
0x84: {  	_ =	shalt  }
0x85: {  	_ =	shalt  }
0x86: {  	_ =	shalt  }
0x87: {  	_ =	shalt  }
.Lfunc_end0:
.L_simem_size_0:
called_computation.1_lowered:
.L_overlay_start_0:
0x88: {  	s2 =	sld [smem:$0x3FD9]  }
0x89: {  	s3 =	sld [smem:$0x3FFE];
	_ =	sdelay $0x1  }
0x8a: {  	s1 =	srdreg.scid  }
0x8b: {  	s0 =	sand.u32 $0x1, s1  }
0x8c: {  	s14 =	sshll.u32 s0, $0xA;
	s2 =	sadd.s32 s3, s2  }
0x8d: {  	s2 =	sadd.s32 s2, s14  }
0x8e: {  	[smem:$0x3FC7] =	sst s2  }
0x8f: {  	_ = 	snop  }
0x90: {  	s2 =	sld [smem:$0x3FD0];
	_ =	sdelay $0x2  }
0x91: {  	s15 =	simm.s32 $0xA;
	s4 =	simm.s32 $0x10  }
0x92: {  	[smem:s4], [sflag:s15] =	dma.local [hbm:s2], $0x1  }
0x93: {  	_ =	swait.eq [sflag:s15], $0x1  }
0x94: {  	s16 =	sld [smem:$0x10]  }
0x95: {  	s17 =	sld [smem:$0x11];
	[sflag:s15] =	ssyncset.done $0x0  }
0x96: {  	s5 =	sld [smem:$0x12];
	[sflag:s15] =	ssyncadd.s32 $0xFFFFFFFF  }
0x97: {  	s18 =	sld [smem:$0x13];
	(tm) =	ssettm $0x1  }
0x98: {  	s6 =	sld [smem:$0x3FFB];
	_ =	sdelay $0x3  }
0x99: {  	_ =	strace s6  }
0x9a: {  	s6 =	sld [smem:$0x3FFC];
	_ =	sdelay $0x3  }
0x9b: {  	_ =	strace s6  }
0x9c: {  	s6 =	sld [smem:$0x3FFD];
	_ =	sdelay $0x3  }
0x9d: {  	_ =	strace s6  }
0x9e: {  	_ =	strace $0x8FFFFFFF  }
0x9f: {  	s19 =	sld [smem:$0x3FDB];
	_ =	sdelay $0x1  }
0xa0: {  	s7 =	simm.s32 $_scs_section_size  }
0xa1: {  	s8 =	simm.s32 $_size__tile_overlayer_lowered;
	s9 =	simm.s32 $_tile_overlayer_lowered  }
0xa2: {  	s22 =	simm.s32 $0x1BFF;
	s21 =	sshll.u32 s9, $0x1;
	s6 =	sadd.s32 s7, s19  }
0xa3: {  	s10 =	simm.s32 $0x0;
	s20 =	sshll.u32 s8, $0x1;
	s8 =	sadd.s32 s21, s6  }
0xa4: {  	[timem:s10], [sflag:s22] =	dma.local [hbm:s8], s20  }
0xa5: {  	_ =	swait.ge [sflag:s22], s20  }
0xa6: {  	s7 =	ssub.s32 $0x0, s20;
	[sflag:s22] =	ssyncset.done $0x0  }
0xa7: {  	[sflag:s22] =	ssyncadd.s32 s7;
	_ =	sdelay $0x1  }
0xa8: {  	s23 =	simm.s32 $0x1B8B  }
0xa9: {  	_ =	swait.ge [sflag:s23], $0x1  }
0xaa: {  	[sflag:s23] =	ssyncset.done $0x0  }
0xab: {  	s25 =	simm.s32 $0x1B8E;
	s24 =	sld [smem:$0x3FFE];
	[sflag:s23] =	ssyncadd.s32 $0xFFFFFFFF  }
0xac: {  	s26 =	simm.s32 $execute0_lowered;
	[smem:$0x3FD2] =	sst s25  }
0xad: {  	s8 =	sshll.u32 s26, $0x1;
	_ =	strace $0x80000049;
	[dreg:$0x1] =	wrdreg $0xFFFFFFFF  }
0xae: {  	s28 =	simm.s32 $_size_execute0_lowered;
	s6 =	sadd.s32 s6, s8;
	[dreg:$0x0] =	wrdreg $0x0  }
0xaf: {  	s8 =	sshll.u32 s28, $0x1;
	[dreg:$0x2] =	wrdreg s6  }
0xb0: {  	[dreg:$0x3] =	wrdreg s8  }
0xb1: {  	[dreg:$0x4] =	wrdreg $0xC0  }
0xb2: {  	_ =	task [dreg:s10], $0x5FFFF  }
0xb3: {  	[dreg:$0x1] =	wrdreg $0xFFFFFFFF  }
0xb4: {  	[dreg:$0x0] =	wrdreg $0x60  }
0xb5: {  	[dreg:$0x2] =	wrdreg s24  }
0xb6: {  	[dreg:$0x3] =	wrdreg s16  }
0xb7: {  	[dreg:$0x4] =	wrdreg s17  }
0xb8: {  	[dreg:$0x5] =	wrdreg s5  }
0xb9: {  	[dreg:$0x6] =	wrdreg s18  }
0xba: {  	[dreg:$0x7] =	wrdreg $0x9  }
0xbb: {  	_ =	task.clear_ibuf [dreg:s10], $0x8FFFF;
	_ =	strace $0x90000049  }
0xbc: {  	s29 =	simm.s32 $0x9;
	_ =	strace $0x8000004B  }
0xbd: {  	_ =	swait.ge [sflag:s29], $0x1  }
0xbe: {  	[sflag:s29] =	ssyncadd.s32 $0xFFFFFFFF  }
0xbf: {  	_ =	strace $0x9000004B  }
0xc0: {  	_ =	sfence  }
0xc1: {  	s30 =	sld [smem:$0x0];
	_ =	sdelay $0x2  }
0xc2: {  	s31 =	sshll.u32 s1, $0xD;
	s1 =	sshrl.u32 s1, $0x2  }
0xc3: {  	s3 =	sand.u32 $0x4000, s31;
	s1 =	sadd.s32 s1, s30  }
0xc4: {  	s0 =	sor.u32 s3, s0;
	s1 =	sshll.u32 s1, $0x11  }
0xc5: {  	s0 =	sor.u32 s1, s0  }
0xc6: {  	s0 =	sadd.s32 $0x8F2B, s0  }
0xc7: {  	[sflag:s0] =	ssyncadd.remote.s32 $0x1  }
0xc8: {  	_ =	sfence.sel $0xFFFF  }
0xc9: {  	[dreg:$0x0] =	wrdreg $0xFFFFFFFF;
	(pc) =	sbr.abs _section_cstart, $3  }
0xca: {  	[dreg:$0x1] =	wrdreg $0xFFFFFFFF  }
0xcb: {  	_ =	task.clear_ibuf [dreg:s10], $0x2FFFF;
	_ =	strace $0x9FFFFFFF  }
0xcc: {  	(tm) =	ssettm $0x7FFFFFFF  }
0xcd: {  	_ =	shalt  }
tec
execute0_lowered:
.L_overlay_start_1:
0x0: {  	(tag) =	ssettag $0x1  }
0x1: {  	s6 =	rddreg [dreg:$0x0]  }
0x2: {  	s11 =	rddreg [dreg:$0x1]  }
0x3: {  	s12 =	rddreg [dreg:$0x2]  }
0x4: {  	s13 =	rddreg [dreg:$0x3]  }
0x5: {  	s0 =	rddreg [dreg:$0x4];
	s1 =	simm.s32 $0x0;
	s2 =	srdreg.scid  }
0x6: {  	s28 =	simm.s32 $0x10600;
	s29 =	simm.s32 $0x10800;
	s30 =	simm.s32 $0x11C00  }
0x7: {  	[smem:$0x7FF] =	sst s1;
	s8 =	sand.u32 $0x1, s2;
	s3 =	sadd.s32 $0x140C00, s6  }
0x8: {  	s2 =	stileid.u32;
	s4 =	sadd.s32 $0xC00, s6;
	s5 =	sadd.s32 $0x3400, s6  }
0x9: {  	s15 =	sadd.s32 $0x5C00, s6;
	s16 =	sadd.s32 $0x6600, s6;
	_ =	strace $0x8000004A  }
0xa: {  	s7 =	sshll.u32 s8, $0x1;
	s23 =	ssub.s32 $0x2, s8;
	s25 =	sshll.u32 s2, $0x10  }
0xb: {  	s19 =	sand.u32 $0x3, s2;
	s20 =	smul.u32 $0xA000, s8;
	s9 =	sshll.u32 s2, $0xB  }
0xc: {  	v0 =	vimm.s32 $0xEFCDAB89;
	v1 =	vimm.s32 $0x67452301;
	v2 =	vimm.s32 $0xDCFE98BA;
	s22 =	sor.u32 $0x10, s2;
	p1 =	slt.u32 s2, $0x4;
	p2 =	sgt.u32 s2, $0x1  }
0xd: {  	v3 =	vimm.s32 $0x54761032;
	v4 =	vimm.s32 $0xBA98FEDC;
	s10 =	sadd.s32 s2, s7;
	s24 =	sshrl.u32 s23, $0x1;
	s7 =	sand.u32 $0x30000, s25  }
0xe: {  	v5 =	vimm.s32 $0xFEDCBA98;
	v6 =	vimm.s32 $0x32107654;
	p0 =	sne.s32 s19, $0x0;
	s17 =	sshll.u32 s10, $0x6;
	s25 =	smul.u32 $0x280, s10  }
0xf: {  	v7 =	vimm.s32 $0x76543210;
	v12 =	vimm.f32 $-Inf;
	s18 =	ssub.s32 s23, s24;
	s14 =	sadd.s32 s17, s6;
	s6 =	smul.u32 $0x14, s8  }
0x10: {  	vm0 =	vmmov $0x1;
	vm1 =	vcmask $0x310;
	vm2 =	vcmask $0x710;
	s9 =	sadd.s32 s20, s9;
	s8 =	smul.u32 $0x50, s8;
	s11 =	sadd.s32 s11, s17  }
0x11: {  	vm3 =	vcmask $0xB10;
	vm4 =	vcmask $0x328;
	vm5 =	vcmask $0x728;
	s23 =	sshrl.u32 s9, $0x3;
	s0 =	sadd.s32 s0, s17;
	[dreg:$0xa] =	wrdreg s11  }
0x12: {  	vm6 =	vcmask $0xB28;
	vm7 =	vcmask $0xF28;
	vm8 =	vcmask $0x1328;
	[dreg:$0xd] =	wrdreg s0;
	s21 =	sadd.s32 s2, s6;
	s24 =	sadd.s32 s22, s6  }
0x13: {  	vm9 =	vcmask $0x1728;
	vm10 =	vcmask $0x1B28;
	vm11 =	vcmask $0x1F28;
	s22 =	sshll.u32 s22, $0xB;
	s21 =	sshll.u32 s21, $0x6;
	s24 =	sshll.u32 s24, $0x6  }
0x14: {  	v0 =	vunpack.c.l.s4.s8 v0;
	v1 =	vunpack.c.l.s4.s8 v1;
	v2 =	vunpack.c.l.s4.s8 v2;
	s20 =	sadd.s32 s20, s22;
	s22 =	sadd.s32 s16, s25;
	s9 =	sadd.s32 s15, s21  }
0x15: {  	v3 =	vunpack.c.l.s4.s8 v3;
	v5 =	vunpack.c.l.s4.s8 v5;
	v4 =	vunpack.c.l.s4.s8 v4;
	s10 =	sadd.s32 s16, s21;
	s26 =	sadd.s32 s15, s24;
	[dreg:$0x9] =	wrdreg s22  }
0x16: {  	v6 =	vunpack.c.l.s4.s8 v6;
	v7 =	vunpack.c.l.s4.s8 v7;
	v0 =	vunpack.c.0.s8.s32 v0;
	s31 =	sadd.s32 s16, s24;
	s15 =	sadd.s32 s15, s25;
	[dreg:$0x6] =	wrdreg s26  }
0x17: {  	v1 =	vunpack.c.0.s8.s32 v1;
	v2 =	vunpack.c.0.s8.s32 v2;
	v3 =	vunpack.c.0.s8.s32 v3;
	s16 =	sadd.s32 s5, s23;
	s20 =	sshrl.u32 s20, $0x3;
	[dreg:$0x7] =	wrdreg s31  }
0x18: {  	v5 =	vunpack.c.0.s8.s32 v5;
	v4 =	vunpack.c.0.s8.s32 v4;
	v6 =	vunpack.c.0.s8.s32 v6;
	s24 =	sadd.s32 s13, s17;
	[dreg:$0x8] =	wrdreg s15;
	s15 =	sadd.s32 s4, s23  }
.Ltmp0:
0x19: {  	vm12 =	vcmask $0x2328;
	v7 =	vunpack.c.0.s8.s32 v7;
	v0 =	vcombine.low v1, v0;
	s23 =	sadd.s32 s12, s17;
	[dreg:$0xc] =	wrdreg s24;
	(pc) =	sbr.rel .LBB2_1-.Ltmp0, $4  }
0x1a: {  	v1 =	vcombine.low v3, v2;
	v3 =	vand.u32 $0xF, v5;
	v2 =	vcombine.low v6, v4;
	s0 =	simm.s32 $0x13200;
	s25 =	sadd.s32 s4, s20;
	[dreg:$0xb] =	wrdreg s23  }
0x1b: {  	v4 =	vlaneseq.u32;
	v5 =	vimm.s32 $0x0;
	v3 =	vcombine.low v3, v7;
	s13 =	simm.s32 $0x0;
	s26 =	sadd.s32 s5, s20;
	[dreg:$0xe] =	wrdreg s25  }
0x1c: {  	v9 =	vor.u32 $0x30, v4;
	v10 =	vor.u32 $0x20, v4;
	v11 =	vor.u32 $0x10, v4;
	s31 =	sadd.s32 $0x7000, s14;
	s24 =	smax.u32 s18, $0x1;
	[dreg:$0xf] =	wrdreg s26  }
0x1d: {  	v6 =	vand.u32 $0xF, v0;
	v7 =	vand.u32 $0xF, v1;
	v8 =	vand.u32 $0xF, v2;
	[dreg:$0x10] =	wrdreg s31;
	s25 =	simm.s32 $0x1;
	s26 =	simm.s32 $0x10400  }
.LBB2_17:
0x1e: {  	[bflag:$0x0] =	sbarrier.arrive $0xFFFF  }
.LBB2_24:
0x1f: {  	s13 =	sadd.s32 $0x1, s13  }
0x20: {  	p3 =	sne.s32 s13, s24  }
.Ltmp1:
0x21: {  	_ = 	snop;
	(pc) =	sbr.rel @!p3 .LBB2_25-.Ltmp1, $1  }
0x22: {  	_ =	sdelay $0x3  }
.LBB2_1:
0x23: {  	s14 =	simm.s32 $0x0  }
.LBB2_2:
0x24: {  	s11 =	sshll.u32 s14, $0x4  }
0x25: {  	s17 =	sor.u32 s2, s11  }
0x26: {  	p3 =	seq.s32 s17, $0x0  }
0x27: {  	p3 =	por !p0, !p3  }
0x28: {  	s12 =	simm.s32 $0x1;
	s11 =	sshrl.u32 s17, $0x2;
	p3 =	por !p3, !p3  }
0x29: {  	s11 =	sadd.s32 s6, s11;
	s12 =	simm.s32 @!p3 $0x0  }
0x2a: {  	s11 =	ssub.s32 s11, s12  }
0x2b: {  	s11 =	sshll.u32 s11, $0x12  }
0x2c: {  	s11 =	sor.u32 s7, s11  }
0x2d: {  	s11 =	sshrl.u32 s11, $0x3  }
0x2e: {  	s31 =	sadd.s32 s3, s11;
	s11 =	simm.s32 $0x0  }
0x2f: {  	[tilespmem:s11], [sflag:$0x1] =	stream.linear.gather [hbm4b:s31+s11], $0x10000, $0x38;
	[tilespmem:$0x13E00] =	vst v63  }
0x30: {  	_ =	swait.ge [sflag:s25], $0x10000  }
0x31: {  	[sflag:s25] =	ssyncset.done $0x0  }
0x32: {  	s18 =	simm.s32 $0x0;
	s12 =	simm.s32 $0x20;
	[sflag:s25] =	ssyncadd.s32 $0xFFFF0000  }
.LBB2_3:
0x33: {  	v13 =	vld [tilespmem:s12+$0xFFFFFFE0]  }
0x34: {  	v14 =	vld [tilespmem:s12+$0xFFFFFFF0]  }
0x35: {  	v15 =	vld [tilespmem:s12+$0x0]  }
0x36: {  	v16 =	vld [tilespmem:s12+$0x10]  }
0x37: {  	s19 =	sadd.s32 $0x40, s12  }
0x38: {  	v17 =	vld [tilespmem:s19+$0xFFFFFFE0]  }
0x39: {  	v13 =	vmax.f32 v13, v14;
	v14 =	vld [tilespmem:s19+$0xFFFFFFF0]  }
0x3a: {  	v13 =	vmax.f32 v13, v15;
	v15 =	vld [tilespmem:s19+$0x0]  }
0x3b: {  	v13 =	vmax.f32 v13, v16;
	v16 =	vld [tilespmem:s19+$0x10]  }
0x3c: {  	v18 =	vperm.xlane v13, v0;
	_ =	sdelay $0x1  }
0x3d: {  	s21 =	sadd.s32 $0x40, s19;
	v13 =	vmax.f32 v13, v18;
	v14 =	vmax.f32 v17, v14  }
0x3e: {  	v17 =	vperm.xlane v13, v1;
	v15 =	vmax.f32 v14, v15;
	v14 =	vld [tilespmem:s21+$0xFFFFFFE0]  }
0x3f: {  	v16 =	vmax.f32 v15, v16;
	v15 =	vld [tilespmem:s21+$0xFFFFFFF0]  }
0x40: {  	v20 =	vmax.f32 v13, v17;
	v17 =	vld [tilespmem:s21+$0x0]  }
0x41: {  	v18 =	vld [tilespmem:s21+$0x10];
	v19 =	vperm.xlane v16, v0;
	v21 =	vperm.xlane v20, v2  }
0x42: {  	s20 =	simm.s32 $0x1;
	v13 =	vimm.f32 $-Inf  }
0x43: {  	s23 =	simm.s32 $0x3;
	s19 =	simm.s32 $0x2;
	s21 =	sadd.s32 $0x40, s21;
	v19 =	vmax.f32 v16, v19;
	v16 =	vmax.f32 v20, v21;
	v20 =	vmov s11  }
.LBB2_4:
0x44: {  	v21 =	vmax.f32 v14, v15;
	v14 =	vld [tilespmem:s21+$0xFFFFFFE0];
	v22 =	vperm.xlane v19, v1;
	v23 =	vperm.xlane v16, v3;
	s22 =	smov.u32 s23;
	p3 =	sne.s32 s23, $0xF  }
.Ltmp2:
0x45: {  	s23 =	sadd.s32 $0x1, s23;
	vm13 =	veq.s32 v20, v4;
	v15 =	vld [tilespmem:s21+$0xFFFFFFF0];
	v21 =	vmax.f32 v21, v17;
	(pc) =	sbr.rel @p3 .LBB2_4-.Ltmp2, $3  }
0x46: {  	v17 =	vld [tilespmem:s21+$0x0];
	v20 =	vmax.f32 v21, v18;
	v21 =	vmax.f32 v19, v22;
	v16 =	vmax.f32 v16, v23  }
0x47: {  	v18 =	vld [tilespmem:s21+$0x10];
	v19 =	vperm.xlane v20, v0;
	v22 =	vperm.xlane v21, v2;
	v13 =	vsel vm13, v16, v13;
	_ =	sdelay $0x1  }
0x48: {  	s21 =	sadd.s32 $0x40, s21;
	v19 =	vmax.f32 v20, v19;
	v16 =	vmax.f32 v21, v22;
	v20 =	vmov s20;
	s20 =	smov.u32 s19;
	s19 =	smov.u32 s22  }
0x49: {  	v14 =	vmax.f32 v14, v15  }
0x4a: {  	v14 =	vmax.f32 v14, v17  }
0x4b: {  	v14 =	vmax.f32 v14, v18  }
0x4c: {  	v15 =	vperm.xlane v14, v0;
	_ =	sdelay $0x1  }
0x4d: {  	v58 =	vperm.xlane v19, v1;
	v14 =	vmax.f32 v14, v15  }
0x4e: {  	v15 =	vperm.xlane v14, v1  }
0x4f: {  	v17 =	vmax.f32 v19, v58  }
0x50: {  	v59 =	vperm.xlane v17, v2;
	v14 =	vmax.f32 v14, v15  }
0x51: {  	v15 =	vperm.xlane v16, v3;
	v60 =	vperm.xlane v14, v2  }
0x52: {  	vm13 =	veq.s32 v20, v4;
	s31 =	sshll.u32 s18, $0x4;
	s18 =	sadd.s32 $0x1, s18;
	v17 =	vmax.f32 v17, v59  }
0x53: {  	p3 =	sne.s32 s18, $0x40;
	v61 =	vperm.xlane v17, v3;
	v15 =	vmax.f32 v16, v15;
	v14 =	vmax.f32 v14, v60  }
.Ltmp3:
0x54: {  	v13 =	vsel vm13, v15, v13;
	v15 =	vmov s20;
	v62 =	vperm.xlane v14, v3;
	(pc) =	sbr.rel @p3 .LBB2_3-.Ltmp3, $4  }
0x55: {  	v63 =	vmov s19;
	vm13 =	veq.s32 v15, v4;
	v15 =	vmax.f32 v17, v61  }
0x56: {  	v13 =	vsel vm13, v15, v13;
	vm13 =	veq.s32 v63, v4;
	v14 =	vmax.f32 v14, v62  }
0x57: {  	s19 =	sand.u32 $0x3FFFFFF0, s31;
	v13 =	vsel vm13, v14, v13  }
0x58: {  	s12 =	sadd.s32 $0x400, s12;
	[tilespmem:s19+$0x10000] =	vst v13;
	s19 =	simm.s32 $0x0  }
.LBB2_6:
0x59: {  	p3 =	sne.s32 s19, $0x7C0  }
.Ltmp4:
0x5a: {  	_ = 	snop;
	(pc) =	sbr.rel @p3 .LBB2_6-.Ltmp4, $4  }
0x5b: {  	_ = 	snop  }
0x5c: {  	s11 =	sshra.s32 s19, $0x2;
	v13 =	vimm.f32 $-Inf  }
0x5d: {  	[tilespmem:s11+$0x10400] =	vst v13  }
0x5e: {  	s19 =	sadd.s32 $0x40, s19;
	[tilespmem:s11+$0x10600] =	vst v5  }
0x5f: {  	s11 =	simm.s32 $0x10000  }
0x60: {  	v14 =	vld [tilespmem:s11+$0x0];
	_ =	sdelay $0x4  }
0x61: {  	s22 =	simm.s32 $0x10010;
	v15 =	vperm.xlane v14, v0  }
0x62: {  	v16 =	vld [tilespmem:s22+$0x0]  }
0x63: {  	v14 =	vmax.f32 v14, v15  }
0x64: {  	v15 =	vperm.xlane v14, v1;
	_ =	sdelay $0x1  }
0x65: {  	v14 =	vmax.f32 v14, v15  }
0x66: {  	s23 =	simm.s32 $0x10020;
	v17 =	vperm.xlane v16, v0;
	v18 =	vperm.xlane v14, v2  }
0x67: {  	v15 =	vld [tilespmem:s23+$0x0]  }
0x68: {  	v16 =	vmax.f32 v16, v17;
	v17 =	vmax.f32 v14, v18  }
0x69: {  	s31 =	simm.s32 $0x0;
	v14 =	vperm.xlane v16, v1;
	v18 =	vperm.xlane v17, v3  }
0x6a: {  	v19 =	vmov s31  }
0x6b: {  	s12 =	simm.s32 $0x1;
	vm13 =	veq.s32 v19, v4;
	v14 =	vmax.f32 v16, v14;
	v18 =	vmax.f32 v17, v18  }
0x6c: {  	s18 =	simm.s32 $0x3;
	s19 =	simm.s32 $0x10030;
	s11 =	simm.s32 $0x2;
	v16 =	vperm.xlane v15, v0;
	v17 =	vperm.xlane v14, v2;
	v18 =	vmax.f32 v13, v18  }
.LBB2_8:
0x6d: {  	v19 =	vld [tilespmem:s19+$0x0];
	p3 =	sne.s32 s18, $0x3F;
	v13 =	vsel vm13, v18, v13;
	s20 =	smov.u32 s18;
	s18 =	sadd.s32 $0x1, s18  }
.Ltmp5:
0x6e: {  	v15 =	vmax.f32 v15, v16;
	v16 =	vmax.f32 v14, v17;
	(pc) =	sbr.rel @p3 .LBB2_8-.Ltmp5, $4  }
0x6f: {  	s21 =	sshrl.u32 s12, $0x2;
	s12 =	smov.u32 s11;
	s11 =	smov.u32 s20;
	v14 =	vperm.xlane v15, v1;
	v17 =	vperm.xlane v16, v3  }
0x70: {  	v18 =	vmov s21  }
0x71: {  	vm13 =	veq.s32 v18, v4;
	v14 =	vmax.f32 v15, v14;
	v20 =	vmax.f32 v16, v17  }
0x72: {  	s19 =	sadd.s32 $0x10, s19;
	v16 =	vperm.xlane v19, v0;
	v17 =	vperm.xlane v14, v2;
	v18 =	vmax.f32 v13, v20;
	v15 =	vmovc v19  }
0x73: {  	_ = 	snop  }
0x74: {  	v15 =	vmax.f32 v15, v16  }
0x75: {  	v16 =	vperm.xlane v15, v1;
	_ =	sdelay $0x1  }
0x76: {  	v15 =	vmax.f32 v15, v16  }
0x77: {  	v14 =	vmax.f32 v14, v17;
	v16 =	vperm.xlane v15, v2  }
0x78: {  	v17 =	vperm.xlane v14, v3  }
0x79: {  	v13 =	vsel vm13, v18, v13;
	s12 =	sshrl.u32 s12, $0x2;
	v15 =	vmax.f32 v15, v16  }
0x7a: {  	v14 =	vmax.f32 v14, v17;
	v16 =	vmov s12;
	v17 =	vperm.xlane v15, v3  }
0x7b: {  	s11 =	sshrl.u32 s11, $0x2;
	v14 =	vmax.f32 v13, v14;
	vm13 =	veq.s32 v16, v4  }
0x7c: {  	v13 =	vsel vm13, v14, v13;
	v14 =	vmov s11;
	v15 =	vmax.f32 v15, v17  }
0x7d: {  	vm13 =	veq.s32 v14, v4;
	v14 =	vmax.f32 v13, v15  }
0x7e: {  	v13 =	vsel vm13, v14, v13  }
0x7f: {  	v14 =	vperm.xlane v13, v6;
	_ =	sdelay $0x1  }
0x80: {  	v14 =	vmax.f32 v13, v14  }
0x81: {  	v15 =	vperm.xlane v14, v7;
	_ =	sdelay $0x1  }
0x82: {  	v14 =	vmax.f32 v14, v15  }
0x83: {  	v15 =	vperm.xlane v14, v8;
	_ =	sdelay $0x1  }
0x84: {  	v14 =	vmax.f32 v14, v15  }
0x85: {  	v15 =	vperm.xlane v14, v3;
	_ =	sdelay $0x1  }
0x86: {  	v15 =	vmax.f32 v14, v15  }
0x87: {  	vm13 =	veq.f32 v13, v15  }
0x88: {  	v14 =	vnsel vm13, $0x10, v4  }
0x89: {  	v16 =	vperm.xlane v14, v6;
	_ =	sdelay $0x1  }
0x8a: {  	vm13 =	vlt.s32 v14, v16  }
0x8b: {  	v14 =	vsel vm13, v14, v16  }
0x8c: {  	v16 =	vperm.xlane v14, v7;
	_ =	sdelay $0x1  }
0x8d: {  	vm13 =	vlt.s32 v14, v16  }
0x8e: {  	v14 =	vsel vm13, v14, v16  }
0x8f: {  	v16 =	vperm.xlane v14, v8;
	_ =	sdelay $0x1  }
0x90: {  	vm13 =	vlt.s32 v14, v16  }
0x91: {  	v14 =	vsel vm13, v14, v16  }
0x92: {  	v16 =	vperm.xlane v14, v3;
	_ =	sdelay $0x1  }
0x93: {  	vm13 =	vlt.s32 v14, v16  }
0x94: {  	v14 =	vsel vm13, v14, v16  }
0x95: {  	(v2sf) =	vpush v14, $0x0;
	_ =	sdelay $0xe  }
0x96: {  	s20 =	spop (v2sf)  }
0x97: {  	s18 =	sshll.u32 s20, $0x6  }
0x98: {  	v16 =	vld [tilespmem:s18+$0x10000];
	_ =	sdelay $0x1  }
0x99: {  	v17 =	vld [tilespmem:s18+$0x10020]  }
0x9a: {  	v18 =	vor.u32 s18, v4;
	v19 =	vld [tilespmem:s18+$0x10010]  }
0x9b: {  	vm13 =	vlt.s32 v18, $0x400  }
0x9c: {  	s11 =	sor.u32 $0x10, s18;
	v18 =	vnsel vm13, $0x400, v18;
	vm13 =	veq.f32 v16, v15;
	v16 =	vld [tilespmem:s18+$0x10030]  }
0x9d: {  	v20 =	vor.u32 s11, v4;
	v18 =	vnsel vm13, $0x400, v18  }
0x9e: {  	s21 =	sor.u32 $0x20, s18;
	vm14 =	veq.f32 v17, v15;
	vm13 =	vlt.s32 v18, v20  }
0x9f: {  	vm15 =	veq.f32 v19, v15;
	v19 =	vor.u32 s21, v4;
	v17 =	vsel vm13, v18, v20  }
0xa0: {  	s22 =	sor.u32 $0x30, s18;
	v17 =	vsel vm15, v17, v18;
	v18 =	vnsel vm14, $0x400, v19  }
0xa1: {  	vm13 =	vlt.s32 v17, v18;
	vm14 =	veq.f32 v16, v15;
	v16 =	vor.u32 s22, v4  }
0xa2: {  	v17 =	vsel vm13, v17, v18;
	v16 =	vnsel vm14, $0x400, v16  }
0xa3: {  	vm13 =	vlt.s32 v17, v16  }
0xa4: {  	v16 =	vsel vm13, v17, v16  }
0xa5: {  	v17 =	vperm.xlane v16, v6;
	_ =	sdelay $0x1  }
0xa6: {  	vm13 =	vlt.s32 v16, v17  }
0xa7: {  	v16 =	vsel vm13, v16, v17  }
0xa8: {  	v17 =	vperm.xlane v16, v7;
	_ =	sdelay $0x1  }
0xa9: {  	vm13 =	vlt.s32 v16, v17  }
0xaa: {  	v16 =	vsel vm13, v16, v17  }
0xab: {  	v17 =	vperm.xlane v16, v8;
	_ =	sdelay $0x1  }
0xac: {  	vm13 =	vlt.s32 v16, v17  }
0xad: {  	v16 =	vsel vm13, v16, v17  }
0xae: {  	v17 =	vperm.xlane v16, v3;
	_ =	sdelay $0x1  }
0xaf: {  	vm13 =	vlt.s32 v16, v17  }
0xb0: {  	v16 =	vsel vm13, v16, v17  }
0xb1: {  	(v2sf) =	vpush v16, $0x0;
	_ =	sdelay $0xe  }
0xb2: {  	s11 =	spop (v2sf)  }
0xb3: {  	s12 =	sshll.u32 s11, $0x6  }
0xb4: {  	v16 =	vld [tilespmem:s12+$0x30]  }
0xb5: {  	v17 =	vld [tilespmem:s12+$0x20]  }
0xb6: {  	v18 =	vld [tilespmem:s12+$0x10]  }
0xb7: {  	v19 =	vld [tilespmem:s12+$0x0];
	_ =	sdelay $0x1  }
0xb8: {  	vm13 =	veq.f32 v16, v15  }
0xb9: {  	vm14 =	veq.f32 v17, v15;
	v16 =	vnsel vm13, $0x40, v9  }
0xba: {  	vm13 =	veq.f32 v18, v15;
	v16 =	vsel vm14, v10, v16  }
0xbb: {  	vm14 =	veq.f32 v19, v15;
	v16 =	vsel vm13, v11, v16  }
0xbc: {  	v16 =	vsel vm14, v4, v16  }
0xbd: {  	v17 =	vperm.xlane v16, v6;
	_ =	sdelay $0x1  }
0xbe: {  	vm13 =	vlt.s32 v16, v17  }
0xbf: {  	v16 =	vsel vm13, v16, v17  }
0xc0: {  	v17 =	vperm.xlane v16, v7;
	_ =	sdelay $0x1  }
0xc1: {  	vm13 =	vlt.s32 v16, v17  }
0xc2: {  	v16 =	vsel vm13, v16, v17  }
0xc3: {  	v17 =	vperm.xlane v16, v8;
	_ =	sdelay $0x1  }
0xc4: {  	vm13 =	vlt.s32 v16, v17  }
0xc5: {  	v16 =	vsel vm13, v16, v17  }
0xc6: {  	v17 =	vperm.xlane v16, v3;
	_ =	sdelay $0x1  }
0xc7: {  	vm13 =	vlt.s32 v16, v17  }
0xc8: {  	v16 =	vsel vm13, v16, v17  }
0xc9: {  	(v2sf) =	vpush v16, $0x0;
	_ =	sdelay $0xc  }
0xca: {  	s19 =	simm.s32 $0x0  }
0xcb: {  	s20 =	sand.u32 $0x1F0, s19  }
0xcc: {  	v16 =	vld [tilespmem:s20+$0x10400];
	s21 =	spop (v2sf)  }
0xcd: {  	s19 =	sand.u32 $0xF, s19;
	v17 =	vld [tilespmem:s20+$0x10600];
	s22 =	sadd.s32 s12, s21;
	s21 =	sand.u32 $0xF, s21  }
0xce: {  	s23 =	sshra.s32 s22, $0x1F;
	p3 =	slt.s32 s22, $0x1;
	p4 =	sne.s32 s21, $0x0  }
0xcf: {  	v18 =	vmov s19;
	s23 =	sshrl.u32 s23, $0x1C;
	p3 =	por !p3, !p4  }
0xd0: {  	vm13 =	veq.s32 v18, v4;
	s21 =	simm.s32 $0x1;
	s19 =	sadd.s32 s23, s22;
	p3 =	por !p3, !p3  }
0xd1: {  	v15 =	vsel vm13, v15, v16;
	s31 =	sadd.s32 s7, s22;
	s19 =	sshrl.u32 s19, $0x4;
	s21 =	simm.s32 @!p3 $0x0  }
0xd2: {  	[tilespmem:s20+$0x10400] =	vst v15;
	v16 =	vsel vm13, s31, v17;
	s19 =	ssub.s32 s19, s21  }
0xd3: {  	[tilespmem:s20+$0x10600] =	vst v16;
	s19 =	sshll.u32 s19, $0x4  }
0xd4: {  	v15 =	vld [tilespmem:s19+$0x0];
	_ =	sdelay $0x1  }
0xd5: {  	s21 =	ssub.s32 s22, s19  }
0xd6: {  	v16 =	vmov s21  }
0xd7: {  	vm13 =	veq.s32 v16, v4  }
0xd8: {  	v15 =	vsel vm13, $0xFF800000, v15  }
0xd9: {  	[tilespmem:s19+$0x0] =	vst v15  }
0xda: {  	v15 =	vld [tilespmem:s12+$0x0]  }
0xdb: {  	v16 =	vld [tilespmem:s12+$0x10]  }
0xdc: {  	v17 =	vld [tilespmem:s12+$0x20]  }
0xdd: {  	v18 =	vld [tilespmem:s12+$0x30];
	_ =	sdelay $0x2  }
0xde: {  	v15 =	vmax.f32 v15, v16  }
0xdf: {  	v15 =	vmax.f32 v15, v17  }
0xe0: {  	v15 =	vmax.f32 v15, v18  }
0xe1: {  	s22 =	sand.u32 $0xF, s11;
	v16 =	vperm.xlane v15, v6  }
0xe2: {  	p5 =	slt.s32 s11, $0x1;
	s23 =	sshra.s32 s11, $0x1F;
	p6 =	sne.s32 s22, $0x0  }
0xe3: {  	s31 =	sshrl.u32 s23, $0x1C;
	p3 =	por !p5, !p6;
	v15 =	vmax.f32 v15, v16  }
0xe4: {  	p3 =	por !p3, !p3;
	s19 =	simm.s32 $0x1;
	s12 =	sadd.s32 s31, s11;
	v16 =	vperm.xlane v15, v7  }
0xe5: {  	s19 =	simm.s32 @!p3 $0x0;
	s12 =	sshrl.u32 s12, $0x4  }
0xe6: {  	s12 =	ssub.s32 s12, s19;
	v15 =	vmax.f32 v15, v16  }
0xe7: {  	s12 =	sshll.u32 s12, $0x4;
	v16 =	vperm.xlane v15, v8  }
0xe8: {  	v17 =	vld [tilespmem:s12+$0x10000]  }
0xe9: {  	v15 =	vmax.f32 v15, v16  }
0xea: {  	s11 =	ssub.s32 s11, s12;
	v16 =	vperm.xlane v15, v3  }
0xeb: {  	v18 =	vmov s11  }
0xec: {  	vm13 =	veq.s32 v18, v4;
	v15 =	vmax.f32 v15, v16  }
0xed: {  	v15 =	vsel vm13, v15, v17  }
0xee: {  	[tilespmem:s12+$0x10000] =	vst v15  }
0xef: {  	v15 =	vld [tilespmem:s18+$0x10000]  }
0xf0: {  	v16 =	vld [tilespmem:s18+$0x10010]  }
0xf1: {  	v17 =	vld [tilespmem:s18+$0x10020]  }
0xf2: {  	v18 =	vld [tilespmem:s18+$0x10030];
	_ =	sdelay $0x2  }
0xf3: {  	v15 =	vmax.f32 v15, v16  }
0xf4: {  	v15 =	vmax.f32 v15, v17  }
0xf5: {  	v15 =	vmax.f32 v15, v18  }
0xf6: {  	v16 =	vperm.xlane v15, v6;
	_ =	sdelay $0x1  }
0xf7: {  	v15 =	vmax.f32 v15, v16  }
0xf8: {  	v16 =	vperm.xlane v15, v7;
	_ =	sdelay $0x1  }
0xf9: {  	v15 =	vmax.f32 v15, v16  }
0xfa: {  	v14 =	vbroadcast v14, $0x0;
	s18 =	simm.s32 $0x1;
	v16 =	vperm.xlane v15, v8  }
.LBB2_10:
0xfb: {  	p3 =	sne.s32 s18, $0x1F3;
	s20 =	smov.u32 s18;
	s18 =	sadd.s32 $0x1, s18  }
0xfc: {  	v15 =	vmax.f32 v15, v16  }
0xfd: {  	v16 =	vperm.xlane v15, v3  }
0xfe: {  	vm13 =	veq.s32 v14, v4  }
0xff: {  	v14 =	vmax.f32 v15, v16  }
0x100: {  	v13 =	vsel vm13, v14, v13  }
0x101: {  	v14 =	vperm.xlane v13, v6;
	_ =	sdelay $0x1  }
0x102: {  	v14 =	vmax.f32 v13, v14  }
0x103: {  	v15 =	vperm.xlane v14, v7;
	_ =	sdelay $0x1  }
0x104: {  	v14 =	vmax.f32 v14, v15  }
0x105: {  	v15 =	vperm.xlane v14, v8;
	_ =	sdelay $0x1  }
0x106: {  	v14 =	vmax.f32 v14, v15  }
0x107: {  	v15 =	vperm.xlane v14, v3;
	_ =	sdelay $0x1  }
0x108: {  	v15 =	vmax.f32 v14, v15  }
0x109: {  	vm13 =	veq.f32 v13, v15  }
0x10a: {  	v14 =	vnsel vm13, $0x10, v4  }
0x10b: {  	v16 =	vperm.xlane v14, v6;
	_ =	sdelay $0x1  }
0x10c: {  	vm13 =	vlt.s32 v14, v16  }
0x10d: {  	v14 =	vsel vm13, v14, v16  }
0x10e: {  	v16 =	vperm.xlane v14, v7;
	_ =	sdelay $0x1  }
0x10f: {  	vm13 =	vlt.s32 v14, v16  }
0x110: {  	v14 =	vsel vm13, v14, v16  }
0x111: {  	v16 =	vperm.xlane v14, v8;
	_ =	sdelay $0x1  }
0x112: {  	vm13 =	vlt.s32 v14, v16  }
0x113: {  	v14 =	vsel vm13, v14, v16  }
0x114: {  	v16 =	vperm.xlane v14, v3;
	_ =	sdelay $0x1  }
0x115: {  	vm13 =	vlt.s32 v14, v16  }
0x116: {  	v16 =	vsel vm13, v14, v16  }
0x117: {  	v14 =	vbroadcast v16, $0x0;
	(v2sf) =	vpush v16, $0x0;
	_ =	sdelay $0xe  }
0x118: {  	s11 =	spop (v2sf)  }
0x119: {  	s19 =	sshll.u32 s11, $0x6  }
0x11a: {  	v16 =	vld [tilespmem:s19+$0x10000];
	v17 =	vor.u32 s19, v4;
	s11 =	sor.u32 $0x10, s19;
	s12 =	sor.u32 $0x20, s19;
	s21 =	sor.u32 $0x30, s19  }
0x11b: {  	vm13 =	vlt.s32 v17, $0x400  }
0x11c: {  	v17 =	vnsel vm13, $0x400, v17;
	v18 =	vld [tilespmem:s19+$0x10020]  }
0x11d: {  	v19 =	vld [tilespmem:s19+$0x10010];
	_ =	sdelay $0x1  }
0x11e: {  	vm13 =	veq.f32 v16, v15;
	v16 =	vld [tilespmem:s19+$0x10030]  }
0x11f: {  	v20 =	vor.u32 s11, v4;
	v17 =	vnsel vm13, $0x400, v17  }
0x120: {  	vm13 =	vlt.s32 v17, v20;
	vm14 =	veq.f32 v18, v15  }
0x121: {  	vm15 =	veq.f32 v19, v15;
	v18 =	vsel vm13, v17, v20;
	v19 =	vor.u32 s12, v4  }
0x122: {  	v17 =	vsel vm15, v18, v17;
	v18 =	vnsel vm14, $0x400, v19  }
0x123: {  	vm13 =	vlt.s32 v17, v18;
	vm14 =	veq.f32 v16, v15;
	v16 =	vor.u32 s21, v4  }
0x124: {  	v17 =	vsel vm13, v17, v18;
	v16 =	vnsel vm14, $0x400, v16  }
0x125: {  	vm13 =	vlt.s32 v17, v16  }
0x126: {  	v16 =	vsel vm13, v17, v16  }
0x127: {  	v17 =	vperm.xlane v16, v6;
	_ =	sdelay $0x1  }
0x128: {  	vm13 =	vlt.s32 v16, v17  }
0x129: {  	v16 =	vsel vm13, v16, v17  }
0x12a: {  	v17 =	vperm.xlane v16, v7;
	_ =	sdelay $0x1  }
0x12b: {  	vm13 =	vlt.s32 v16, v17  }
0x12c: {  	v16 =	vsel vm13, v16, v17  }
0x12d: {  	v17 =	vperm.xlane v16, v8;
	_ =	sdelay $0x1  }
0x12e: {  	vm13 =	vlt.s32 v16, v17  }
0x12f: {  	v16 =	vsel vm13, v16, v17  }
0x130: {  	v17 =	vperm.xlane v16, v3;
	_ =	sdelay $0x1  }
0x131: {  	vm13 =	vlt.s32 v16, v17  }
0x132: {  	v16 =	vsel vm13, v16, v17  }
0x133: {  	(v2sf) =	vpush v16, $0x0;
	_ =	sdelay $0xe  }
0x134: {  	s23 =	spop (v2sf)  }
0x135: {  	s11 =	sshll.u32 s23, $0x6;
	s12 =	sshra.s32 s23, $0x1F;
	s21 =	sand.u32 $0xF, s23  }
0x136: {  	p4 =	slt.s32 s23, $0x1;
	v16 =	vld [tilespmem:s11+$0x30];
	s12 =	sshrl.u32 s12, $0x1C;
	p5 =	sne.s32 s21, $0x0  }
0x137: {  	v17 =	vld [tilespmem:s11+$0x20];
	s12 =	sadd.s32 s12, s23;
	p4 =	por !p4, !p5  }
0x138: {  	s21 =	simm.s32 $0x1;
	v18 =	vld [tilespmem:s11+$0x10];
	p4 =	por !p4, !p4  }
0x139: {  	s12 =	sshrl.u32 s12, $0x4;
	v19 =	vld [tilespmem:s11+$0x0];
	s21 =	simm.s32 @!p4 $0x0  }
0x13a: {  	s12 =	ssub.s32 s12, s21  }
0x13b: {  	vm13 =	veq.f32 v16, v15  }
0x13c: {  	vm14 =	veq.f32 v17, v15;
	v16 =	vnsel vm13, $0x40, v9  }
0x13d: {  	vm13 =	veq.f32 v18, v15;
	v16 =	vsel vm14, v10, v16  }
0x13e: {  	vm14 =	veq.f32 v19, v15;
	v16 =	vsel vm13, v11, v16  }
0x13f: {  	v16 =	vsel vm14, v4, v16  }
0x140: {  	v17 =	vperm.xlane v16, v6;
	_ =	sdelay $0x1  }
0x141: {  	vm13 =	vlt.s32 v16, v17  }
0x142: {  	v16 =	vsel vm13, v16, v17  }
0x143: {  	v17 =	vperm.xlane v16, v7;
	_ =	sdelay $0x1  }
0x144: {  	vm13 =	vlt.s32 v16, v17  }
0x145: {  	v16 =	vsel vm13, v16, v17  }
0x146: {  	v17 =	vperm.xlane v16, v8;
	_ =	sdelay $0x1  }
0x147: {  	vm13 =	vlt.s32 v16, v17  }
0x148: {  	v16 =	vsel vm13, v16, v17  }
0x149: {  	v17 =	vperm.xlane v16, v3;
	_ =	sdelay $0x1  }
0x14a: {  	vm13 =	vlt.s32 v16, v17  }
0x14b: {  	v16 =	vsel vm13, v16, v17  }
0x14c: {  	(v2sf) =	vpush v16, $0x0;
	_ =	sdelay $0xc  }
0x14d: {  	s21 =	sand.u32 $0x1F0, s20  }
0x14e: {  	v16 =	vld [tilespmem:s21+$0x10600]  }
0x14f: {  	v17 =	vld [tilespmem:s21+$0x10400];
	s22 =	spop (v2sf)  }
0x150: {  	s20 =	sand.u32 $0xF, s20;
	s31 =	sadd.s32 s11, s22;
	s22 =	sand.u32 $0xF, s22  }
0x151: {  	v18 =	vmov s20;
	s20 =	sshra.s32 s31, $0x1F;
	p4 =	slt.s32 s31, $0x1;
	p5 =	sne.s32 s22, $0x0  }
0x152: {  	vm13 =	veq.s32 v18, v4;
	s22 =	sadd.s32 s7, s31;
	s20 =	sshrl.u32 s20, $0x1C;
	p4 =	por !p4, !p5  }
0x153: {  	v16 =	vsel vm13, s22, v16;
	s20 =	sadd.s32 s20, s31;
	p4 =	por !p4, !p4;
	s22 =	simm.s32 $0x1  }
0x154: {  	v15 =	vsel vm13, v15, v17;
	s20 =	sshrl.u32 s20, $0x4;
	s22 =	simm.s32 @!p4 $0x0  }
0x155: {  	[tilespmem:s21+$0x10400] =	vst v15;
	s20 =	ssub.s32 s20, s22  }
0x156: {  	[tilespmem:s21+$0x10600] =	vst v16;
	s20 =	sshll.u32 s20, $0x4  }
0x157: {  	v15 =	vld [tilespmem:s20+$0x0];
	s21 =	ssub.s32 s31, s20  }
0x158: {  	v16 =	vmov s21;
	_ =	sdelay $0x2  }
0x159: {  	vm13 =	veq.s32 v16, v4  }
0x15a: {  	v15 =	vsel vm13, $0xFF800000, v15  }
0x15b: {  	[tilespmem:s20+$0x0] =	vst v15  }
0x15c: {  	v15 =	vld [tilespmem:s11+$0x0]  }
0x15d: {  	v16 =	vld [tilespmem:s11+$0x10]  }
0x15e: {  	v17 =	vld [tilespmem:s11+$0x20]  }
0x15f: {  	v18 =	vld [tilespmem:s11+$0x30];
	_ =	sdelay $0x2  }
0x160: {  	v15 =	vmax.f32 v15, v16  }
0x161: {  	v15 =	vmax.f32 v15, v17  }
0x162: {  	v15 =	vmax.f32 v15, v18  }
0x163: {  	v16 =	vperm.xlane v15, v6;
	_ =	sdelay $0x1  }
0x164: {  	v15 =	vmax.f32 v15, v16  }
0x165: {  	v16 =	vperm.xlane v15, v7;
	_ =	sdelay $0x1  }
0x166: {  	v15 =	vmax.f32 v15, v16  }
0x167: {  	s11 =	sshll.u32 s12, $0x4;
	v16 =	vperm.xlane v15, v8  }
0x168: {  	s12 =	ssub.s32 s23, s11;
	v17 =	vld [tilespmem:s11+$0x10000]  }
0x169: {  	v15 =	vmax.f32 v15, v16;
	v16 =	vmov s12  }
0x16a: {  	v18 =	vperm.xlane v15, v3;
	_ =	sdelay $0x1  }
0x16b: {  	vm13 =	veq.s32 v16, v4;
	v15 =	vmax.f32 v15, v18  }
0x16c: {  	v15 =	vsel vm13, v15, v17  }
0x16d: {  	[tilespmem:s11+$0x10000] =	vst v15  }
0x16e: {  	v15 =	vld [tilespmem:s19+$0x10020]  }
0x16f: {  	v16 =	vld [tilespmem:s19+$0x10000]  }
0x170: {  	v17 =	vld [tilespmem:s19+$0x10010]  }
0x171: {  	v18 =	vld [tilespmem:s19+$0x10030];
	_ =	sdelay $0x3  }
0x172: {  	v16 =	vmax.f32 v16, v17  }
0x173: {  	v15 =	vmax.f32 v16, v15  }
0x174: {  	v15 =	vmax.f32 v15, v18  }
0x175: {  	v16 =	vperm.xlane v15, v6;
	_ =	sdelay $0x1  }
.Ltmp6:
0x176: {  	v15 =	vmax.f32 v15, v16;
	(pc) =	sbr.rel @p3 .LBB2_10-.Ltmp6, $3  }
0x177: {  	v16 =	vperm.xlane v15, v7;
	_ =	sdelay $0x1  }
0x178: {  	v15 =	vmax.f32 v15, v16  }
0x179: {  	v16 =	vperm.xlane v15, v8  }
0x17a: {  	s11 =	sadd.s32 s8, s17  }
0x17b: {  	s11 =	sshll.u32 s11, $0x6  }
0x17c: {  	s12 =	sadd.s32 s4, s11  }
0x17d: {  	[hbm4b:s12+s1] =	stream.linear.scatter [tilespmem:s26], [sflag:$0x1], $0x200, $0x38;
	[tilespmem:$0x13E00] =	vst v63  }
0x17e: {  	s14 =	sadd.s32 $0x1, s14;
	_ =	swait.ge [sflag:s25], $0x200  }
0x17f: {  	p3 =	sne.s32 s14, $0x5;
	[sflag:s25] =	ssyncset.done $0x0  }
.Ltmp7:
0x180: {  	s11 =	sadd.s32 s5, s11;
	[sflag:s25] =	ssyncadd.s32 $0xFFFFFE00;
	(pc) =	sbr.rel @p3 .LBB2_2-.Ltmp7, $4  }
0x181: {  	[hbm4b:s11+s1] =	stream.linear.scatter [tilespmem:s28], [sflag:$0x1], $0x200, $0x38;
	[tilespmem:$0x13E00] =	vst v63  }
0x182: {  	_ =	swait.ge [sflag:s25], $0x200  }
0x183: {  	[sflag:s25] =	ssyncset.done $0x0  }
0x184: {  	[sflag:s25] =	ssyncadd.s32 $0xFFFFFE00  }
0x185: {  	[bflag:$0x0] =	sbarrier.arrive $0xFFFF;
	s11 =	simm.s32 $0x40;
	s12 =	simm.s32 $0x0  }
.LBB2_13:
0x186: {  	p3 =	sne.s32 s11, $0x7C0;
	[tilespmem:s12+$0x13000] =	vst v12;
	s14 =	smov.u32 s11;
	s11 =	sadd.s32 $0x40, s11  }
.Ltmp8:
0x187: {  	[tilespmem:s12+$0x13200] =	vst v5;
	(pc) =	sbr.rel @p3 .LBB2_13-.Ltmp8, $2  }
0x188: {  	_ =	sdelay $0x2  }
0x189: {  	s12 =	sshra.s32 s14, $0x2  }
0x18a: {  	[tilespmem:s12+$0x13000] =	vst v12  }
0x18b: {  	[tilespmem:s12+$0x13200] =	vst v5;
	s11 =	simm.s32 $0x0  }
0x18c: {  	[tilespmem:s29], [sflag:$0x1] =	stream.linear.gather [hbm4b:s15+s11], $0x800, $0x38;
	[tilespmem:$0x13E00] =	vst v63  }
0x18d: {  	_ =	swait.ge [sflag:s25], $0x800  }
0x18e: {  	[sflag:s25] =	ssyncset.done $0x0  }
0x18f: {  	[sflag:s25] =	ssyncadd.s32 $0xFFFFF800  }
0x190: {  	[tilespmem:s30], [sflag:$0x1] =	stream.linear.gather [hbm4b:s16+s11], $0x800, $0x38;
	[tilespmem:$0x13E00] =	vst v63  }
0x191: {  	_ =	swait.ge [sflag:s25], $0x800  }
0x192: {  	[sflag:s25] =	ssyncset.done $0x0  }
0x193: {  	[sflag:s25] =	ssyncadd.s32 $0xFFFFF800  }
0x194: {  	v13 =	vld [tilespmem:$0x10800]  }
0x195: {  	v14 =	vld [tilespmem:$0x10A00]  }
0x196: {  	v15 =	vld [tilespmem:$0x10C00]  }
0x197: {  	v16 =	vld [tilespmem:$0x10E00];
	_ =	sdelay $0x2  }
0x198: {  	v14 =	vadd.f32 $0.0e+00, v14  }
0x199: {  	v13 =	vadd.f32 $0.0e+00, v13;
	v15 =	vadd.f32 $0.0e+00, v15  }
0x19a: {  	v16 =	vadd.f32 $0.0e+00, v16;
	v14 =	vbroadcast v14, $0x0  }
0x19b: {  	v13 =	vnsel vm0, $0xFF800000, v13;
	v15 =	vbroadcast v15, $0x0  }
0x19c: {  	v13 =	vsel vm1, v13, v14;
	v14 =	vbroadcast v16, $0x0  }
0x19d: {  	v13 =	vsel vm2, v13, v15  }
0x19e: {  	v13 =	vsel vm3, v13, v14  }
0x19f: {  	v14 =	vperm.xlane v13, v6;
	_ =	sdelay $0x1  }
0x1a0: {  	v14 =	vmax.f32 v13, v14  }
0x1a1: {  	v15 =	vperm.xlane v14, v7;
	_ =	sdelay $0x1  }
0x1a2: {  	v14 =	vmax.f32 v14, v15  }
0x1a3: {  	v15 =	vperm.xlane v14, v8;
	_ =	sdelay $0x1  }
0x1a4: {  	v14 =	vmax.f32 v14, v15  }
0x1a5: {  	v15 =	vperm.xlane v14, v3;
	_ =	sdelay $0x1  }
0x1a6: {  	v14 =	vmax.f32 v14, v15  }
0x1a7: {  	vm13 =	veq.f32 v13, v14  }
0x1a8: {  	v15 =	vnsel vm13, $0x10, v4  }
0x1a9: {  	v16 =	vperm.xlane v15, v6;
	_ =	sdelay $0x1  }
0x1aa: {  	vm13 =	vlt.s32 v15, v16  }
0x1ab: {  	v15 =	vsel vm13, v15, v16  }
0x1ac: {  	v16 =	vperm.xlane v15, v7;
	_ =	sdelay $0x1  }
0x1ad: {  	vm13 =	vlt.s32 v15, v16  }
0x1ae: {  	v15 =	vsel vm13, v15, v16  }
0x1af: {  	v16 =	vperm.xlane v15, v8;
	_ =	sdelay $0x1  }
0x1b0: {  	vm13 =	vlt.s32 v15, v16  }
0x1b1: {  	v15 =	vsel vm13, v15, v16  }
0x1b2: {  	v16 =	vperm.xlane v15, v3;
	_ =	sdelay $0x1  }
0x1b3: {  	vm13 =	vlt.s32 v15, v16  }
0x1b4: {  	v15 =	vsel vm13, v15, v16  }
0x1b5: {  	v16 =	vbroadcast v15, $0x0;
	_ =	sdelay $0x1  }
0x1b6: {  	v17 =	vimm.s32 $0x0;
	vm13 =	veq.s32 v16, v4  }
0x1b7: {  	v16 =	vnsel vm13, $0x0, v17  }
0x1b8: {  	v18 =	vperm.xlane v16, v6;
	_ =	sdelay $0x1  }
0x1b9: {  	v16 =	vadd.s32 v18, v16  }
0x1ba: {  	v18 =	vperm.xlane v16, v7;
	_ =	sdelay $0x1  }
0x1bb: {  	v16 =	vadd.s32 v18, v16  }
0x1bc: {  	v18 =	vperm.xlane v16, v8;
	_ =	sdelay $0x1  }
0x1bd: {  	v16 =	vadd.s32 v18, v16  }
0x1be: {  	v18 =	vperm.xlane v16, v3;
	_ =	sdelay $0x1  }
0x1bf: {  	(v2sf) =	vpush v15, $0x0;
	v15 =	vadd.s32 v18, v16  }
0x1c0: {  	(v2sf) =	vpush v15, $0x0;
	_ =	sdelay $0xd  }
0x1c1: {  	s19 =	spop (v2sf)  }
0x1c2: {  	s14 =	sand.u32 $0x1F0, s11;
	s12 =	sshll.u32 s19, $0x9;
	s17 =	spop (v2sf)  }
0x1c3: {  	v15 =	vld [tilespmem:s14+$0x13000];
	s12 =	sadd.s32 s12, s17;
	s17 =	sand.u32 $0xF, s17  }
0x1c4: {  	s18 =	sshra.s32 s12, $0x1F;
	p3 =	slt.s32 s12, $0x1;
	p4 =	sne.s32 s17, $0x0  }
0x1c5: {  	s11 =	sand.u32 $0xF, s11;
	s20 =	sshrl.u32 s18, $0x1C;
	p3 =	por !p3, !p4  }
0x1c6: {  	v16 =	vmov s11;
	s17 =	simm.s32 $0x1;
	s21 =	sadd.s32 s20, s12;
	p3 =	por !p3, !p3  }
0x1c7: {  	vm14 =	veq.s32 v16, v4;
	s11 =	sshrl.u32 s21, $0x4;
	s17 =	simm.s32 @!p3 $0x0  }
0x1c8: {  	v14 =	vsel vm14, v14, v15;
	s11 =	ssub.s32 s11, s17  }
0x1c9: {  	[tilespmem:s14+$0x13000] =	vst v14;
	s11 =	sshll.u32 s11, $0x4  }
0x1ca: {  	s22 =	sadd.s32 $0x1, s12;
	s18 =	simm.s32 $0x1;
	p3 =	slt.u32 s12, $0x7FFFFFFF;
	v14 =	vld [tilespmem:s11+$0x11C00]  }
0x1cb: {  	s19 =	sshra.s32 s22, $0x1F;
	s18 =	simm.s32 @!p3 $0x0  }
0x1cc: {  	v15 =	vld [tilespmem:s14+$0x13200];
	s20 =	sand.u32 $0xF, s22;
	s18 =	sadd.s32 s18, s19  }
0x1cd: {  	p6 =	sne.s32 s20, $0x0;
	s11 =	ssub.s32 s12, s11;
	p5 =	sne.s32 s18, $0x1  }
0x1ce: {  	s23 =	sshrl.u32 s19, $0x1C;
	p3 =	por !p6, !p5;
	v16 =	vmov s11  }
0x1cf: {  	s31 =	sadd.s32 s23, s22;
	s12 =	simm.s32 $0x1;
	p3 =	por !p3, !p3;
	v14 =	vperm.xlane v14, v16  }
0x1d0: {  	s11 =	sshrl.u32 s31, $0x4;
	s12 =	simm.s32 @!p3 $0x0  }
0x1d1: {  	s11 =	ssub.s32 s11, s12;
	v14 =	vsel vm14, v14, v15  }
0x1d2: {  	s11 =	sshll.u32 s11, $0x4;
	[tilespmem:s14+$0x13200] =	vst v14  }
0x1d3: {  	v15 =	vld [tilespmem:s11+$0x10800];
	_ =	sdelay $0x2  }
0x1d4: {  	s11 =	ssub.s32 s22, s11  }
0x1d5: {  	v14 =	vsel vm13, $0x1, v5;
	v16 =	vmov s11  }
0x1d6: {  	s14 =	simm.s32 $0x1;
	v14 =	vadd.s32 v14, v17;
	v15 =	vperm.xlane v15, v16  }
.LBB2_15:
0x1d7: {  	s11 =	sand.u32 $0xF, s14  }
0x1d8: {  	p3 =	sne.s32 s14, $0x1F3;
	s12 =	smov.u32 s14;
	s14 =	sadd.s32 $0x1, s14  }
0x1d9: {  	v16 =	vmov s11;
	v13 =	vsel vm13, v15, v13  }
0x1da: {  	v15 =	vperm.xlane v13, v6;
	_ =	sdelay $0x1  }
0x1db: {  	v15 =	vmax.f32 v13, v15  }
0x1dc: {  	v17 =	vperm.xlane v15, v7;
	_ =	sdelay $0x1  }
0x1dd: {  	v15 =	vmax.f32 v15, v17  }
0x1de: {  	s17 =	sand.u32 $0x1F0, s12;
	v17 =	vperm.xlane v15, v8  }
0x1df: {  	v18 =	vld [tilespmem:s17+$0x13000]  }
0x1e0: {  	v15 =	vmax.f32 v15, v17  }
0x1e1: {  	v17 =	vperm.xlane v15, v3;
	_ =	sdelay $0x1  }
0x1e2: {  	vm14 =	veq.s32 v16, v4;
	v15 =	vmax.f32 v15, v17  }
0x1e3: {  	vm13 =	veq.f32 v13, v15;
	v15 =	vsel vm14, v15, v18  }
0x1e4: {  	v16 =	vnsel vm13, $0x10, v4;
	[tilespmem:s17+$0x13000] =	vst v15  }
0x1e5: {  	v15 =	vperm.xlane v16, v6;
	_ =	sdelay $0x1  }
0x1e6: {  	vm13 =	vlt.s32 v16, v15  }
0x1e7: {  	v15 =	vsel vm13, v16, v15  }
0x1e8: {  	v16 =	vperm.xlane v15, v7;
	_ =	sdelay $0x1  }
0x1e9: {  	vm13 =	vlt.s32 v15, v16  }
0x1ea: {  	v15 =	vsel vm13, v15, v16  }
0x1eb: {  	v16 =	vperm.xlane v15, v8;
	_ =	sdelay $0x1  }
0x1ec: {  	vm13 =	vlt.s32 v15, v16  }
0x1ed: {  	v15 =	vsel vm13, v15, v16  }
0x1ee: {  	v16 =	vperm.xlane v15, v3;
	_ =	sdelay $0x1  }
0x1ef: {  	vm13 =	vlt.s32 v15, v16  }
0x1f0: {  	v15 =	vsel vm13, v15, v16  }
0x1f1: {  	v16 =	vbroadcast v15, $0x0;
	(v2sf) =	vpush v15, $0x0;
	_ =	sdelay $0x1  }
0x1f2: {  	vm13 =	veq.s32 v16, v4  }
0x1f3: {  	v15 =	vnsel vm13, $0x0, v14;
	v16 =	vsel vm13, $0x1, v5  }
0x1f4: {  	v17 =	vperm.xlane v15, v6;
	v14 =	vadd.s32 v16, v14;
	_ =	sdelay $0x1  }
0x1f5: {  	v15 =	vadd.s32 v17, v15  }
0x1f6: {  	v16 =	vperm.xlane v15, v7;
	_ =	sdelay $0x1  }
0x1f7: {  	v15 =	vadd.s32 v16, v15  }
0x1f8: {  	v16 =	vperm.xlane v15, v8;
	_ =	sdelay $0x1  }
0x1f9: {  	v15 =	vadd.s32 v16, v15  }
0x1fa: {  	v16 =	vperm.xlane v15, v3;
	_ =	sdelay $0x1  }
0x1fb: {  	v15 =	vadd.s32 v16, v15;
	s11 =	spop (v2sf)  }
0x1fc: {  	(v2sf) =	vpush v15, $0x0;
	_ =	sdelay $0xe  }
0x1fd: {  	s19 =	simm.s32 $0x1;
	s11 =	sshll.u32 s11, $0x9;
	s12 =	spop (v2sf)  }
0x1fe: {  	s20 =	simm.s32 $0x1;
	s11 =	sadd.s32 s11, s12;
	s12 =	sand.u32 $0xF, s12  }
0x1ff: {  	s18 =	sshra.s32 s11, $0x1F;
	p4 =	slt.s32 s11, $0x1;
	p5 =	sne.s32 s12, $0x0  }
0x200: {  	s12 =	sshrl.u32 s18, $0x1C;
	p4 =	por !p4, !p5;
	s18 =	sadd.s32 $0x1, s11  }
0x201: {  	p5 =	slt.u32 s11, $0x7FFFFFFF;
	s12 =	sadd.s32 s12, s11;
	p4 =	por !p4, !p4  }
0x202: {  	s20 =	simm.s32 @!p5 $0x0;
	s12 =	sshrl.u32 s12, $0x4;
	s19 =	simm.s32 @!p4 $0x0  }
0x203: {  	s21 =	sand.u32 $0xF, s18;
	s12 =	ssub.s32 s12, s19;
	s19 =	sshra.s32 s18, $0x1F  }
0x204: {  	s12 =	sshll.u32 s12, $0x4;
	s22 =	sshrl.u32 s19, $0x1C;
	s19 =	sadd.s32 s20, s19  }
0x205: {  	p5 =	sne.s32 s21, $0x0;
	v15 =	vld [tilespmem:s12+$0x11C00];
	s11 =	ssub.s32 s11, s12;
	p4 =	sne.s32 s19, $0x1  }
0x206: {  	s12 =	sadd.s32 s22, s18;
	p4 =	por !p5, !p4  }
0x207: {  	s19 =	simm.s32 $0x1;
	v16 =	vld [tilespmem:s17+$0x13200];
	p4 =	por !p4, !p4  }
0x208: {  	s12 =	sshrl.u32 s12, $0x4;
	s19 =	simm.s32 @!p4 $0x0  }
0x209: {  	v17 =	vmov s11;
	s11 =	ssub.s32 s12, s19  }
0x20a: {  	v15 =	vperm.xlane v15, v17;
	_ =	sdelay $0x1  }
0x20b: {  	v15 =	vsel vm14, v15, v16  }
0x20c: {  	s11 =	sshll.u32 s11, $0x4;
	[tilespmem:s17+$0x13200] =	vst v15  }
0x20d: {  	v15 =	vld [tilespmem:s11+$0x10800];
	s11 =	ssub.s32 s18, s11  }
.Ltmp9:
0x20e: {  	(pc) =	sbr.rel @p3 .LBB2_15-.Ltmp9, $3  }
0x20f: {  	_ =	sdelay $0x1  }
0x210: {  	v16 =	vmov s11  }
0x211: {  	v15 =	vperm.xlane v15, v16  }
0x212: {  	s11 =	simm.s32 $0x13000  }
0x213: {  	[hbm4b:s9+s1] =	stream.linear.scatter [tilespmem:s11], [sflag:$0x1], $0x200, $0x38;
	[tilespmem:$0x13E00] =	vst v63  }
0x214: {  	_ =	swait.ge [sflag:s25], $0x200  }
0x215: {  	[sflag:s25] =	ssyncset.done $0x0  }
.Ltmp10:
0x216: {  	[sflag:s25] =	ssyncadd.s32 $0xFFFFFE00;
	(pc) =	sbr.rel @!p1 .LBB2_17-.Ltmp10, $4  }
0x217: {  	[hbm4b:s10+s1] =	stream.linear.scatter [tilespmem:s0], [sflag:$0x1], $0x200, $0x38;
	[tilespmem:$0x13E00] =	vst v63  }
0x218: {  	_ =	swait.ge [sflag:s25], $0x200  }
0x219: {  	[sflag:s25] =	ssyncset.done $0x0  }
0x21a: {  	[sflag:s25] =	ssyncadd.s32 $0xFFFFFE00  }
0x21b: {  	s11 =	simm.s32 $0x0;
	s12 =	rddreg [dreg:$0xe]  }
0x21c: {  	[tilespmem:s29], [sflag:$0x1] =	stream.linear.gather [hbm4b:s12+s11], $0x800, $0x38;
	[tilespmem:$0x13E00] =	vst v63  }
0x21d: {  	_ =	swait.ge [sflag:s25], $0x800  }
0x21e: {  	[sflag:s25] =	ssyncset.done $0x0  }
0x21f: {  	s18 =	rddreg [dreg:$0xf];
	[sflag:s25] =	ssyncadd.s32 $0xFFFFF800  }
0x220: {  	[tilespmem:s30], [sflag:$0x1] =	stream.linear.gather [hbm4b:s18+s11], $0x800, $0x38;
	[tilespmem:$0x13E00] =	vst v63  }
0x221: {  	_ =	swait.ge [sflag:s25], $0x800  }
0x222: {  	[sflag:s25] =	ssyncset.done $0x0  }
0x223: {  	[sflag:s25] =	ssyncadd.s32 $0xFFFFF800  }
0x224: {  	v13 =	vld [tilespmem:$0x10800]  }
0x225: {  	v14 =	vld [tilespmem:$0x10A00]  }
0x226: {  	v15 =	vld [tilespmem:$0x10C00]  }
0x227: {  	v16 =	vld [tilespmem:$0x10E00];
	_ =	sdelay $0x2  }
0x228: {  	v14 =	vadd.f32 $0.0e+00, v14  }
0x229: {  	v13 =	vadd.f32 $0.0e+00, v13;
	v15 =	vadd.f32 $0.0e+00, v15  }
0x22a: {  	v16 =	vadd.f32 $0.0e+00, v16;
	v14 =	vbroadcast v14, $0x0  }
0x22b: {  	v13 =	vnsel vm0, $0xFF800000, v13;
	v15 =	vbroadcast v15, $0x0  }
0x22c: {  	v13 =	vsel vm1, v13, v14;
	v14 =	vbroadcast v16, $0x0  }
0x22d: {  	v13 =	vsel vm2, v13, v15  }
0x22e: {  	v13 =	vsel vm3, v13, v14  }
0x22f: {  	v14 =	vperm.xlane v13, v6;
	_ =	sdelay $0x1  }
0x230: {  	v14 =	vmax.f32 v13, v14  }
0x231: {  	v15 =	vperm.xlane v14, v7;
	_ =	sdelay $0x1  }
0x232: {  	v14 =	vmax.f32 v14, v15  }
0x233: {  	v15 =	vperm.xlane v14, v8;
	_ =	sdelay $0x1  }
0x234: {  	v14 =	vmax.f32 v14, v15  }
0x235: {  	v15 =	vperm.xlane v14, v3;
	_ =	sdelay $0x1  }
0x236: {  	v14 =	vmax.f32 v14, v15  }
0x237: {  	vm13 =	veq.f32 v13, v14  }
0x238: {  	v15 =	vnsel vm13, $0x10, v4  }
0x239: {  	v16 =	vperm.xlane v15, v6;
	_ =	sdelay $0x1  }
0x23a: {  	vm13 =	vlt.s32 v15, v16  }
0x23b: {  	v15 =	vsel vm13, v15, v16  }
0x23c: {  	v16 =	vperm.xlane v15, v7;
	_ =	sdelay $0x1  }
0x23d: {  	vm13 =	vlt.s32 v15, v16  }
0x23e: {  	v15 =	vsel vm13, v15, v16  }
0x23f: {  	v16 =	vperm.xlane v15, v8;
	_ =	sdelay $0x1  }
0x240: {  	vm13 =	vlt.s32 v15, v16  }
0x241: {  	v15 =	vsel vm13, v15, v16  }
0x242: {  	v16 =	vperm.xlane v15, v3;
	_ =	sdelay $0x1  }
0x243: {  	vm13 =	vlt.s32 v15, v16  }
0x244: {  	v15 =	vsel vm13, v15, v16  }
0x245: {  	v16 =	vbroadcast v15, $0x0;
	_ =	sdelay $0x1  }
0x246: {  	v17 =	vimm.s32 $0x0;
	vm13 =	veq.s32 v16, v4  }
0x247: {  	v16 =	vnsel vm13, $0x0, v17  }
0x248: {  	v18 =	vperm.xlane v16, v6;
	_ =	sdelay $0x1  }
0x249: {  	v16 =	vadd.s32 v18, v16  }
0x24a: {  	v18 =	vperm.xlane v16, v7;
	_ =	sdelay $0x1  }
0x24b: {  	v16 =	vadd.s32 v18, v16  }
0x24c: {  	v18 =	vperm.xlane v16, v8;
	_ =	sdelay $0x1  }
0x24d: {  	v16 =	vadd.s32 v18, v16  }
0x24e: {  	v18 =	vperm.xlane v16, v3;
	_ =	sdelay $0x1  }
0x24f: {  	(v2sf) =	vpush v15, $0x0;
	v15 =	vadd.s32 v18, v16  }
0x250: {  	(v2sf) =	vpush v15, $0x0;
	_ =	sdelay $0xd  }
0x251: {  	s19 =	spop (v2sf)  }
0x252: {  	s14 =	sand.u32 $0x1F0, s11;
	s12 =	sshll.u32 s19, $0x9;
	s17 =	spop (v2sf)  }
0x253: {  	v15 =	vld [tilespmem:s14+$0x13000];
	s12 =	sadd.s32 s12, s17;
	s17 =	sand.u32 $0xF, s17  }
0x254: {  	s18 =	sshra.s32 s12, $0x1F;
	p3 =	slt.s32 s12, $0x1;
	p4 =	sne.s32 s17, $0x0  }
0x255: {  	s11 =	sand.u32 $0xF, s11;
	s20 =	sshrl.u32 s18, $0x1C;
	p3 =	por !p3, !p4  }
0x256: {  	v16 =	vmov s11;
	s17 =	simm.s32 $0x1;
	s21 =	sadd.s32 s20, s12;
	p3 =	por !p3, !p3  }
0x257: {  	vm14 =	veq.s32 v16, v4;
	s11 =	sshrl.u32 s21, $0x4;
	s17 =	simm.s32 @!p3 $0x0  }
0x258: {  	v14 =	vsel vm14, v14, v15;
	s11 =	ssub.s32 s11, s17  }
0x259: {  	[tilespmem:s14+$0x13000] =	vst v14;
	s11 =	sshll.u32 s11, $0x4  }
0x25a: {  	s22 =	sadd.s32 $0x1, s12;
	s18 =	simm.s32 $0x1;
	p3 =	slt.u32 s12, $0x7FFFFFFF;
	v14 =	vld [tilespmem:s11+$0x11C00]  }
0x25b: {  	s19 =	sshra.s32 s22, $0x1F;
	s18 =	simm.s32 @!p3 $0x0  }
0x25c: {  	v15 =	vld [tilespmem:s14+$0x13200];
	s20 =	sand.u32 $0xF, s22;
	s18 =	sadd.s32 s18, s19  }
0x25d: {  	p6 =	sne.s32 s20, $0x0;
	s11 =	ssub.s32 s12, s11;
	p5 =	sne.s32 s18, $0x1  }
0x25e: {  	s23 =	sshrl.u32 s19, $0x1C;
	p3 =	por !p6, !p5;
	v16 =	vmov s11  }
0x25f: {  	s31 =	sadd.s32 s23, s22;
	s12 =	simm.s32 $0x1;
	p3 =	por !p3, !p3;
	v14 =	vperm.xlane v14, v16  }
0x260: {  	s11 =	sshrl.u32 s31, $0x4;
	s12 =	simm.s32 @!p3 $0x0  }
0x261: {  	s11 =	ssub.s32 s11, s12;
	v14 =	vsel vm14, v14, v15  }
0x262: {  	s11 =	sshll.u32 s11, $0x4;
	[tilespmem:s14+$0x13200] =	vst v14  }
0x263: {  	v15 =	vld [tilespmem:s11+$0x10800];
	_ =	sdelay $0x2  }
0x264: {  	s11 =	ssub.s32 s22, s11  }
0x265: {  	v14 =	vsel vm13, $0x1, v5;
	v16 =	vmov s11  }
0x266: {  	s14 =	simm.s32 $0x1;
	v14 =	vadd.s32 v14, v17;
	v15 =	vperm.xlane v15, v16  }
.LBB2_19:
0x267: {  	s11 =	sand.u32 $0xF, s14  }
0x268: {  	p3 =	sne.s32 s14, $0x1F3;
	s12 =	smov.u32 s14;
	s14 =	sadd.s32 $0x1, s14  }
0x269: {  	v16 =	vmov s11;
	v13 =	vsel vm13, v15, v13  }
0x26a: {  	v15 =	vperm.xlane v13, v6;
	_ =	sdelay $0x1  }
0x26b: {  	v15 =	vmax.f32 v13, v15  }
0x26c: {  	v17 =	vperm.xlane v15, v7;
	_ =	sdelay $0x1  }
0x26d: {  	v15 =	vmax.f32 v15, v17  }
0x26e: {  	s17 =	sand.u32 $0x1F0, s12;
	v17 =	vperm.xlane v15, v8  }
0x26f: {  	v18 =	vld [tilespmem:s17+$0x13000]  }
0x270: {  	v15 =	vmax.f32 v15, v17  }
0x271: {  	v17 =	vperm.xlane v15, v3;
	_ =	sdelay $0x1  }
0x272: {  	vm14 =	veq.s32 v16, v4;
	v15 =	vmax.f32 v15, v17  }
0x273: {  	vm13 =	veq.f32 v13, v15;
	v15 =	vsel vm14, v15, v18  }
0x274: {  	v16 =	vnsel vm13, $0x10, v4;
	[tilespmem:s17+$0x13000] =	vst v15  }
0x275: {  	v15 =	vperm.xlane v16, v6;
	_ =	sdelay $0x1  }
0x276: {  	vm13 =	vlt.s32 v16, v15  }
0x277: {  	v15 =	vsel vm13, v16, v15  }
0x278: {  	v16 =	vperm.xlane v15, v7;
	_ =	sdelay $0x1  }
0x279: {  	vm13 =	vlt.s32 v15, v16  }
0x27a: {  	v15 =	vsel vm13, v15, v16  }
0x27b: {  	v16 =	vperm.xlane v15, v8;
	_ =	sdelay $0x1  }
0x27c: {  	vm13 =	vlt.s32 v15, v16  }
0x27d: {  	v15 =	vsel vm13, v15, v16  }
0x27e: {  	v16 =	vperm.xlane v15, v3;
	_ =	sdelay $0x1  }
0x27f: {  	vm13 =	vlt.s32 v15, v16  }
0x280: {  	v15 =	vsel vm13, v15, v16  }
0x281: {  	v16 =	vbroadcast v15, $0x0;
	(v2sf) =	vpush v15, $0x0;
	_ =	sdelay $0x1  }
0x282: {  	vm13 =	veq.s32 v16, v4  }
0x283: {  	v15 =	vnsel vm13, $0x0, v14;
	v16 =	vsel vm13, $0x1, v5  }
0x284: {  	v17 =	vperm.xlane v15, v6;
	v14 =	vadd.s32 v16, v14;
	_ =	sdelay $0x1  }
0x285: {  	v15 =	vadd.s32 v17, v15  }
0x286: {  	v16 =	vperm.xlane v15, v7;
	_ =	sdelay $0x1  }
0x287: {  	v15 =	vadd.s32 v16, v15  }
0x288: {  	v16 =	vperm.xlane v15, v8;
	_ =	sdelay $0x1  }
0x289: {  	v15 =	vadd.s32 v16, v15  }
0x28a: {  	v16 =	vperm.xlane v15, v3;
	_ =	sdelay $0x1  }
0x28b: {  	v15 =	vadd.s32 v16, v15;
	s11 =	spop (v2sf)  }
0x28c: {  	(v2sf) =	vpush v15, $0x0;
	_ =	sdelay $0xe  }
0x28d: {  	s19 =	simm.s32 $0x1;
	s11 =	sshll.u32 s11, $0x9;
	s12 =	spop (v2sf)  }
0x28e: {  	s20 =	simm.s32 $0x1;
	s11 =	sadd.s32 s11, s12;
	s12 =	sand.u32 $0xF, s12  }
0x28f: {  	s18 =	sshra.s32 s11, $0x1F;
	p4 =	slt.s32 s11, $0x1;
	p5 =	sne.s32 s12, $0x0  }
0x290: {  	s12 =	sshrl.u32 s18, $0x1C;
	p4 =	por !p4, !p5;
	s18 =	sadd.s32 $0x1, s11  }
0x291: {  	p5 =	slt.u32 s11, $0x7FFFFFFF;
	s12 =	sadd.s32 s12, s11;
	p4 =	por !p4, !p4  }
0x292: {  	s20 =	simm.s32 @!p5 $0x0;
	s12 =	sshrl.u32 s12, $0x4;
	s19 =	simm.s32 @!p4 $0x0  }
0x293: {  	s21 =	sand.u32 $0xF, s18;
	s12 =	ssub.s32 s12, s19;
	s19 =	sshra.s32 s18, $0x1F  }
0x294: {  	s12 =	sshll.u32 s12, $0x4;
	s22 =	sshrl.u32 s19, $0x1C;
	s19 =	sadd.s32 s20, s19  }
0x295: {  	p5 =	sne.s32 s21, $0x0;
	v15 =	vld [tilespmem:s12+$0x11C00];
	s11 =	ssub.s32 s11, s12;
	p4 =	sne.s32 s19, $0x1  }
0x296: {  	s12 =	sadd.s32 s22, s18;
	p4 =	por !p5, !p4  }
0x297: {  	s19 =	simm.s32 $0x1;
	v16 =	vld [tilespmem:s17+$0x13200];
	p4 =	por !p4, !p4  }
0x298: {  	s12 =	sshrl.u32 s12, $0x4;
	s19 =	simm.s32 @!p4 $0x0  }
0x299: {  	v17 =	vmov s11;
	s11 =	ssub.s32 s12, s19  }
0x29a: {  	v15 =	vperm.xlane v15, v17;
	_ =	sdelay $0x1  }
0x29b: {  	v15 =	vsel vm14, v15, v16  }
0x29c: {  	s11 =	sshll.u32 s11, $0x4;
	[tilespmem:s17+$0x13200] =	vst v15  }
0x29d: {  	v15 =	vld [tilespmem:s11+$0x10800];
	s11 =	ssub.s32 s18, s11  }
.Ltmp11:
0x29e: {  	(pc) =	sbr.rel @p3 .LBB2_19-.Ltmp11, $3  }
0x29f: {  	_ =	sdelay $0x1  }
0x2a0: {  	v16 =	vmov s11  }
0x2a1: {  	v15 =	vperm.xlane v15, v16  }
0x2a2: {  	s11 =	rddreg [dreg:$0x6];
	s12 =	simm.s32 $0x13000  }
0x2a3: {  	[hbm4b:s11+s1] =	stream.linear.scatter [tilespmem:s12], [sflag:$0x1], $0x200, $0x38;
	[tilespmem:$0x13E00] =	vst v63  }
0x2a4: {  	_ =	swait.ge [sflag:s25], $0x200  }
0x2a5: {  	[sflag:s25] =	ssyncset.done $0x0  }
0x2a6: {  	s31 =	rddreg [dreg:$0x7];
	[sflag:s25] =	ssyncadd.s32 $0xFFFFFE00  }
0x2a7: {  	[hbm4b:s31+s1] =	stream.linear.scatter [tilespmem:s0], [sflag:$0x1], $0x200, $0x38;
	[tilespmem:$0x13E00] =	vst v63  }
.Ltmp12:
0x2a8: {  	_ =	swait.ge [sflag:s25], $0x200;
	(pc) =	sbr.rel @p2 .LBB2_24-.Ltmp12, $3  }
0x2a9: {  	[sflag:s25] =	ssyncset.done $0x0  }
0x2aa: {  	[sflag:s25] =	ssyncadd.s32 $0xFFFFFE00  }
0x2ab: {  	[bflag:$0x0] =	sbarrier.arrive $0xFFFF;
	_ =	sdelay $0x1  }
0x2ac: {  	s11 =	simm.s32 $0x0;
	s12 =	rddreg [dreg:$0x8]  }
0x2ad: {  	[tilespmem:s29], [sflag:$0x1] =	stream.linear.gather [hbm4b:s12+s11], $0x1400, $0x38;
	[tilespmem:$0x13E00] =	vst v63  }
0x2ae: {  	_ =	swait.ge [sflag:s25], $0x1400  }
0x2af: {  	[sflag:s25] =	ssyncset.done $0x0  }
0x2b0: {  	s19 =	rddreg [dreg:$0x9];
	[sflag:s25] =	ssyncadd.s32 $0xFFFFEC00  }
0x2b1: {  	[tilespmem:s30], [sflag:$0x1] =	stream.linear.gather [hbm4b:s19+s11], $0x1400, $0x38;
	[tilespmem:$0x13E00] =	vst v63  }
0x2b2: {  	_ =	swait.ge [sflag:s25], $0x1400  }
0x2b3: {  	[sflag:s25] =	ssyncset.done $0x0  }
0x2b4: {  	[sflag:s25] =	ssyncadd.s32 $0xFFFFEC00  }
0x2b5: {  	v13 =	vld [tilespmem:$0x10800]  }
0x2b6: {  	v14 =	vld [tilespmem:$0x10A00]  }
0x2b7: {  	v15 =	vld [tilespmem:$0x10C00]  }
0x2b8: {  	v16 =	vld [tilespmem:$0x10E00]  }
0x2b9: {  	v17 =	vld [tilespmem:$0x11000]  }
0x2ba: {  	v18 =	vld [tilespmem:$0x11200]  }
0x2bb: {  	v19 =	vld [tilespmem:$0x11400];
	v14 =	vadd.f32 $0.0e+00, v14  }
0x2bc: {  	v20 =	vld [tilespmem:$0x11600];
	v13 =	vadd.f32 $0.0e+00, v13;
	v15 =	vadd.f32 $0.0e+00, v15  }
0x2bd: {  	v21 =	vld [tilespmem:$0x11800];
	v16 =	vadd.f32 $0.0e+00, v16;
	v14 =	vbroadcast v14, $0x0  }
0x2be: {  	v22 =	vld [tilespmem:$0x11A00];
	v17 =	vadd.f32 $0.0e+00, v17;
	v13 =	vnsel vm0, $0xFF800000, v13;
	v15 =	vbroadcast v15, $0x0  }
0x2bf: {  	v13 =	vsel vm4, v13, v14;
	v14 =	vbroadcast v16, $0x0;
	v16 =	vadd.f32 $0.0e+00, v18  }
0x2c0: {  	v13 =	vsel vm5, v13, v15;
	v15 =	vbroadcast v17, $0x0;
	v17 =	vadd.f32 $0.0e+00, v19  }
0x2c1: {  	v13 =	vsel vm6, v13, v14;
	v14 =	vbroadcast v16, $0x0;
	v16 =	vadd.f32 $0.0e+00, v20  }
0x2c2: {  	v13 =	vsel vm7, v13, v15;
	v15 =	vbroadcast v17, $0x0;
	v17 =	vadd.f32 $0.0e+00, v21  }
0x2c3: {  	v13 =	vsel vm8, v13, v14;
	v14 =	vbroadcast v16, $0x0;
	v16 =	vadd.f32 $0.0e+00, v22  }
0x2c4: {  	v13 =	vsel vm9, v13, v15;
	v15 =	vbroadcast v17, $0x0  }
0x2c5: {  	v13 =	vsel vm10, v13, v14;
	v14 =	vbroadcast v16, $0x0  }
0x2c6: {  	v13 =	vsel vm11, v13, v15  }
0x2c7: {  	v13 =	vsel vm12, v13, v14  }
0x2c8: {  	v14 =	vperm.xlane v13, v6;
	_ =	sdelay $0x1  }
0x2c9: {  	v14 =	vmax.f32 v13, v14  }
0x2ca: {  	v15 =	vperm.xlane v14, v7;
	_ =	sdelay $0x1  }
0x2cb: {  	v14 =	vmax.f32 v14, v15  }
0x2cc: {  	v15 =	vperm.xlane v14, v8;
	_ =	sdelay $0x1  }
0x2cd: {  	v14 =	vmax.f32 v14, v15  }
0x2ce: {  	v15 =	vperm.xlane v14, v3;
	_ =	sdelay $0x1  }
0x2cf: {  	v14 =	vmax.f32 v14, v15  }
0x2d0: {  	vm13 =	veq.f32 v13, v14  }
0x2d1: {  	v15 =	vnsel vm13, $0x10, v4  }
0x2d2: {  	v16 =	vperm.xlane v15, v6;
	_ =	sdelay $0x1  }
0x2d3: {  	vm13 =	vlt.s32 v15, v16  }
0x2d4: {  	v15 =	vsel vm13, v15, v16  }
0x2d5: {  	v16 =	vperm.xlane v15, v7;
	_ =	sdelay $0x1  }
0x2d6: {  	vm13 =	vlt.s32 v15, v16  }
0x2d7: {  	v15 =	vsel vm13, v15, v16  }
0x2d8: {  	v16 =	vperm.xlane v15, v8;
	_ =	sdelay $0x1  }
0x2d9: {  	vm13 =	vlt.s32 v15, v16  }
0x2da: {  	v15 =	vsel vm13, v15, v16  }
0x2db: {  	v16 =	vperm.xlane v15, v3;
	_ =	sdelay $0x1  }
0x2dc: {  	vm13 =	vlt.s32 v15, v16  }
0x2dd: {  	v15 =	vsel vm13, v15, v16  }
0x2de: {  	v16 =	vbroadcast v15, $0x0;
	_ =	sdelay $0x1  }
0x2df: {  	v17 =	vimm.s32 $0x0;
	vm13 =	veq.s32 v16, v4  }
0x2e0: {  	v56 =	vnsel vm13, $0x0, v17  }
0x2e1: {  	v57 =	vperm.xlane v56, v6;
	_ =	sdelay $0x1  }
0x2e2: {  	v18 =	vadd.s32 v57, v56  }
0x2e3: {  	v19 =	vperm.xlane v18, v7;
	_ =	sdelay $0x1  }
0x2e4: {  	v18 =	vadd.s32 v19, v18  }
0x2e5: {  	v19 =	vperm.xlane v18, v8;
	_ =	sdelay $0x1  }
0x2e6: {  	v18 =	vadd.s32 v19, v18  }
0x2e7: {  	v19 =	vperm.xlane v18, v3;
	_ =	sdelay $0x1  }
0x2e8: {  	(v2sf) =	vpush v15, $0x0;
	v15 =	vadd.s32 v19, v18  }
0x2e9: {  	(v2sf) =	vpush v15, $0x0;
	_ =	sdelay $0xd  }
0x2ea: {  	s20 =	spop (v2sf)  }
0x2eb: {  	s12 =	sshll.u32 s20, $0x9;
	s14 =	spop (v2sf)  }
0x2ec: {  	s12 =	sadd.s32 s12, s14;
	s14 =	sand.u32 $0xF, s14  }
0x2ed: {  	s18 =	sshra.s32 s12, $0x1F;
	p3 =	slt.s32 s12, $0x1;
	p4 =	sne.s32 s14, $0x0  }
0x2ee: {  	s21 =	sshrl.u32 s18, $0x1C;
	p3 =	por !p3, !p4  }
0x2ef: {  	s18 =	simm.s32 $0x1;
	s14 =	sadd.s32 s21, s12;
	p3 =	por !p3, !p3  }
0x2f0: {  	s17 =	sand.u32 $0x1F0, s11;
	s14 =	sshrl.u32 s14, $0x4;
	s18 =	simm.s32 @!p3 $0x0  }
0x2f1: {  	v15 =	vld [tilespmem:s17+$0x13800];
	s14 =	ssub.s32 s14, s18  }
0x2f2: {  	v58 =	vld [tilespmem:s17+$0x13400];
	s14 =	sshll.u32 s14, $0x4  }
0x2f3: {  	s11 =	sand.u32 $0xF, s11;
	v59 =	vld [tilespmem:s14+$0x11C00]  }
0x2f4: {  	v60 =	vmov s11  }
0x2f5: {  	vm14 =	veq.s32 v60, v4;
	s22 =	sadd.s32 $0x1, s12;
	p3 =	slt.u32 s12, $0x7FFFFFFF;
	s18 =	simm.s32 $0x1  }
0x2f6: {  	v15 =	vsel vm14, v16, v15;
	s19 =	sshra.s32 s22, $0x1F;
	s18 =	simm.s32 @!p3 $0x0;
	s12 =	ssub.s32 s12, s14  }
0x2f7: {  	v61 =	vld [tilespmem:s17+$0x13600];
	v14 =	vsel vm14, v14, v58;
	s23 =	sand.u32 $0xF, s22;
	[tilespmem:s17+$0x13800] =	vst v15;
	s18 =	sadd.s32 s18, s19;
	v15 =	vmov s12  }
0x2f8: {  	p5 =	sne.s32 s23, $0x0;
	[tilespmem:s17+$0x13400] =	vst v14;
	p6 =	sne.s32 s18, $0x1;
	v14 =	vperm.xlane v59, v15;
	v15 =	vld [tilespmem:s17+$0x13A00]  }
0x2f9: {  	v16 =	vld [tilespmem:s17+$0x13C00];
	s31 =	sshrl.u32 s19, $0x1C;
	p3 =	por !p5, !p6  }
0x2fa: {  	s14 =	simm.s32 $0x1;
	s12 =	sadd.s32 s31, s22;
	p3 =	por !p3, !p3;
	v62 =	vshrl.u32 v14, $0x9  }
0x2fb: {  	s12 =	sshrl.u32 s12, $0x4;
	s14 =	simm.s32 @!p3 $0x0;
	v19 =	vand.u32 $0x1FF, v14;
	v18 =	vcvt.s32.f32 v62  }
0x2fc: {  	s12 =	ssub.s32 s12, s14;
	v14 =	vsel vm14, v14, v61;
	v19 =	vcvt.s32.f32 v19  }
0x2fd: {  	v63 =	vsel vm13, $0x1, v5;
	s12 =	sshll.u32 s12, $0x4;
	[tilespmem:s17+$0x13600] =	vst v14;
	v18 =	vsel vm14, v18, v15  }
0x2fe: {  	s14 =	simm.s32 $0x1;
	s18 =	ssub.s32 s22, s12;
	v14 =	vadd.s32 v63, v17;
	v15 =	vsel vm14, v19, v16;
	[tilespmem:s17+$0x13A00] =	vst v18  }
.LBB2_22:
0x2ff: {  	p3 =	sne.s32 s14, $0x1F3;
	[tilespmem:s17+$0x13C00] =	vst v15;
	s11 =	smov.u32 s14;
	s14 =	sadd.s32 $0x1, s14  }
0x300: {  	v15 =	vld [tilespmem:s12+$0x10800];
	_ =	sdelay $0x3  }
0x301: {  	v16 =	vmov s18  }
0x302: {  	v15 =	vperm.xlane v15, v16;
	_ =	sdelay $0x1  }
0x303: {  	v13 =	vsel vm13, v15, v13  }
0x304: {  	v15 =	vperm.xlane v13, v6;
	_ =	sdelay $0x1  }
0x305: {  	v15 =	vmax.f32 v13, v15  }
0x306: {  	v16 =	vperm.xlane v15, v7;
	_ =	sdelay $0x1  }
0x307: {  	v15 =	vmax.f32 v15, v16  }
0x308: {  	v16 =	vperm.xlane v15, v8;
	_ =	sdelay $0x1  }
0x309: {  	v15 =	vmax.f32 v15, v16  }
0x30a: {  	v16 =	vperm.xlane v15, v3;
	_ =	sdelay $0x1  }
0x30b: {  	v15 =	vmax.f32 v15, v16  }
0x30c: {  	vm13 =	veq.f32 v13, v15  }
0x30d: {  	v16 =	vnsel vm13, $0x10, v4  }
0x30e: {  	v17 =	vperm.xlane v16, v6;
	_ =	sdelay $0x1  }
0x30f: {  	vm13 =	vlt.s32 v16, v17  }
0x310: {  	v16 =	vsel vm13, v16, v17  }
0x311: {  	v17 =	vperm.xlane v16, v7;
	_ =	sdelay $0x1  }
0x312: {  	vm13 =	vlt.s32 v16, v17  }
0x313: {  	v16 =	vsel vm13, v16, v17  }
0x314: {  	v17 =	vperm.xlane v16, v8;
	_ =	sdelay $0x1  }
0x315: {  	vm13 =	vlt.s32 v16, v17  }
0x316: {  	v16 =	vsel vm13, v16, v17  }
0x317: {  	v17 =	vperm.xlane v16, v3;
	_ =	sdelay $0x1  }
0x318: {  	vm13 =	vlt.s32 v16, v17  }
0x319: {  	v16 =	vsel vm13, v16, v17  }
0x31a: {  	v17 =	vbroadcast v16, $0x0;
	_ =	sdelay $0x1  }
0x31b: {  	vm13 =	veq.s32 v17, v4  }
0x31c: {  	v18 =	vnsel vm13, $0x0, v14;
	v19 =	vsel vm13, $0x1, v5  }
0x31d: {  	v20 =	vperm.xlane v18, v6;
	v14 =	vadd.s32 v19, v14;
	_ =	sdelay $0x1  }
0x31e: {  	v18 =	vadd.s32 v20, v18  }
0x31f: {  	v19 =	vperm.xlane v18, v7;
	_ =	sdelay $0x1  }
0x320: {  	v18 =	vadd.s32 v19, v18;
	(v2sf) =	vpush v16, $0x0  }
0x321: {  	v16 =	vperm.xlane v18, v8;
	_ =	sdelay $0x1  }
0x322: {  	v16 =	vadd.s32 v16, v18  }
0x323: {  	v18 =	vperm.xlane v16, v3;
	_ =	sdelay $0x1  }
0x324: {  	v16 =	vadd.s32 v18, v16  }
0x325: {  	(v2sf) =	vpush v16, $0x0;
	_ =	sdelay $0x7  }
0x326: {  	s12 =	spop (v2sf)  }
0x327: {  	s12 =	sshll.u32 s12, $0x9;
	_ =	sdelay $0x5  }
0x328: {  	s18 =	sand.u32 $0xF, s11;
	s17 =	spop (v2sf)  }
0x329: {  	s12 =	sadd.s32 s12, s17;
	s19 =	sand.u32 $0xF, s17;
	s17 =	sand.u32 $0x1F0, s11  }
0x32a: {  	s11 =	sshra.s32 s12, $0x1F;
	p4 =	slt.s32 s12, $0x1;
	p5 =	sne.s32 s19, $0x0  }
0x32b: {  	s21 =	simm.s32 $0x1;
	s11 =	sshrl.u32 s11, $0x1C;
	p4 =	por !p4, !p5  }
0x32c: {  	s19 =	sadd.s32 $0x1, s12;
	s11 =	sadd.s32 s11, s12;
	p4 =	por !p4, !p4  }
0x32d: {  	s20 =	sshra.s32 s19, $0x1F;
	s11 =	sshrl.u32 s11, $0x4;
	s21 =	simm.s32 @!p4 $0x0  }
0x32e: {  	v16 =	vld [tilespmem:s17+$0x13800];
	p4 =	slt.u32 s12, $0x7FFFFFFF;
	s11 =	ssub.s32 s11, s21;
	s21 =	simm.s32 $0x1  }
0x32f: {  	s22 =	sand.u32 $0xF, s19;
	v18 =	vld [tilespmem:s17+$0x13400];
	s21 =	simm.s32 @!p4 $0x0  }
0x330: {  	s11 =	sshll.u32 s11, $0x4;
	p4 =	sne.s32 s22, $0x0;
	s21 =	sadd.s32 s21, s20  }
0x331: {  	v20 =	vmov s18;
	v19 =	vld [tilespmem:s11+$0x11C00];
	s11 =	ssub.s32 s12, s11;
	s12 =	sshrl.u32 s20, $0x1C;
	p5 =	sne.s32 s21, $0x1  }
0x332: {  	vm14 =	veq.s32 v20, v4;
	s12 =	sadd.s32 s12, s19;
	p4 =	por !p4, !p5  }
0x333: {  	s18 =	simm.s32 $0x1;
	v16 =	vsel vm14, v17, v16;
	v20 =	vld [tilespmem:s17+$0x13600];
	p4 =	por !p4, !p4  }
0x334: {  	v15 =	vsel vm14, v15, v18;
	s12 =	sshrl.u32 s12, $0x4;
	[tilespmem:s17+$0x13800] =	vst v16;
	s18 =	simm.s32 @!p4 $0x0  }
0x335: {  	v16 =	vmov s11;
	[tilespmem:s17+$0x13400] =	vst v15;
	v15 =	vld [tilespmem:s17+$0x13C00];
	s11 =	ssub.s32 s12, s18  }
0x336: {  	v16 =	vperm.xlane v19, v16;
	v17 =	vld [tilespmem:s17+$0x13A00];
	s12 =	sshll.u32 s11, $0x4  }
0x337: {  	s18 =	ssub.s32 s19, s12  }
.Ltmp13:
0x338: {  	v18 =	vsel vm14, v16, v20;
	v19 =	vshrl.u32 v16, $0x9;
	v16 =	vand.u32 $0x1FF, v16;
	(pc) =	sbr.rel @p3 .LBB2_22-.Ltmp13, $3  }
0x339: {  	[tilespmem:s17+$0x13600] =	vst v18;
	v18 =	vcvt.s32.f32 v19;
	v16 =	vcvt.s32.f32 v16;
	_ =	sdelay $0x1  }
0x33a: {  	v17 =	vsel vm14, v18, v17;
	v15 =	vsel vm14, v16, v15  }
0x33b: {  	[tilespmem:s17+$0x13A00] =	vst v17  }
0x33c: {  	[tilespmem:s17+$0x13C00] =	vst v15;
	s11 =	rddreg [dreg:$0x10];
	s12 =	simm.s32 $0x13400  }
0x33d: {  	[hbm4b:s11+s1] =	stream.linear.scatter [tilespmem:s12], [sflag:$0x1], $0x200, $0x38;
	[tilespmem:$0x13E00] =	vst v63  }
0x33e: {  	_ =	swait.ge [sflag:s25], $0x200  }
0x33f: {  	[sflag:s25] =	ssyncset.done $0x0  }
0x340: {  	s18 =	simm.s32 $0x13600;
	s17 =	rddreg [dreg:$0xa];
	[sflag:s25] =	ssyncadd.s32 $0xFFFFFE00  }
0x341: {  	[hbm4b:s17+s1] =	stream.linear.scatter [tilespmem:s18], [sflag:$0x1], $0x200, $0x38;
	[tilespmem:$0x13E00] =	vst v63  }
0x342: {  	_ =	swait.ge [sflag:s25], $0x200  }
0x343: {  	[sflag:s25] =	ssyncset.done $0x0  }
0x344: {  	s20 =	simm.s32 $0x13800;
	s19 =	rddreg [dreg:$0xb];
	[sflag:s25] =	ssyncadd.s32 $0xFFFFFE00  }
0x345: {  	[hbm4b:s19+s1] =	stream.linear.scatter [tilespmem:s20], [sflag:$0x1], $0x200, $0x38;
	[tilespmem:$0x13E00] =	vst v63  }
0x346: {  	_ =	swait.ge [sflag:s25], $0x200  }
0x347: {  	[sflag:s25] =	ssyncset.done $0x0  }
0x348: {  	s22 =	simm.s32 $0x13A00;
	s21 =	rddreg [dreg:$0xc];
	[sflag:s25] =	ssyncadd.s32 $0xFFFFFE00  }
0x349: {  	[hbm4b:s21+s1] =	stream.linear.scatter [tilespmem:s22], [sflag:$0x1], $0x200, $0x38;
	[tilespmem:$0x13E00] =	vst v63  }
0x34a: {  	_ =	swait.ge [sflag:s25], $0x200  }
0x34b: {  	s31 =	simm.s32 $0x13C00;
	[sflag:s25] =	ssyncset.done $0x0  }
.Ltmp14:
0x34c: {  	s23 =	rddreg [dreg:$0xd];
	[sflag:s25] =	ssyncadd.s32 $0xFFFFFE00;
	(pc) =	sbr.rel .LBB2_24-.Ltmp14, $4  }
0x34d: {  	[hbm4b:s23+s1] =	stream.linear.scatter [tilespmem:s31], [sflag:$0x1], $0x200, $0x38;
	[tilespmem:$0x13E00] =	vst v63  }
0x34e: {  	_ =	swait.ge [sflag:s25], $0x200  }
0x34f: {  	[sflag:s25] =	ssyncset.done $0x0  }
0x350: {  	[sflag:s25] =	ssyncadd.s32 $0xFFFFFE00  }
.LBB2_25:
0x351: {  	_ =	sfence.sel $0x180000  }
0x352: {  	[bflag:$0x0] =	sbarrier.arrive $0xFFFF  }
0x353: {  	_ =	strace $0x9000004A  }
0x354: {  	[bflag:$0x2] =	sbarrier.arrive $0xFFFF  }
0x355: {  	p0 =	sne.s32 s2, $0x0;
	s0 =	rddreg [dreg:$0x5]  }
0x356: {  	s0 =	sadd.s32 @!p0 $0x100000, s0  }
0x357: {  	[sflag:s0] =	ssyncadd.tile.s32 @!p0 $0x1;
	_ =	shalt  }
.Lfunc_end2:
_tile_overlayer_lowered:
.L_overlay_start_2:
0x358: {  	(tag) =	ssettag $0x2  }
0x359: {  	s0 =	rddreg [dreg:$0x0];
	s2 =	stileid.u32  }
0x35a: {  	s1 =	rddreg [dreg:$0x1];
	p0 =	sne.s32 s2, $0x0  }
0x35b: {  	s3 =	rddreg [dreg:$0x2];
	[bflag:$0x3] =	sbarrier.arrive $0xFFFF;
	s2 =	simm.s32 @!p0 $0x1C01  }
0x35c: {  	[timem:s3], [sflag:s2] =	dma.local @!p0 [hbm:s0], s1  }
0x35d: {  	s0 =	simm.s32 @!p0 $0x1  }
0x35e: {  	_ =	swait.ge @!p0 [sflag:s0], s1  }
0x35f: {  	s1 =	ssub.s32 @!p0 $0x0, s1;
	[sflag:s0] =	ssyncset.done @!p0 $0x0  }
0x360: {  	[sflag:s0] =	ssyncadd.s32 @!p0 s1  }
0x361: {  	[bflag:$0x3] =	sbarrier.arrive $0xFFFF  }
0x362: {  	_ =	shalt  }

// kernel: sparse-core-data-format-call.cloned.1.call-start
scs
called_computation_lowered:
.L_overlay_start_0:
0x0: {  	s1 =	sld [smem:$0x3FD9]  }
0x1: {  	s2 =	sld [smem:$0x3FFE];
	_ =	sdelay $0x1  }
0x2: {  	s3 =	srdreg.scid  }
0x3: {  	s0 =	sand.u32 $0x1, s3  }
0x4: {  	s17 =	sshll.u32 s0, $0xA;
	s1 =	sadd.s32 s2, s1  }
0x5: {  	s1 =	sadd.s32 s1, s17  }
0x6: {  	[smem:$0x3FC7] =	sst s1  }
0x7: {  	_ = 	snop  }
0x8: {  	(tm) =	ssettm $0x1  }
0x9: {  	s18 =	sld [smem:$0x3FFB];
	_ =	sdelay $0x3  }
0xa: {  	_ =	strace s18  }
0xb: {  	s1 =	sld [smem:$0x3FFC];
	_ =	sdelay $0x3  }
0xc: {  	_ =	strace s1  }
0xd: {  	s1 =	sld [smem:$0x3FFD];
	_ =	sdelay $0x3  }
0xe: {  	_ =	strace s1  }
0xf: {  	_ =	strace $0x8FFFFFFF  }
0x10: {  	s19 =	sld [smem:$0x3FDB];
	_ =	sdelay $0x1  }
0x11: {  	s20 =	simm.s32 $_scs_section_size  }
0x12: {  	s4 =	simm.s32 $_size__tile_overlayer_lowered;
	s5 =	simm.s32 $_tile_overlayer_lowered  }
0x13: {  	s23 =	simm.s32 $0x1BFF;
	s22 =	sshll.u32 s5, $0x1;
	s1 =	sadd.s32 s20, s19  }
0x14: {  	s6 =	simm.s32 $0x0;
	s21 =	sshll.u32 s4, $0x1;
	s4 =	sadd.s32 s22, s1  }
0x15: {  	[timem:s6], [sflag:s23] =	dma.local [hbm:s4], s21  }
0x16: {  	_ =	swait.ge [sflag:s23], s21  }
0x17: {  	s2 =	ssub.s32 $0x0, s21;
	[sflag:s23] =	ssyncset.done $0x0  }
0x18: {  	[sflag:s23] =	ssyncadd.s32 s2;
	_ =	sdelay $0x1  }
0x19: {  	s24 =	simm.s32 $0x1B8B  }
0x1a: {  	_ =	swait.ge [sflag:s24], $0x1  }
0x1b: {  	[sflag:s24] =	ssyncset.done $0x0  }
0x1c: {  	s26 =	simm.s32 $0x1B8E;
	s25 =	sld [smem:$0x3FFE];
	[sflag:s24] =	ssyncadd.s32 $0xFFFFFFFF  }
0x1d: {  	s27 =	simm.s32 $execute0_lowered;
	[smem:$0x3FD2] =	sst s26  }
0x1e: {  	s4 =	sshll.u32 s27, $0x1;
	_ =	strace $0x80000046;
	[dreg:$0x1] =	wrdreg $0xFFFFFFFF  }
0x1f: {  	s28 =	simm.s32 $_size_execute0_lowered;
	s1 =	sadd.s32 s1, s4;
	[dreg:$0x0] =	wrdreg $0x0  }
0x20: {  	s4 =	sshll.u32 s28, $0x1;
	[dreg:$0x2] =	wrdreg s1  }
0x21: {  	[dreg:$0x3] =	wrdreg s4  }
0x22: {  	[dreg:$0x4] =	wrdreg $0xC0  }
0x23: {  	_ =	task [dreg:s6], $0x5FFFF  }
0x24: {  	[dreg:$0x1] =	wrdreg $0xFFFFFFFF  }
0x25: {  	[dreg:$0x0] =	wrdreg $0x60  }
0x26: {  	[dreg:$0x2] =	wrdreg s25  }
0x27: {  	[dreg:$0x3] =	wrdreg $0x9  }
0x28: {  	_ =	task.clear_ibuf [dreg:s6], $0x4FFFF;
	_ =	strace $0x90000046  }
0x29: {  	s29 =	simm.s32 $0x9;
	_ =	strace $0x80000048  }
0x2a: {  	_ =	swait.ge [sflag:s29], $0x1  }
0x2b: {  	[sflag:s29] =	ssyncadd.s32 $0xFFFFFFFF  }
0x2c: {  	_ =	strace $0x90000048  }
0x2d: {  	_ =	sfence  }
0x2e: {  	s30 =	sld [smem:$0x0];
	_ =	sdelay $0x2  }
0x2f: {  	s31 =	sshll.u32 s3, $0xD;
	s3 =	sshrl.u32 s3, $0x2  }
0x30: {  	s2 =	sand.u32 $0x4000, s31;
	s1 =	sadd.s32 s3, s30  }
0x31: {  	s0 =	sor.u32 s2, s0;
	s1 =	sshll.u32 s1, $0x11  }
0x32: {  	s0 =	sor.u32 s1, s0  }
0x33: {  	s0 =	sadd.s32 $0x8F2B, s0  }
0x34: {  	[sflag:s0] =	ssyncadd.remote.s32 $0x1  }
0x35: {  	_ =	sfence.sel $0xFFFF  }
0x36: {  	[dreg:$0x0] =	wrdreg $0xFFFFFFFF;
	(pc) =	sbr.abs _section_cstart, $3  }
0x37: {  	[dreg:$0x1] =	wrdreg $0xFFFFFFFF  }
0x38: {  	_ =	task.clear_ibuf [dreg:s6], $0x2FFFF;
	_ =	strace $0x9FFFFFFF  }
0x39: {  	(tm) =	ssettm $0x7FFFFFFF  }
tec
execute0_lowered:
.L_overlay_start_1:
0x0: {  	(tag) =	ssettag $0x1  }
0x1: {  	s0 =	srdreg.scid  }
0x2: {  	s1 =	sshll.u32 s0, $0x4  }
0x3: {  	s4 =	rddreg [dreg:$0x0];
	s0 =	stileid.u32;
	s1 =	sand.u32 $0x10, s1  }
0x4: {  	s7 =	simm.s32 $0x1;
	s8 =	simm.s32 $0x2;
	s1 =	sor.u32 s0, s1  }
0x5: {  	s9 =	simm.s32 $0x0;
	s12 =	simm.s32 $0x0;
	s2 =	sshll.u32 s1, $0x2  }
0x6: {  	s11 =	simm.s32 $0x0;
	s3 =	sadd.s32 $0xC00, s4;
	s6 =	ssub.s32 $0xA00, s2  }
.Ltmp0:
0x7: {  	s4 =	sadd.s32 $0x140C00, s4;
	s5 =	sand.u32 $0x7C, s6;
	(pc) =	sbr.rel .LBB1_1-.Ltmp0, $4  }
0x8: {  	s1 =	rddreg [dreg:$0x1];
	_ =	strace $0x80000047;
	p0 =	sne.s32 s5, $0x0  }
0x9: {  	s6 =	sshrl.u32 s6, $0x7;
	s5 =	simm.s32 $0x1;
	s7 =	simm.s32 @!p0 $0x0  }
0xa: {  	s10 =	smov.u32 s2;
	[sflag:s5] =	ssyncpa.u1 $0x0;
	s6 =	sadd.s32 s7, s6  }
0xb: {  	[sflag:s8] =	ssyncpa.u1 $0x0;
	s8 =	simm.s32 $0x0;
	s7 =	sadd.s32 $0x1, s6  }
.LBB1_9:
0xc: {  	s14 =	sadd.s32 $0x80, s10  }
0xd: {  	p1 =	sgt.s32 s14, $0x9FF  }
0xe: {  	s14 =	smov.u32 @p1 s2;
	p1 =	sne.s32 s11, s7  }
.Ltmp1:
0xf: {  	p0 =	slt.u32 s11, $0x2;
	(pc) =	sbr.rel @!p1 .LBB1_10-.Ltmp1, $4  }
0x10: {  	s13 =	simm.s32 @!p0 $0x2  }
0x11: {  	s15 =	sadd.s32 $0x1, s11;
	_ =	swait.ge @!p0 [sflag:s13], $0x4000  }
0x12: {  	s12 =	smov.u32 s10;
	s9 =	sadd.s32 $0x4000, s9;
	[sflag:s13] =	ssyncset.done @!p0 $0x0  }
0x13: {  	s11 =	smov.u32 s15;
	s10 =	smov.u32 s14;
	[sflag:s13] =	ssyncadd.s32 @!p0 $0xFFFFC000  }
.LBB1_1:
0x14: {  	p0 =	sge.u32 s11, s6  }
0x15: {  	s13 =	sxor.u32 @!p0 $0xFFFFFFFF, s11  }
0x16: {  	s31 =	sadd.s32 $0xFFFFFFFF, s11;
	s14 =	sshll.u32 @!p0 s10, $0x9;
	s13 =	sshll.u32 @!p0 s13, $0xE  }
0x17: {  	s15 =	simm.s32 @!p0 $0x0;
	s14 =	sadd.s32 @!p0 s3, s14;
	s13 =	sand.u32 @!p0 $0x4000, s13  }
0x18: {  	[tilespmem:s13], [sflag:$0x1] =	stream.linear.gather @!p0 [hbm4b:s14+s15], $0x4000, $0x38;
	[tilespmem:$0x10000] =	vst v63  }
0x19: {  	p0 =	sge.u32 s31, s6  }
.Ltmp2:
0x1a: {  	_ = 	snop;
	(pc) =	sbr.rel @p0 .LBB1_9-.Ltmp2, $1  }
0x1b: {  	_ =	sdelay $0x3  }
0x1c: {  	s14 =	sand.u32 $0x4000, s9  }
0x1d: {  	_ =	swait.ge [sflag:s5], $0x4000;
	s15 =	sshll.u32 s11, $0xE;
	s16 =	simm.s32 $0x0  }
0x1e: {  	s13 =	sor.u32 $0x40, s14;
	[sflag:s5] =	ssyncset.done $0x0;
	s15 =	sand.u32 $0x4000, s15  }
0x1f: {  	s14 =	sor.u32 $0x8040, s14;
	[sflag:s5] =	ssyncadd.s32 $0xFFFFC000;
	s15 =	sor.u32 $0x8000, s15  }
.LBB1_3:
0x20: {  	s17 =	smov.u32 s14;
	s18 =	smov.u32 s13;
	s19 =	simm.s32 $0x0  }
.LBB1_4:
0x21: {  	v0 =	vmov s17;
	v2 =	vld [tilespmem:s18+$0x30]  }
0x22: {  	v4 =	vld [tilespmem:s18+$0xFFFFFFD0]  }
0x23: {  	v6 =	vld [tilespmem:s18+$0xFFFFFFE0]  }
0x24: {  	v7 =	vld [tilespmem:s18+$0xFFFFFFF0]  }
0x25: {  	s20 =	simm.s32 $0x0;
	v1 =	vld [tilespmem:s18+$0x0]  }
0x26: {  	v3 =	vld [tilespmem:s18+$0x10];
	[tilespmem:v0+s20+$0x30 ss:$0x1] =	vst.idx.msk $0xffff, v2  }
0x27: {  	v5 =	vld [tilespmem:s18+$0x20];
	[tilespmem:v0+s20+$0xFFFFFFD0 ss:$0x1] =	vst.idx.msk $0xffff, v4  }
0x28: {  	s21 =	sadd.s32 $0x80, s18;
	v2 =	vld [tilespmem:s18+$0xFFFFFFC0];
	[tilespmem:v0+s20+$0xFFFFFFE0 ss:$0x1] =	vst.idx.msk $0xffff, v6  }
0x29: {  	s22 =	simm.s32 $0x800;
	s23 =	simm.s32 $0x1000;
	v4 =	vld [tilespmem:s21+$0x30];
	[tilespmem:v0+s20+$0xFFFFFFF0 ss:$0x1] =	vst.idx.msk $0xffff, v7  }
.LBB1_5:
0x2a: {  	p0 =	sne.s32 s23, $0x3800;
	v6 =	vld [tilespmem:s21+$0xFFFFFFD0];
	[tilespmem:v0+s20+$0x0 ss:$0x1] =	vst.idx.msk $0xffff, v1  }
0x2b: {  	v7 =	vld [tilespmem:s21+$0xFFFFFFE0];
	[tilespmem:v0+s20+$0x10 ss:$0x1] =	vst.idx.msk $0xffff, v3  }
0x2c: {  	v8 =	vld [tilespmem:s21+$0xFFFFFFF0];
	[tilespmem:v0+s20+$0x20 ss:$0x1] =	vst.idx.msk $0xffff, v5  }
.Ltmp3:
0x2d: {  	v1 =	vld [tilespmem:s21+$0x0];
	[tilespmem:v0+s20+$0xFFFFFFC0 ss:$0x1] =	vst.idx.msk $0xffff, v2;
	s20 =	sshra.s32 s22, $0x2;
	s22 =	smov.u32 s23;
	(pc) =	sbr.rel @p0 .LBB1_5-.Ltmp3, $4  }
0x2e: {  	v3 =	vld [tilespmem:s21+$0x10];
	[tilespmem:v0+s20+$0x30 ss:$0x1] =	vst.idx.msk $0xffff, v4  }
0x2f: {  	[tilespmem:v0+s20+$0xFFFFFFD0 ss:$0x1] =	vst.idx.msk $0xffff, v6;
	v5 =	vld [tilespmem:s21+$0x20]  }
0x30: {  	v2 =	vld [tilespmem:s21+$0xFFFFFFC0];
	[tilespmem:v0+s20+$0xFFFFFFE0 ss:$0x1] =	vst.idx.msk $0xffff, v7;
	s21 =	sadd.s32 $0x80, s21  }
0x31: {  	s23 =	sadd.s32 $0x800, s23;
	v4 =	vld [tilespmem:s21+$0x30];
	[tilespmem:v0+s20+$0xFFFFFFF0 ss:$0x1] =	vst.idx.msk $0xffff, v8  }
0x32: {  	_ =	sdelay $0x3  }
0x33: {  	v6 =	vld [tilespmem:s21+$0xFFFFFFD0];
	[tilespmem:v0+s20+$0x0 ss:$0x1] =	vst.idx.msk $0xffff, v1  }
0x34: {  	v58 =	vld [tilespmem:s21+$0xFFFFFFE0];
	[tilespmem:v0+s20+$0x10 ss:$0x1] =	vst.idx.msk $0xffff, v3  }
0x35: {  	v59 =	vld [tilespmem:s21+$0xFFFFFFF0];
	[tilespmem:v0+s20+$0x20 ss:$0x1] =	vst.idx.msk $0xffff, v5  }
0x36: {  	s22 =	sshra.s32 s22, $0x2;
	v60 =	vld [tilespmem:s21+$0x0];
	[tilespmem:v0+s20+$0xFFFFFFC0 ss:$0x1] =	vst.idx.msk $0xffff, v2  }
0x37: {  	v61 =	vld [tilespmem:s21+$0x10];
	[tilespmem:v0+s22+$0x30 ss:$0x1] =	vst.idx.msk $0xffff, v4  }
0x38: {  	v62 =	vld [tilespmem:s21+$0x20];
	s19 =	sadd.s32 $0x1, s19;
	[tilespmem:v0+s22+$0xFFFFFFD0 ss:$0x1] =	vst.idx.msk $0xffff, v6  }
0x39: {  	v63 =	vld [tilespmem:s21+$0xFFFFFFC0];
	p0 =	sne.s32 s19, $0x4;
	[tilespmem:v0+s22+$0xFFFFFFE0 ss:$0x1] =	vst.idx.msk $0xffff, v58  }
.Ltmp4:
0x3a: {  	[tilespmem:v0+s22+$0xFFFFFFF0 ss:$0x1] =	vst.idx.msk $0xffff, v59;
	(pc) =	sbr.rel @p0 .LBB1_4-.Ltmp4, $4  }
0x3b: {  	[tilespmem:v0+s22+$0x0 ss:$0x1] =	vst.idx.msk $0xffff, v60  }
0x3c: {  	[tilespmem:v0+s22+$0x10 ss:$0x1] =	vst.idx.msk $0xffff, v61  }
0x3d: {  	[tilespmem:v0+s22+$0x20 ss:$0x1] =	vst.idx.msk $0xffff, v62  }
0x3e: {  	s18 =	sadd.s32 $0x400, s18;
	s17 =	sadd.s32 $0x80, s17;
	[tilespmem:v0+s22+$0xFFFFFFC0 ss:$0x1] =	vst.idx.msk $0xffff, v63  }
0x3f: {  	s16 =	sadd.s32 $0x1, s16  }
0x40: {  	p0 =	sne.s32 s16, $0x4  }
.Ltmp5:
0x41: {  	_ = 	snop;
	(pc) =	sbr.rel @p0 .LBB1_3-.Ltmp5, $2  }
0x42: {  	_ =	sdelay $0x2  }
0x43: {  	s13 =	sadd.s32 $0x1000, s13;
	s14 =	sadd.s32 $0x1000, s14  }
.Ltmp6:
0x44: {  	(pc) =	sbr.rel .LBB1_9-.Ltmp6, $4  }
0x45: {  	_ = 	snop  }
0x46: {  	s12 =	sshll.u32 s12, $0x9  }
0x47: {  	s12 =	sadd.s32 s4, s12  }
0x48: {  	[hbm4b:s12+s8] =	stream.linear.scatter [tilespmem:s15], [sflag:$0x2], $0x4000, $0x38;
	[tilespmem:$0x10000] =	vst v63  }
.LBB1_10:
0x49: {  	_ =	sfence.sel $0x180000  }
0x4a: {  	s2 =	simm.s32 $0x1;
	[bflag:$0x0] =	sbarrier.arrive $0xFFFF  }
0x4b: {  	s31 =	simm.s32 $0x2;
	[sflag:s2] =	ssyncpa.u1 $0x1  }
0x4c: {  	[sflag:s31] =	ssyncpa.u1 $0x1  }
0x4d: {  	p0 =	sne.s32 s0, $0x0;
	_ =	strace $0x90000047  }
0x4e: {  	s0 =	sadd.s32 @!p0 $0x100000, s1;
	[bflag:$0x2] =	sbarrier.arrive $0xFFFF  }
0x4f: {  	[sflag:s0] =	ssyncadd.tile.s32 @!p0 $0x1;
	_ =	shalt  }
.Lfunc_end1:
_tile_overlayer_lowered:
.L_overlay_start_2:
0x50: {  	(tag) =	ssettag $0x2  }
0x51: {  	s0 =	rddreg [dreg:$0x0];
	s2 =	stileid.u32  }
0x52: {  	s1 =	rddreg [dreg:$0x1];
	p0 =	sne.s32 s2, $0x0  }
0x53: {  	s3 =	rddreg [dreg:$0x2];
	[bflag:$0x3] =	sbarrier.arrive $0xFFFF;
	s2 =	simm.s32 @!p0 $0x1C01  }
0x54: {  	[timem:s3], [sflag:s2] =	dma.local @!p0 [hbm:s0], s1  }
0x55: {  	s0 =	simm.s32 @!p0 $0x1  }
0x56: {  	_ =	swait.ge @!p0 [sflag:s0], s1  }
0x57: {  	s1 =	ssub.s32 @!p0 $0x0, s1;
	[sflag:s0] =	ssyncset.done @!p0 $0x0  }
0x58: {  	[sflag:s0] =	ssyncadd.s32 @!p0 s1  }
0x59: {  	[bflag:$0x3] =	sbarrier.arrive $0xFFFF  }
0x5a: {  	_ =	shalt  }

</sc_bundles>
